<compile_context>
chip_gen: v7x
topology: tpu7x:2x2x1
jax: 0.10.2.dev20260603
libtpu: 0.0.44.dev20260713+nightly
codegen_flags: <defaults>
</compile_context>

<pallas_src>
import functools
import math

import jax
import jax.numpy as jnp
from jax import lax
from jax.experimental import pallas as pl
from jax.experimental.pallas import tpu as pltpu
from jax.experimental.pallas import tpu_sc as plsc

N = 3200000
S = 100000
EPS = 1e-05
VEL = 1.0 / (2.0 * math.pi)
NC = 2
NS = 16
NW = NC * NS

f32 = jnp.float32
i32 = jnp.int32


def _sqrt(x):
    i = lax.bitcast_convert_type(x, i32)
    y = lax.bitcast_convert_type((i >> 1) + 0x1FBD1DF5, f32)
    y = 0.5 * (y + x / y)
    y = 0.5 * (y + x / y)
    y = 0.5 * (y + x / y)
    return y


def _wrap(x):
    m = lax.rem(x + 0.5, 1.0)
    m = jnp.where(m < 0.0, m + 1.0, m)
    return m - 0.5


def _make(n, s, t_tile, interpret=False):
    chunk = n // NW
    nt = chunk // t_tile
    flat = 3 * t_tile
    s8 = s * 8
    eb = s8 // NS
    assert n == NW * chunk and chunk == nt * t_tile
    assert t_tile % 16 == 0 and s8 % NS == 0 and eb % 8 == 0
    mesh = plsc.VectorSubcoreMesh(
        core_axis_name="c", subcore_axis_name="s",
        num_cores=NC, num_subcores=NS)
    cparams = pltpu.CompilerParams(use_tc_tiling_on_sc=False)

    def _wid():
        return lax.axis_index("s") * NC + lax.axis_index("c")

    def _zero_table(z_hbm, table):
        sid = lax.axis_index("s")
        pltpu.sync_copy(z_hbm.at[pl.ds(pl.multiple_of(sid * eb, 8), eb)],
                        table.at[pl.ds(pl.multiple_of(sid * eb, 8), eb)])

    def _export_table(table, out):
        sid = lax.axis_index("s")
        cid = lax.axis_index("c")
        pltpu.sync_copy(table.at[pl.ds(pl.multiple_of(sid * eb, 8), eb)],
                        out.at[cid, pl.ds(pl.multiple_of(sid * eb, 8), eb)])

    L = 128
    rb = 200
    nr = n // L
    assert n % L == 0 and nr % rb == 0

    def _tc0_body(ix, tt, sl_o, slc_o, t3_o):
        base = ix[...] * 8
        rep = jnp.reshape(jnp.broadcast_to(base[..., None], (rb, L, 3)),
                          (rb, L * 3))
        c3 = lax.broadcasted_iota(i32, (rb, L * 3), 1) % 3
        sl_o[...] = rep + c3
        slc_o[...] = base + 6
        t3_o[...] = jnp.reshape(
            jnp.broadcast_to(tt[...][..., None], (rb, L, 3)), (rb, L * 3))

    tc0 = pl.pallas_call(
        _tc0_body,
        out_shape=(jax.ShapeDtypeStruct((nr, L * 3), i32),
                   jax.ShapeDtypeStruct((nr, L), i32),
                   jax.ShapeDtypeStruct((nr, L * 3), f32)),
        grid=(nr // rb,),
        in_specs=[pl.BlockSpec((rb, L), lambda i: (i, 0)),
                  pl.BlockSpec((rb, L), lambda i: (i, 0))],
        out_specs=(pl.BlockSpec((rb, L * 3), lambda i: (i, 0)),
                   pl.BlockSpec((rb, L), lambda i: (i, 0)),
                   pl.BlockSpec((rb, L * 3), lambda i: (i, 0))),
        interpret=interpret,
    )

    @functools.partial(
        pl.kernel,
        out_type=jax.ShapeDtypeStruct((NC, s8), f32),
        mesh=mesh, interpret=interpret, compiler_params=cparams,
        scratch_types=[
            pltpu.VMEM((flat,), f32),
            pltpu.VMEM((flat,), f32),
            pltpu.VMEM((flat,), i32),
            pltpu.VMEM((flat,), i32),
            pltpu.VMEM((t_tile,), i32),
            pltpu.VMEM((t_tile,), f32),
            pltpu.VMEM_SHARED((s8,), f32),
        ],
    )
    def k1(ev_hbm, er_hbm, sl_hbm, slc_hbm, z_hbm, out_hbm,
           evb, erb, slb, sleb, slcb, ones, table):
        w = _wid()
        _zero_table(z_hbm, table)

        def oinit(i, _):
            ones[pl.ds(i * 16, 16)] = jnp.ones((16,), f32)
            return 0
        lax.fori_loop(0, t_tile // 16, oinit, 0)
        plsc.subcore_barrier()

        def tile(k, _):
            row0 = w * chunk + k * t_tile
            f0 = pl.multiple_of(row0 * 3, 8)
            r0 = pl.multiple_of(row0, 8)
            pltpu.sync_copy(ev_hbm.at[pl.ds(f0, flat)], evb)
            pltpu.sync_copy(er_hbm.at[pl.ds(f0, flat)], erb)
            pltpu.sync_copy(sl_hbm.at[pl.ds(f0, flat)], slb)
            pltpu.sync_copy(slc_hbm.at[pl.ds(r0, t_tile)], slcb)

            def sle_fill(i, _):
                ds = pl.ds(i * 16, 16)
                sleb[ds] = slb[ds] + 3
                return 0
            lax.fori_loop(0, flat // 16, sle_fill, 0)
            pltpu.sync_copy(evb, table.at[slb.at[pl.ds(0, flat)]], add=True)
            pltpu.sync_copy(erb, table.at[sleb.at[pl.ds(0, flat)]], add=True)
            pltpu.sync_copy(ones, table.at[slcb.at[pl.ds(0, t_tile)]],
                            add=True)
            return 0
        lax.fori_loop(0, nt, tile, 0)
        plsc.subcore_barrier()
        _export_table(table, out_hbm)

    bs = 2000
    assert s % bs == 0

    def _k1b_body(p0, p1, mv_o, mr_o):
        x = p0[0] + p1[0]
        cnt = jnp.maximum(x[:, 6:7], 1.0)
        col = lax.broadcasted_iota(i32, (bs, 8), 1)
        mv_o[...] = jnp.where(col < 3, x / cnt, 0.0)
        mr_o[...] = jnp.concatenate(
            [x[:, 3:6] / cnt, jnp.zeros((bs, 5), f32)], axis=1)

    k1b = pl.pallas_call(
        _k1b_body,
        out_shape=(jax.ShapeDtypeStruct((s, 8), f32),
                   jax.ShapeDtypeStruct((s, 8), f32)),
        grid=(s // bs,),
        in_specs=[pl.BlockSpec((1, bs, 8), lambda i: (0, i, 0)),
                  pl.BlockSpec((1, bs, 8), lambda i: (1, i, 0))],
        out_specs=(pl.BlockSpec((bs, 8), lambda i: (i, 0)),
                   pl.BlockSpec((bs, 8), lambda i: (i, 0))),
        interpret=interpret,
    )

    of = jax.ShapeDtypeStruct((3 * n,), f32)

    @functools.partial(
        pl.kernel,
        out_type=(of, of, of, of, of,
                  jax.ShapeDtypeStruct((NC, s8), f32)),
        mesh=mesh, interpret=interpret, compiler_params=cparams,
        scratch_types=[
            pltpu.VMEM((flat,), f32),
            pltpu.VMEM((flat,), f32),
            pltpu.VMEM((flat,), f32),
            pltpu.VMEM((flat,), f32),
            pltpu.VMEM((flat,), f32),
            pltpu.VMEM((flat,), i32),
            pltpu.VMEM((flat,), f32),
            pltpu.VMEM((flat,), f32),
            pltpu.VMEM((flat,), f32),
            pltpu.VMEM((flat,), f32),
            pltpu.VMEM((flat,), f32),
            pltpu.VMEM((flat,), f32),
            pltpu.VMEM((flat,), f32),
            pltpu.VMEM_SHARED((s8,), f32),
            pltpu.SemaphoreType.DMA,
            pltpu.SemaphoreType.DMA,
        ],
    )
    def k2(t3_hbm, f0_hbm, v0_hbm, ev_hbm, er_hbm, sl_hbm, mv_hbm, mr_hbm,
           z_hbm,
           vt_out, evc_out, erc_out, rt_out, fraw_out, fp_out,
           t3b, f0b, v0b, evb, erb, slb, mvb, mrb,
           vtb, evcb, ercb, rtb, frawb, ftable, sem1, sem2):
        w = _wid()
        _zero_table(z_hbm, ftable)
        plsc.subcore_barrier()

        def tile(k, _):
            row0 = w * chunk + k * t_tile
            f0o = pl.multiple_of(row0 * 3, 8)
            pltpu.sync_copy(sl_hbm.at[pl.ds(f0o, flat)], slb)
            pltpu.async_copy(mv_hbm.at[slb.at[pl.ds(0, flat)]], mvb, sem1)
            pltpu.async_copy(mr_hbm.at[slb.at[pl.ds(0, flat)]], mrb, sem2)
            pltpu.sync_copy(t3_hbm.at[pl.ds(f0o, flat)], t3b)
            pltpu.sync_copy(f0_hbm.at[pl.ds(f0o, flat)], f0b)
            pltpu.sync_copy(v0_hbm.at[pl.ds(f0o, flat)], v0b)
            pltpu.sync_copy(ev_hbm.at[pl.ds(f0o, flat)], evb)
            pltpu.sync_copy(er_hbm.at[pl.ds(f0o, flat)], erb)
            pltpu.make_async_copy(mv_hbm.at[slb.at[pl.ds(0, flat)]],
                                  mvb, sem1).wait()
            pltpu.make_async_copy(mr_hbm.at[slb.at[pl.ds(0, flat)]],
                                  mrb, sem2).wait()

            def maing(i, _):
                ds = pl.ds(i * 16, 16)
                tt = t3b[ds] * 2.0
                e = jnp.exp(-tt)
                sv = _sqrt(jnp.maximum(1.0 - e * e, EPS))
                pf = (1.0 - e) / (1.0 + e)
                bv = 2.0 * tt + 8.0 * e / (e + 1.0) - 4.0
                sr = VEL * _sqrt(jnp.maximum(bv, EPS))
                f0 = f0b[ds]
                v0 = v0b[ds]
                evc = VEL * (evb[ds] - mvb[ds])
                vt = e * v0 + sv * evc
                erc = erb[ds] - mrb[ds]
                mu = pf * (vt + v0)
                rt = _wrap(mu + sr * erc)
                fraw = _wrap(_wrap(f0) + rt)
                vtb[ds] = vt
                evcb[ds] = evc
                ercb[ds] = erc
                rtb[ds] = rt
                frawb[ds] = fraw
                return 0
            lax.fori_loop(0, flat // 16, maing, 0)

            pltpu.sync_copy(frawb, ftable.at[slb.at[pl.ds(0, flat)]],
                            add=True)
            pltpu.sync_copy(vtb, vt_out.at[pl.ds(f0o, flat)])
            pltpu.sync_copy(evcb, evc_out.at[pl.ds(f0o, flat)])
            pltpu.sync_copy(ercb, erc_out.at[pl.ds(f0o, flat)])
            pltpu.sync_copy(rtb, rt_out.at[pl.ds(f0o, flat)])
            pltpu.sync_copy(frawb, fraw_out.at[pl.ds(f0o, flat)])
            return 0
        lax.fori_loop(0, nt, tile, 0)
        plsc.subcore_barrier()
        _export_table(ftable, fp_out)

    def _k2b_body(p0, p1, c0, c1, o):
        x = p0[0] + p1[0]
        cnt = jnp.maximum(c0[0][:, 6:7] + c1[0][:, 6:7], 1.0)
        col = lax.broadcasted_iota(i32, (bs, 8), 1)
        o[...] = jnp.where(col < 3, x / cnt, 0.0)

    k2b = pl.pallas_call(
        _k2b_body,
        out_shape=jax.ShapeDtypeStruct((s, 8), f32),
        grid=(s // bs,),
        in_specs=[pl.BlockSpec((1, bs, 8), lambda i: (0, i, 0)),
                  pl.BlockSpec((1, bs, 8), lambda i: (1, i, 0)),
                  pl.BlockSpec((1, bs, 8), lambda i: (0, i, 0)),
                  pl.BlockSpec((1, bs, 8), lambda i: (1, i, 0))],
        out_specs=pl.BlockSpec((bs, 8), lambda i: (i, 0)),
        interpret=interpret,
    )

    @functools.partial(
        pl.kernel,
        out_type=jax.ShapeDtypeStruct((3 * n,), f32),
        mesh=mesh, interpret=interpret, compiler_params=cparams,
        scratch_types=[
            pltpu.VMEM((flat,), f32),
            pltpu.VMEM((flat,), f32),
            pltpu.VMEM((flat,), i32),
            pltpu.VMEM((flat,), f32),
            pltpu.SemaphoreType.DMA,
        ],
    )
    def k3(fraw_hbm, sl_hbm, fm_hbm, out_hbm, frawb, ftb, slb, fmb, sem):
        w = _wid()

        def tile(k, _):
            row0 = w * chunk + k * t_tile
            f0o = pl.multiple_of(row0 * 3, 8)
            pltpu.sync_copy(sl_hbm.at[pl.ds(f0o, flat)], slb)
            pltpu.async_copy(fm_hbm.at[slb.at[pl.ds(0, flat)]], fmb, sem)
            pltpu.sync_copy(fraw_hbm.at[pl.ds(f0o, flat)], frawb)
            pltpu.make_async_copy(fm_hbm.at[slb.at[pl.ds(0, flat)]],
                                  fmb, sem).wait()

            def maing(i, _):
                ds = pl.ds(i * 16, 16)
                ftb[ds] = frawb[ds] - fmb[ds]
                return 0
            lax.fori_loop(0, flat // 16, maing, 0)

            pltpu.sync_copy(ftb, out_hbm.at[pl.ds(f0o, flat)])
            return 0
        lax.fori_loop(0, nt, tile, 0)

    def run(t, f0, index, v0, epsilon_v, epsilon_r):
        idx2 = index.astype(i32).reshape(nr, L)
        t2 = t.reshape(nr, L)
        sl, slc, t3 = tc0(idx2, t2)
        slf = sl.reshape(-1)
        slcf = slc.reshape(-1)
        t3f = t3.reshape(-1)
        f0f = f0.reshape(-1)
        v0f = v0.reshape(-1)
        evf = epsilon_v.reshape(-1)
        erf = epsilon_r.reshape(-1)
        z = jnp.zeros((s8,), f32)
        part = k1(evf, erf, slf, slcf, z)
        mvt, mrt = k1b(part.reshape(NC, s, 8), part.reshape(NC, s, 8))
        vtf, evcf, ercf, rtf, frawf, fpart = k2(
            t3f, f0f, v0f, evf, erf, slf,
            mvt.reshape(-1), mrt.reshape(-1), z)
        fmt = k2b(fpart.reshape(NC, s, 8), fpart.reshape(NC, s, 8),
                  part.reshape(NC, s, 8), part.reshape(NC, s, 8))
        ftf = k3(frawf, slf, fmt.reshape(-1))
        sh = (n, 3)
        return (ftf.reshape(sh), vtf.reshape(sh), evcf.reshape(sh),
                ercf.reshape(sh), rtf.reshape(sh))

    return run


_RUN = None


def kernel(t, f0, index, v0, epsilon_v, epsilon_r):
    global _RUN
    if _RUN is None:
        _RUN = _make(N, S, 2000)
    return _RUN(t, f0, index, v0, epsilon_v, epsilon_r)

# --- scband reference (transcript-rebuilt; emitter-appended) ---
"""Pipeline reference for scband-trivialised-diffusion-dev-27273042330023 (READ-ONLY COPY).

The authoritative reference and input builder live on the scoring server;
editing this copy changes nothing except your own understanding.
"""

import jax, jax.numpy as jnp
import numpy as np
import math

N = 3200000
NUM_SEG = 100000
EPS = 1e-05
TIME_SCALING_T = 2.0
VEL_SCALE = 1.0 / (2.0 * math.pi)


def setup_inputs(seed: int = 0) -> dict:
    key = jax.random.key(seed)
    k1, k2, k3, k4, k5, k6 = jax.random.split(key, 6)
    t = jax.random.uniform(k1, (N,), dtype=jnp.float32)
    f0 = jax.random.normal(k2, (N, 3), dtype=jnp.float32)
    index = jnp.sort(jax.random.randint(k3, (N,), 0, NUM_SEG)).astype(jnp.int64)
    v0 = jax.random.normal(k4, (N, 3), dtype=jnp.float32)
    epsilon_v = jax.random.normal(k5, (N, 3), dtype=jnp.float32)
    epsilon_r = jax.random.normal(k6, (N, 3), dtype=jnp.float32)
    return {"t": t, "f0": f0, "index": index, "v0": v0, "epsilon_v": epsilon_v, "epsilon_r": epsilon_r}


def wrap_displacements(x):
    return jnp.remainder(x + 0.5, 1.0) - 0.5


def scatter_center(x, index):
    # subtract per-segment mean (center each segment at its centroid)
    seg_sum = jax.ops.segment_sum(x, index, num_segments=NUM_SEG)
    counts = jax.ops.segment_sum(jnp.ones((x.shape[0],), dtype=x.dtype), index, num_segments=NUM_SEG)
    counts = jnp.maximum(counts, 1.0)
    seg_mean = seg_sum / counts[:, None]
    return x - seg_mean[index]


def reference(t, f0, index, v0, epsilon_v, epsilon_r):
    # TrivialisedDiffusionDev.forward_sample
    t = TIME_SCALING_T * t
    f0 = wrap_displacements(f0)
    epsilon_v = VEL_SCALE * scatter_center(epsilon_v, index)
    mean_coeff_t = jnp.exp(-t)[:, None]
    sigma_v_base_t = jnp.sqrt(jnp.clip(1.0 - jnp.exp(-2.0 * t), EPS, None))[:, None]
    v_t = mean_coeff_t * v0 + sigma_v_base_t * epsilon_v
    prefactor_t = ((1.0 - jnp.exp(-t)) / (1.0 + jnp.exp(-t)))[:, None]
    mu_r_t = prefactor_t * (v_t + v0)
    base_var = 2.0 * t + 8.0 / (1.0 + jnp.exp(t)) - 4.0
    sigma_r_t = (VEL_SCALE * jnp.sqrt(jnp.clip(base_var, EPS, None)))[:, None]
    epsilon_r = scatter_center(epsilon_r, index)
    r_t = wrap_displacements(mu_r_t + sigma_r_t * epsilon_r)
    f_t = wrap_displacements(f0 + r_t)
    f_t = scatter_center(f_t, index)
    return (f_t, v_t, epsilon_v, epsilon_r, r_t)

if __name__ == "__main__":
    import jax
    _d = setup_inputs()
    print(jax.jit(kernel)(*tuple(_d.values())))

</pallas_src>

<mosaic_0001>
#map = affine_map<(d0, d1) -> (0)>
module attributes {stable_mosaic.version = 14 : i64} {
  func.func @k3(%arg0: i32, %arg1: i32, %arg2: memref<9600000xf32, #tpu.memory_space<hbm>>, %arg3: memref<9600000xi32, #tpu.memory_space<hbm>>, %arg4: memref<800000xf32, #tpu.memory_space<hbm>>, %arg5: memref<9600000xf32, #tpu.memory_space<hbm>>, %arg6: memref<6000xf32, #tpu.memory_space<vmem>>, %arg7: memref<6000xf32, #tpu.memory_space<vmem>>, %arg8: memref<6000xi32, #tpu.memory_space<vmem>>, %arg9: memref<6000xf32, #tpu.memory_space<vmem>>, %arg10: memref<!tpu.dma_semaphore, #tpu.memory_space<semaphore_mem>>) attributes {dimension_semantics = [#tpu.dimension_semantics<core_parallel>, #tpu.dimension_semantics<subcore_parallel>], iteration_bounds = array<i64: 2, 16>, scalar_prefetch = 0 : i64, scratch_operands = 5 : i64, tpu.core_type = #tpu.core_type<sc_vector_subcore>, window_params = [{transform_indices = #map}, {transform_indices = #map}, {transform_indices = #map}, {transform_indices = #map}]} {
    %mul3A = arith.constant 2 : i32
    %mul3A_0 = arith.muli %arg1, %mul3A : i32
    %add3A = arith.addi %mul3A_0, %arg0 : i32
    %scan3A = arith.constant 0 : i32
    %scan3A_1 = arith.constant 0 : i32
    %scan3A_2 = arith.constant 50 : i32
    %scan3A_3 = arith.addi %scan3A_1, %scan3A_2 : i32
    %scan3A_4 = arith.constant 1 : i32
    %scan3A_5 = scf.for %scan3A_7 = %scan3A_1 to %scan3A_3 step %scan3A_4 iter_args(%scan3A_8 = %scan3A) -> (i32)  : i32 {
      %mul3A_9 = arith.constant 100000 : i32
      %mul3A_10 = arith.muli %add3A, %mul3A_9 : i32
      %mul3A_11 = arith.constant 2000 : i32
      %mul3A_12 = arith.muli %scan3A_7, %mul3A_11 : i32
      %add3A_13 = arith.addi %mul3A_10, %mul3A_12 : i32
      %mul3A_14 = arith.constant 3 : i32
      %mul3A_15 = arith.muli %add3A_13, %mul3A_14 : i32
      %multiple_of3A = tpu.assume_multiple %mul3A_15, 8 : i32
      "tpu.region"() ({
        %run_scoped3A = tpu.sem_alloc : memref<!tpu.dma_semaphore, #tpu.memory_space<semaphore_mem>>
        %dma_start3A_30 = tpu.memref_slice %arg3[%multiple_of3A] : memref<9600000xi32, #tpu.memory_space<hbm>> -> memref<6000xi32, #tpu.memory_space<hbm>>
        %dma_start3A_31 = tpu.memref_slice %arg3[%multiple_of3A] : memref<9600000xi32, #tpu.memory_space<hbm>> -> memref<6000xi32, #tpu.memory_space<hbm>>
        tpu.enqueue_dma source(%dma_start3A_31 : memref<6000xi32, #tpu.memory_space<hbm>>) target(%arg8 : memref<6000xi32, #tpu.memory_space<vmem>>) target_semaphore(%run_scoped3A : memref<!tpu.dma_semaphore, #tpu.memory_space<semaphore_mem>>)
        %dma_wait3A_32 = tpu.memref_slice %arg3[%multiple_of3A] : memref<9600000xi32, #tpu.memory_space<hbm>> -> memref<6000xi32, #tpu.memory_space<hbm>>
        %dma_wait3A_33 = tpu.memref_slice %arg3[%multiple_of3A] : memref<9600000xi32, #tpu.memory_space<hbm>> -> memref<6000xi32, #tpu.memory_space<hbm>>
        tpu.wait_dma2 semaphore(%run_scoped3A : memref<!tpu.dma_semaphore, #tpu.memory_space<semaphore_mem>>) src(%dma_wait3A_33 : memref<6000xi32, #tpu.memory_space<hbm>>) dst(%arg8 : memref<6000xi32, #tpu.memory_space<vmem>>)
        tpu.yield
      }) : () -> ()
      %dma_start3A = arith.constant 0 : i32
      %dma_start3A_16 = tpu.memref_slice %arg8[%dma_start3A] : memref<6000xi32, #tpu.memory_space<vmem>> -> memref<6000xi32, #tpu.memory_space<vmem>>
      %dma_start3A_17 = arith.constant 0 : i32
      %dma_start3A_18 = tpu.memref_slice %arg4[%dma_start3A_17] : memref<800000xf32, #tpu.memory_space<hbm>> -> memref<800000xf32, #tpu.memory_space<hbm>>
      tpu.enqueue_indirect_dma source(%dma_start3A_18 : memref<800000xf32, #tpu.memory_space<hbm>>) target(%arg9 : memref<6000xf32, #tpu.memory_space<vmem>>) offsets(%dma_start3A_16 : memref<6000xi32, #tpu.memory_space<vmem>>) semaphore(%arg10 : memref<!tpu.dma_semaphore, #tpu.memory_space<semaphore_mem>>)
      "tpu.region"() ({
        %run_scoped3A = tpu.sem_alloc : memref<!tpu.dma_semaphore, #tpu.memory_space<semaphore_mem>>
        %dma_start3A_30 = tpu.memref_slice %arg2[%multiple_of3A] : memref<9600000xf32, #tpu.memory_space<hbm>> -> memref<6000xf32, #tpu.memory_space<hbm>>
        %dma_start3A_31 = tpu.memref_slice %arg2[%multiple_of3A] : memref<9600000xf32, #tpu.memory_space<hbm>> -> memref<6000xf32, #tpu.memory_space<hbm>>
        tpu.enqueue_dma source(%dma_start3A_31 : memref<6000xf32, #tpu.memory_space<hbm>>) target(%arg6 : memref<6000xf32, #tpu.memory_space<vmem>>) target_semaphore(%run_scoped3A : memref<!tpu.dma_semaphore, #tpu.memory_space<semaphore_mem>>)
        %dma_wait3A_32 = tpu.memref_slice %arg2[%multiple_of3A] : memref<9600000xf32, #tpu.memory_space<hbm>> -> memref<6000xf32, #tpu.memory_space<hbm>>
        %dma_wait3A_33 = tpu.memref_slice %arg2[%multiple_of3A] : memref<9600000xf32, #tpu.memory_space<hbm>> -> memref<6000xf32, #tpu.memory_space<hbm>>
        tpu.wait_dma2 semaphore(%run_scoped3A : memref<!tpu.dma_semaphore, #tpu.memory_space<semaphore_mem>>) src(%dma_wait3A_33 : memref<6000xf32, #tpu.memory_space<hbm>>) dst(%arg6 : memref<6000xf32, #tpu.memory_space<vmem>>)
        tpu.yield
      }) : () -> ()
      %dma_wait3A = arith.constant 0 : i32
      %dma_wait3A_19 = tpu.memref_slice %arg8[%dma_wait3A] : memref<6000xi32, #tpu.memory_space<vmem>> -> memref<6000xi32, #tpu.memory_space<vmem>>
      %dma_wait3A_20 = arith.constant 0 : i32
      %dma_wait3A_21 = tpu.memref_slice %arg4[%dma_wait3A_20] : memref<800000xf32, #tpu.memory_space<hbm>> -> memref<800000xf32, #tpu.memory_space<hbm>>
      tpu.wait_indirect_dma semaphore(%arg10 : memref<!tpu.dma_semaphore, #tpu.memory_space<semaphore_mem>>) src(%dma_wait3A_21 : memref<800000xf32, #tpu.memory_space<hbm>>) dst(%arg9 : memref<6000xf32, #tpu.memory_space<vmem>>)
      %scan3A_22 = arith.constant 0 : i32
      %scan3A_23 = arith.constant 0 : i32
      %scan3A_24 = arith.constant 375 : i32
      %scan3A_25 = arith.addi %scan3A_23, %scan3A_24 : i32
      %scan3A_26 = arith.constant 1 : i32
      %scan3A_27 = scf.for %scan3A_30 = %scan3A_23 to %scan3A_25 step %scan3A_26 iter_args(%scan3A_31 = %scan3A_22) -> (i32)  : i32 {
        %mul3A_32 = arith.constant 16 : i32
        %mul3A_33 = arith.muli %scan3A_30, %mul3A_32 : i32
        %get3A = arith.index_cast %mul3A_33 : i32 to index
        %get3A_34 = tpu.vector_load %arg6[%get3A] {strides = array<i32>} : memref<6000xf32, #tpu.memory_space<vmem>>, vector<16xf32>,
        %get3A_35 = vector.shape_cast %get3A_34 : vector<16xf32> to vector<16xf32>
        %get3A_36 = arith.index_cast %mul3A_33 : i32 to index
        %get3A_37 = tpu.vector_load %arg9[%get3A_36] {strides = array<i32>} : memref<6000xf32, #tpu.memory_space<vmem>>, vector<16xf32>,
        %get3A_38 = vector.shape_cast %get3A_37 : vector<16xf32> to vector<16xf32>
        %sub3A = arith.subf %get3A_35, %get3A_38 : vector<16xf32>
        %swap3A = arith.index_cast %mul3A_33 : i32 to index
        %swap3A_39 = tpu.vector_load %arg7[%swap3A] {strides = array<i32>} : memref<6000xf32, #tpu.memory_space<vmem>>, vector<16xf32>,
        %swap3A_40 = vector.shape_cast %swap3A_39 : vector<16xf32> to vector<16xf32>
        %swap3A_41 = vector.shape_cast %sub3A : vector<16xf32> to vector<16xf32>
        tpu.vector_store %arg7[%swap3A], %swap3A_41 {strides = array<i32>} : memref<6000xf32, #tpu.memory_space<vmem>>, vector<16xf32>,
        %scan3A_42 = arith.constant 0 : i32
        scf.yield %scan3A_42 : i32
      }
      %scan3A_28 = arith.constant 375 : i32
      "tpu.region"() ({
        %run_scoped3A = tpu.sem_alloc : memref<!tpu.dma_semaphore, #tpu.memory_space<semaphore_mem>>
        %dma_start3A_30 = tpu.memref_slice %arg5[%multiple_of3A] : memref<9600000xf32, #tpu.memory_space<hbm>> -> memref<6000xf32, #tpu.memory_space<hbm>>
        %dma_start3A_31 = tpu.memref_slice %arg5[%multiple_of3A] : memref<9600000xf32, #tpu.memory_space<hbm>> -> memref<6000xf32, #tpu.memory_space<hbm>>
        tpu.enqueue_dma source(%arg7 : memref<6000xf32, #tpu.memory_space<vmem>>) target(%dma_start3A_31 : memref<6000xf32, #tpu.memory_space<hbm>>) target_semaphore(%run_scoped3A : memref<!tpu.dma_semaphore, #tpu.memory_space<semaphore_mem>>)
        %dma_wait3A_32 = tpu.memref_slice %arg5[%multiple_of3A] : memref<9600000xf32, #tpu.memory_space<hbm>> -> memref<6000xf32, #tpu.memory_space<hbm>>
        %dma_wait3A_33 = tpu.memref_slice %arg5[%multiple_of3A] : memref<9600000xf32, #tpu.memory_space<hbm>> -> memref<6000xf32, #tpu.memory_space<hbm>>
        tpu.wait_dma2 semaphore(%run_scoped3A : memref<!tpu.dma_semaphore, #tpu.memory_space<semaphore_mem>>) src(%arg7 : memref<6000xf32, #tpu.memory_space<vmem>>) dst(%dma_wait3A_33 : memref<6000xf32, #tpu.memory_space<hbm>>)
        tpu.yield
      }) : () -> ()
      %scan3A_29 = arith.constant 0 : i32
      scf.yield %scan3A_29 : i32
    }
    %scan3A_6 = arith.constant 50 : i32
    return
  }
}

#map = affine_map<(d0, d1) -> (0)>
#map1 = affine_map<(d0, d1) -> (0, 0)>
module attributes {stable_mosaic.version = 14 : i64} {
  func.func @k1(%arg0: i32, %arg1: i32, %arg2: memref<9600000xf32, #tpu.memory_space<hbm>>, %arg3: memref<9600000xf32, #tpu.memory_space<hbm>>, %arg4: memref<9600000xi32, #tpu.memory_space<hbm>>, %arg5: memref<3200000xi32, #tpu.memory_space<hbm>>, %arg6: memref<800000xf32, #tpu.memory_space<hbm>>, %arg7: memref<2x800000xf32, #tpu.memory_space<hbm>>, %arg8: memref<6000xf32, #tpu.memory_space<vmem>>, %arg9: memref<6000xf32, #tpu.memory_space<vmem>>, %arg10: memref<6000xi32, #tpu.memory_space<vmem>>, %arg11: memref<6000xi32, #tpu.memory_space<vmem>>, %arg12: memref<2000xi32, #tpu.memory_space<vmem>>, %arg13: memref<2000xf32, #tpu.memory_space<vmem>>, %arg14: memref<800000xf32, #tpu.memory_space<vmem_shared>>) attributes {dimension_semantics = [#tpu.dimension_semantics<core_parallel>, #tpu.dimension_semantics<subcore_parallel>], iteration_bounds = array<i64: 2, 16>, scalar_prefetch = 0 : i64, scratch_operands = 7 : i64, tpu.core_type = #tpu.core_type<sc_vector_subcore>, window_params = [{transform_indices = #map}, {transform_indices = #map}, {transform_indices = #map}, {transform_indices = #map}, {transform_indices = #map}, {transform_indices = #map1}]} {
    %mul3A = arith.constant 2 : i32
    %mul3A_0 = arith.muli %arg1, %mul3A : i32
    %add3A = arith.addi %mul3A_0, %arg0 : i32
    %mul3A_1 = arith.constant 50000 : i32
    %mul3A_2 = arith.muli %arg1, %mul3A_1 : i32
    %multiple_of3A = tpu.assume_multiple %mul3A_2, 8 : i32
    %mul3A_3 = arith.constant 50000 : i32
    %mul3A_4 = arith.muli %arg1, %mul3A_3 : i32
    %multiple_of3A_5 = tpu.assume_multiple %mul3A_4, 8 : i32
    "tpu.region"() ({
      %run_scoped3A = tpu.sem_alloc : memref<!tpu.dma_semaphore, #tpu.memory_space<semaphore_mem>>
      %dma_start3A = tpu.memref_slice %arg14[%multiple_of3A_5] : memref<800000xf32, #tpu.memory_space<vmem_shared>> -> memref<50000xf32, #tpu.memory_space<vmem_shared>>
      %dma_start3A_26 = tpu.memref_slice %arg6[%multiple_of3A] : memref<800000xf32, #tpu.memory_space<hbm>> -> memref<50000xf32, #tpu.memory_space<hbm>>
      tpu.enqueue_dma source(%dma_start3A_26 : memref<50000xf32, #tpu.memory_space<hbm>>) target(%dma_start3A : memref<50000xf32, #tpu.memory_space<vmem_shared>>) target_semaphore(%run_scoped3A : memref<!tpu.dma_semaphore, #tpu.memory_space<semaphore_mem>>)
      %dma_wait3A = tpu.memref_slice %arg14[%multiple_of3A_5] : memref<800000xf32, #tpu.memory_space<vmem_shared>> -> memref<50000xf32, #tpu.memory_space<vmem_shared>>
      %dma_wait3A_27 = tpu.memref_slice %arg6[%multiple_of3A] : memref<800000xf32, #tpu.memory_space<hbm>> -> memref<50000xf32, #tpu.memory_space<hbm>>
      tpu.wait_dma2 semaphore(%run_scoped3A : memref<!tpu.dma_semaphore, #tpu.memory_space<semaphore_mem>>) src(%dma_wait3A_27 : memref<50000xf32, #tpu.memory_space<hbm>>) dst(%dma_wait3A : memref<50000xf32, #tpu.memory_space<vmem_shared>>)
      tpu.yield
    }) : () -> ()
    %scan3A = arith.constant 0 : i32
    %scan3A_6 = arith.constant 0 : i32
    %scan3A_7 = arith.constant 125 : i32
    %scan3A_8 = arith.addi %scan3A_6, %scan3A_7 : i32
    %scan3A_9 = arith.constant 1 : i32
    %scan3A_10 = scf.for %scan3A_26 = %scan3A_6 to %scan3A_8 step %scan3A_9 iter_args(%scan3A_27 = %scan3A) -> (i32)  : i32 {
      %broadcast_in_dim3A = arith.constant 1.000000e+00 : f32
      %broadcast_in_dim3A_28 = vector.broadcast %broadcast_in_dim3A : f32 to vector<16xf32>
      %mul3A_29 = arith.constant 16 : i32
      %mul3A_30 = arith.muli %scan3A_26, %mul3A_29 : i32
      %swap3A = arith.index_cast %mul3A_30 : i32 to index
      %swap3A_31 = tpu.vector_load %arg13[%swap3A] {strides = array<i32>} : memref<2000xf32, #tpu.memory_space<vmem>>, vector<16xf32>,
      %swap3A_32 = vector.shape_cast %swap3A_31 : vector<16xf32> to vector<16xf32>
      %swap3A_33 = vector.shape_cast %broadcast_in_dim3A_28 : vector<16xf32> to vector<16xf32>
      tpu.vector_store %arg13[%swap3A], %swap3A_33 {strides = array<i32>} : memref<2000xf32, #tpu.memory_space<vmem>>, vector<16xf32>,
      %scan3A_34 = arith.constant 0 : i32
      scf.yield %scan3A_34 : i32
    }
    %scan3A_11 = arith.constant 125 : i32
    %barrier3A = arith.constant 0 : index
    tpu.barrier barrier_id(%barrier3A)
    %scan3A_12 = arith.constant 0 : i32
    %scan3A_13 = arith.constant 0 : i32
    %scan3A_14 = arith.constant 50 : i32
    %scan3A_15 = arith.addi %scan3A_13, %scan3A_14 : i32
    %scan3A_16 = arith.constant 1 : i32
    %scan3A_17 = scf.for %scan3A_26 = %scan3A_13 to %scan3A_15 step %scan3A_16 iter_args(%scan3A_27 = %scan3A_12) -> (i32)  : i32 {
      %mul3A_28 = arith.constant 100000 : i32
      %mul3A_29 = arith.muli %add3A, %mul3A_28 : i32
      %mul3A_30 = arith.constant 2000 : i32
      %mul3A_31 = arith.muli %scan3A_26, %mul3A_30 : i32
      %add3A_32 = arith.addi %mul3A_29, %mul3A_31 : i32
      %mul3A_33 = arith.constant 3 : i32
      %mul3A_34 = arith.muli %add3A_32, %mul3A_33 : i32
      %multiple_of3A_35 = tpu.assume_multiple %mul3A_34, 8 : i32
      %multiple_of3A_36 = tpu.assume_multiple %add3A_32, 8 : i32
      "tpu.region"() ({
        %run_scoped3A = tpu.sem_alloc : memref<!tpu.dma_semaphore, #tpu.memory_space<semaphore_mem>>
        %dma_start3A = tpu.memref_slice %arg2[%multiple_of3A_35] : memref<9600000xf32, #tpu.memory_space<hbm>> -> memref<6000xf32, #tpu.memory_space<hbm>>
        %dma_start3A_45 = tpu.memref_slice %arg2[%multiple_of3A_35] : memref<9600000xf32, #tpu.memory_space<hbm>> -> memref<6000xf32, #tpu.memory_space<hbm>>
        tpu.enqueue_dma source(%dma_start3A_45 : memref<6000xf32, #tpu.memory_space<hbm>>) target(%arg8 : memref<6000xf32, #tpu.memory_space<vmem>>) target_semaphore(%run_scoped3A : memref<!tpu.dma_semaphore, #tpu.memory_space<semaphore_mem>>)
        %dma_wait3A = tpu.memref_slice %arg2[%multiple_of3A_35] : memref<9600000xf32, #tpu.memory_space<hbm>> -> memref<6000xf32, #tpu.memory_space<hbm>>
        %dma_wait3A_46 = tpu.memref_slice %arg2[%multiple_of3A_35] : memref<9600000xf32, #tpu.memory_space<hbm>> -> memref<6000xf32, #tpu.memory_space<hbm>>
        tpu.wait_dma2 semaphore(%run_scoped3A : memref<!tpu.dma_semaphore, #tpu.memory_space<semaphore_mem>>) src(%dma_wait3A_46 : memref<6000xf32, #tpu.memory_space<hbm>>) dst(%arg8 : memref<6000xf32, #tpu.memory_space<vmem>>)
        tpu.yield
      }) : () -> ()
      "tpu.region"() ({
        %run_scoped3A = tpu.sem_alloc : memref<!tpu.dma_semaphore, #tpu.memory_space<semaphore_mem>>
        %dma_start3A = tpu.memref_slice %arg3[%multiple_of3A_35] : memref<9600000xf32, #tpu.memory_space<hbm>> -> memref<6000xf32, #tpu.memory_space<hbm>>
        %dma_start3A_45 = tpu.memref_slice %arg3[%multiple_of3A_35] : memref<9600000xf32, #tpu.memory_space<hbm>> -> memref<6000xf32, #tpu.memory_space<hbm>>
        tpu.enqueue_dma source(%dma_start3A_45 : memref<6000xf32, #tpu.memory_space<hbm>>) target(%arg9 : memref<6000xf32, #tpu.memory_space<vmem>>) target_semaphore(%run_scoped3A : memref<!tpu.dma_semaphore, #tpu.memory_space<semaphore_mem>>)
        %dma_wait3A = tpu.memref_slice %arg3[%multiple_of3A_35] : memref<9600000xf32, #tpu.memory_space<hbm>> -> memref<6000xf32, #tpu.memory_space<hbm>>
        %dma_wait3A_46 = tpu.memref_slice %arg3[%multiple_of3A_35] : memref<9600000xf32, #tpu.memory_space<hbm>> -> memref<6000xf32, #tpu.memory_space<hbm>>
        tpu.wait_dma2 semaphore(%run_scoped3A : memref<!tpu.dma_semaphore, #tpu.memory_space<semaphore_mem>>) src(%dma_wait3A_46 : memref<6000xf32, #tpu.memory_space<hbm>>) dst(%arg9 : memref<6000xf32, #tpu.memory_space<vmem>>)
        tpu.yield
      }) : () -> ()
      "tpu.region"() ({
        %run_scoped3A = tpu.sem_alloc : memref<!tpu.dma_semaphore, #tpu.memory_space<semaphore_mem>>
        %dma_start3A = tpu.memref_slice %arg4[%multiple_of3A_35] : memref<9600000xi32, #tpu.memory_space<hbm>> -> memref<6000xi32, #tpu.memory_space<hbm>>
        %dma_start3A_45 = tpu.memref_slice %arg4[%multiple_of3A_35] : memref<9600000xi32, #tpu.memory_space<hbm>> -> memref<6000xi32, #tpu.memory_space<hbm>>
        tpu.enqueue_dma source(%dma_start3A_45 : memref<6000xi32, #tpu.memory_space<hbm>>) target(%arg10 : memref<6000xi32, #tpu.memory_space<vmem>>) target_semaphore(%run_scoped3A : memref<!tpu.dma_semaphore, #tpu.memory_space<semaphore_mem>>)
        %dma_wait3A = tpu.memref_slice %arg4[%multiple_of3A_35] : memref<9600000xi32, #tpu.memory_space<hbm>> -> memref<6000xi32, #tpu.memory_space<hbm>>
        %dma_wait3A_46 = tpu.memref_slice %arg4[%multiple_of3A_35] : memref<9600000xi32, #tpu.memory_space<hbm>> -> memref<6000xi32, #tpu.memory_space<hbm>>
        tpu.wait_dma2 semaphore(%run_scoped3A : memref<!tpu.dma_semaphore, #tpu.memory_space<semaphore_mem>>) src(%dma_wait3A_46 : memref<6000xi32, #tpu.memory_space<hbm>>) dst(%arg10 : memref<6000xi32, #tpu.memory_space<vmem>>)
        tpu.yield
      }) : () -> ()
      "tpu.region"() ({
        %run_scoped3A = tpu.sem_alloc : memref<!tpu.dma_semaphore, #tpu.memory_space<semaphore_mem>>
        %dma_start3A = tpu.memref_slice %arg5[%multiple_of3A_36] : memref<3200000xi32, #tpu.memory_space<hbm>> -> memref<2000xi32, #tpu.memory_space<hbm>>
        %dma_start3A_45 = tpu.memref_slice %arg5[%multiple_of3A_36] : memref<3200000xi32, #tpu.memory_space<hbm>> -> memref<2000xi32, #tpu.memory_space<hbm>>
        tpu.enqueue_dma source(%dma_start3A_45 : memref<2000xi32, #tpu.memory_space<hbm>>) target(%arg12 : memref<2000xi32, #tpu.memory_space<vmem>>) target_semaphore(%run_scoped3A : memref<!tpu.dma_semaphore, #tpu.memory_space<semaphore_mem>>)
        %dma_wait3A = tpu.memref_slice %arg5[%multiple_of3A_36] : memref<3200000xi32, #tpu.memory_space<hbm>> -> memref<2000xi32, #tpu.memory_space<hbm>>
        %dma_wait3A_46 = tpu.memref_slice %arg5[%multiple_of3A_36] : memref<3200000xi32, #tpu.memory_space<hbm>> -> memref<2000xi32, #tpu.memory_space<hbm>>
        tpu.wait_dma2 semaphore(%run_scoped3A : memref<!tpu.dma_semaphore, #tpu.memory_space<semaphore_mem>>) src(%dma_wait3A_46 : memref<2000xi32, #tpu.memory_space<hbm>>) dst(%arg12 : memref<2000xi32, #tpu.memory_space<vmem>>)
        tpu.yield
      }) : () -> ()
      %scan3A_37 = arith.constant 0 : i32
      %scan3A_38 = arith.constant 0 : i32
      %scan3A_39 = arith.constant 375 : i32
      %scan3A_40 = arith.addi %scan3A_38, %scan3A_39 : i32
      %scan3A_41 = arith.constant 1 : i32
      %scan3A_42 = scf.for %scan3A_45 = %scan3A_38 to %scan3A_40 step %scan3A_41 iter_args(%scan3A_46 = %scan3A_37) -> (i32)  : i32 {
        %mul3A_47 = arith.constant 16 : i32
        %mul3A_48 = arith.muli %scan3A_45, %mul3A_47 : i32
        %get3A = arith.index_cast %mul3A_48 : i32 to index
        %get3A_49 = tpu.vector_load %arg10[%get3A] {strides = array<i32>} : memref<6000xi32, #tpu.memory_space<vmem>>, vector<16xi32>,
        %get3A_50 = vector.shape_cast %get3A_49 : vector<16xi32> to vector<16xi32>
        %add3A_51 = arith.constant 3 : i32
        %add3A_52 = vector.broadcast %add3A_51 : i32 to vector<16xi32>
        %add3A_53 = arith.addi %get3A_50, %add3A_52 : vector<16xi32>
        %swap3A = arith.index_cast %mul3A_48 : i32 to index
        %swap3A_54 = tpu.vector_load %arg11[%swap3A] {strides = array<i32>} : memref<6000xi32, #tpu.memory_space<vmem>>, vector<16xi32>,
        %swap3A_55 = vector.shape_cast %swap3A_54 : vector<16xi32> to vector<16xi32>
        %swap3A_56 = vector.shape_cast %add3A_53 : vector<16xi32> to vector<16xi32>
        tpu.vector_store %arg11[%swap3A], %swap3A_56 {strides = array<i32>} : memref<6000xi32, #tpu.memory_space<vmem>>, vector<16xi32>,
        %scan3A_57 = arith.constant 0 : i32
        scf.yield %scan3A_57 : i32
      }
      %scan3A_43 = arith.constant 375 : i32
      "tpu.region"() ({
        %run_scoped3A = tpu.sem_alloc : memref<!tpu.dma_semaphore, #tpu.memory_space<semaphore_mem>>
        %dma_start3A = arith.constant 0 : i32
        %dma_start3A_45 = tpu.memref_slice %arg10[%dma_start3A] : memref<6000xi32, #tpu.memory_space<vmem>> -> memref<6000xi32, #tpu.memory_space<vmem>>
        %dma_start3A_46 = arith.constant 0 : i32
        %dma_start3A_47 = tpu.memref_slice %arg14[%dma_start3A_46] : memref<800000xf32, #tpu.memory_space<vmem_shared>> -> memref<800000xf32, #tpu.memory_space<vmem_shared>>
        tpu.enqueue_indirect_dma source(%arg8 : memref<6000xf32, #tpu.memory_space<vmem>>) target(%dma_start3A_47 : memref<800000xf32, #tpu.memory_space<vmem_shared>>) offsets(%dma_start3A_45 : memref<6000xi32, #tpu.memory_space<vmem>>) semaphore(%run_scoped3A : memref<!tpu.dma_semaphore, #tpu.memory_space<semaphore_mem>>) {add = true}
        %dma_wait3A = arith.constant 0 : i32
        %dma_wait3A_48 = tpu.memref_slice %arg10[%dma_wait3A] : memref<6000xi32, #tpu.memory_space<vmem>> -> memref<6000xi32, #tpu.memory_space<vmem>>
        %dma_wait3A_49 = arith.constant 0 : i32
        %dma_wait3A_50 = tpu.memref_slice %arg14[%dma_wait3A_49] : memref<800000xf32, #tpu.memory_space<vmem_shared>> -> memref<800000xf32, #tpu.memory_space<vmem_shared>>
        tpu.wait_indirect_dma semaphore(%run_scoped3A : memref<!tpu.dma_semaphore, #tpu.memory_space<semaphore_mem>>) src(%arg8 : memref<6000xf32, #tpu.memory_space<vmem>>) dst(%dma_wait3A_50 : memref<800000xf32, #tpu.memory_space<vmem_shared>>)
        tpu.yield
      }) : () -> ()
      "tpu.region"() ({
        %run_scoped3A = tpu.sem_alloc : memref<!tpu.dma_semaphore, #tpu.memory_space<semaphore_mem>>
        %dma_start3A = arith.constant 0 : i32
        %dma_start3A_45 = tpu.memref_slice %arg11[%dma_start3A] : memref<6000xi32, #tpu.memory_space<vmem>> -> memref<6000xi32, #tpu.memory_space<vmem>>
        %dma_start3A_46 = arith.constant 0 : i32
        %dma_start3A_47 = tpu.memref_slice %arg14[%dma_start3A_46] : memref<800000xf32, #tpu.memory_space<vmem_shared>> -> memref<800000xf32, #tpu.memory_space<vmem_shared>>
        tpu.enqueue_indirect_dma source(%arg9 : memref<6000xf32, #tpu.memory_space<vmem>>) target(%dma_start3A_47 : memref<800000xf32, #tpu.memory_space<vmem_shared>>) offsets(%dma_start3A_45 : memref<6000xi32, #tpu.memory_space<vmem>>) semaphore(%run_scoped3A : memref<!tpu.dma_semaphore, #tpu.memory_space<semaphore_mem>>) {add = true}
        %dma_wait3A = arith.constant 0 : i32
        %dma_wait3A_48 = tpu.memref_slice %arg11[%dma_wait3A] : memref<6000xi32, #tpu.memory_space<vmem>> -> memref<6000xi32, #tpu.memory_space<vmem>>
        %dma_wait3A_49 = arith.constant 0 : i32
        %dma_wait3A_50 = tpu.memref_slice %arg14[%dma_wait3A_49] : memref<800000xf32, #tpu.memory_space<vmem_shared>> -> memref<800000xf32, #tpu.memory_space<vmem_shared>>
        tpu.wait_indirect_dma semaphore(%run_scoped3A : memref<!tpu.dma_semaphore, #tpu.memory_space<semaphore_mem>>) src(%arg9 : memref<6000xf32, #tpu.memory_space<vmem>>) dst(%dma_wait3A_50 : memref<800000xf32, #tpu.memory_space<vmem_shared>>)
        tpu.yield
      }) : () -> ()
      "tpu.region"() ({
        %run_scoped3A = tpu.sem_alloc : memref<!tpu.dma_semaphore, #tpu.memory_space<semaphore_mem>>
        %dma_start3A = arith.constant 0 : i32
        %dma_start3A_45 = tpu.memref_slice %arg12[%dma_start3A] : memref<2000xi32, #tpu.memory_space<vmem>> -> memref<2000xi32, #tpu.memory_space<vmem>>
        %dma_start3A_46 = arith.constant 0 : i32
        %dma_start3A_47 = tpu.memref_slice %arg14[%dma_start3A_46] : memref<800000xf32, #tpu.memory_space<vmem_shared>> -> memref<800000xf32, #tpu.memory_space<vmem_shared>>
        tpu.enqueue_indirect_dma source(%arg13 : memref<2000xf32, #tpu.memory_space<vmem>>) target(%dma_start3A_47 : memref<800000xf32, #tpu.memory_space<vmem_shared>>) offsets(%dma_start3A_45 : memref<2000xi32, #tpu.memory_space<vmem>>) semaphore(%run_scoped3A : memref<!tpu.dma_semaphore, #tpu.memory_space<semaphore_mem>>) {add = true}
        %dma_wait3A = arith.constant 0 : i32
        %dma_wait3A_48 = tpu.memref_slice %arg12[%dma_wait3A] : memref<2000xi32, #tpu.memory_space<vmem>> -> memref<2000xi32, #tpu.memory_space<vmem>>
        %dma_wait3A_49 = arith.constant 0 : i32
        %dma_wait3A_50 = tpu.memref_slice %arg14[%dma_wait3A_49] : memref<800000xf32, #tpu.memory_space<vmem_shared>> -> memref<800000xf32, #tpu.memory_space<vmem_shared>>
        tpu.wait_indirect_dma semaphore(%run_scoped3A : memref<!tpu.dma_semaphore, #tpu.memory_space<semaphore_mem>>) src(%arg13 : memref<2000xf32, #tpu.memory_space<vmem>>) dst(%dma_wait3A_50 : memref<800000xf32, #tpu.memory_space<vmem_shared>>)
        tpu.yield
      }) : () -> ()
      %scan3A_44 = arith.constant 0 : i32
      scf.yield %scan3A_44 : i32
    }
    %scan3A_18 = arith.constant 50 : i32
    %barrier3A_19 = arith.constant 0 : index
    tpu.barrier barrier_id(%barrier3A_19)
    %mul3A_20 = arith.constant 50000 : i32
    %mul3A_21 = arith.muli %arg1, %mul3A_20 : i32
    %multiple_of3A_22 = tpu.assume_multiple %mul3A_21, 8 : i32
    %mul3A_23 = arith.constant 50000 : i32
    %mul3A_24 = arith.muli %arg1, %mul3A_23 : i32
    %multiple_of3A_25 = tpu.assume_multiple %mul3A_24, 8 : i32
    "tpu.region"() ({
      %run_scoped3A = tpu.sem_alloc : memref<!tpu.dma_semaphore, #tpu.memory_space<semaphore_mem>>
      %dma_start3A = tpu.memref_slice %arg7[%arg0, %multiple_of3A_25] : memref<2x800000xf32, #tpu.memory_space<hbm>> -> memref<1x50000xf32, #tpu.memory_space<hbm>>
      %dma_start3A_26 = tpu.memref_squeeze %dma_start3A : memref<1x50000xf32, #tpu.memory_space<hbm>> -> memref<50000xf32, #tpu.memory_space<hbm>>
      %dma_start3A_27 = tpu.memref_slice %arg14[%multiple_of3A_22] : memref<800000xf32, #tpu.memory_space<vmem_shared>> -> memref<50000xf32, #tpu.memory_space<vmem_shared>>
      tpu.enqueue_dma source(%dma_start3A_27 : memref<50000xf32, #tpu.memory_space<vmem_shared>>) target(%dma_start3A_26 : memref<50000xf32, #tpu.memory_space<hbm>>) target_semaphore(%run_scoped3A : memref<!tpu.dma_semaphore, #tpu.memory_space<semaphore_mem>>)
      %dma_wait3A = tpu.memref_slice %arg7[%arg0, %multiple_of3A_25] : memref<2x800000xf32, #tpu.memory_space<hbm>> -> memref<1x50000xf32, #tpu.memory_space<hbm>>
      %dma_wait3A_28 = tpu.memref_squeeze %dma_wait3A : memref<1x50000xf32, #tpu.memory_space<hbm>> -> memref<50000xf32, #tpu.memory_space<hbm>>
      %dma_wait3A_29 = tpu.memref_slice %arg14[%multiple_of3A_22] : memref<800000xf32, #tpu.memory_space<vmem_shared>> -> memref<50000xf32, #tpu.memory_space<vmem_shared>>
      tpu.wait_dma2 semaphore(%run_scoped3A : memref<!tpu.dma_semaphore, #tpu.memory_space<semaphore_mem>>) src(%dma_wait3A_29 : memref<50000xf32, #tpu.memory_space<vmem_shared>>) dst(%dma_wait3A_28 : memref<50000xf32, #tpu.memory_space<hbm>>)
      tpu.yield
    }) : () -> ()
    return
  }
}

#map = affine_map<(d0, d1) -> (0)>
#map1 = affine_map<(d0, d1) -> (0, 0)>
module attributes {stable_mosaic.version = 14 : i64} {
  func.func @k2(%arg0: i32, %arg1: i32, %arg2: memref<9600000xf32, #tpu.memory_space<hbm>>, %arg3: memref<9600000xf32, #tpu.memory_space<hbm>>, %arg4: memref<9600000xf32, #tpu.memory_space<hbm>>, %arg5: memref<9600000xf32, #tpu.memory_space<hbm>>, %arg6: memref<9600000xf32, #tpu.memory_space<hbm>>, %arg7: memref<9600000xi32, #tpu.memory_space<hbm>>, %arg8: memref<800000xf32, #tpu.memory_space<hbm>>, %arg9: memref<800000xf32, #tpu.memory_space<hbm>>, %arg10: memref<800000xf32, #tpu.memory_space<hbm>>, %arg11: memref<9600000xf32, #tpu.memory_space<hbm>>, %arg12: memref<9600000xf32, #tpu.memory_space<hbm>>, %arg13: memref<9600000xf32, #tpu.memory_space<hbm>>, %arg14: memref<9600000xf32, #tpu.memory_space<hbm>>, %arg15: memref<9600000xf32, #tpu.memory_space<hbm>>, %arg16: memref<2x800000xf32, #tpu.memory_space<hbm>>, %arg17: memref<6000xf32, #tpu.memory_space<vmem>>, %arg18: memref<6000xf32, #tpu.memory_space<vmem>>, %arg19: memref<6000xf32, #tpu.memory_space<vmem>>, %arg20: memref<6000xf32, #tpu.memory_space<vmem>>, %arg21: memref<6000xf32, #tpu.memory_space<vmem>>, %arg22: memref<6000xi32, #tpu.memory_space<vmem>>, %arg23: memref<6000xf32, #tpu.memory_space<vmem>>, %arg24: memref<6000xf32, #tpu.memory_space<vmem>>, %arg25: memref<6000xf32, #tpu.memory_space<vmem>>, %arg26: memref<6000xf32, #tpu.memory_space<vmem>>, %arg27: memref<6000xf32, #tpu.memory_space<vmem>>, %arg28: memref<6000xf32, #tpu.memory_space<vmem>>, %arg29: memref<6000xf32, #tpu.memory_space<vmem>>, %arg30: memref<800000xf32, #tpu.memory_space<vmem_shared>>, %arg31: memref<!tpu.dma_semaphore, #tpu.memory_space<semaphore_mem>>, %arg32: memref<!tpu.dma_semaphore, #tpu.memory_space<semaphore_mem>>) attributes {dimension_semantics = [#tpu.dimension_semantics<core_parallel>, #tpu.dimension_semantics<subcore_parallel>], iteration_bounds = array<i64: 2, 16>, scalar_prefetch = 0 : i64, scratch_operands = 16 : i64, tpu.core_type = #tpu.core_type<sc_vector_subcore>, window_params = [{transform_indices = #map}, {transform_indices = #map}, {transform_indices = #map}, {transform_indices = #map}, {transform_indices = #map}, {transform_indices = #map}, {transform_indices = #map}, {transform_indices = #map}, {transform_indices = #map}, {transform_indices = #map}, {transform_indices = #map}, {transform_indices = #map}, {transform_indices = #map}, {transform_indices = #map}, {transform_indices = #map1}]} {
    %mul3A = arith.constant 2 : i32
    %mul3A_0 = arith.muli %arg1, %mul3A : i32
    %add3A = arith.addi %mul3A_0, %arg0 : i32
    %mul3A_1 = arith.constant 50000 : i32
    %mul3A_2 = arith.muli %arg1, %mul3A_1 : i32
    %multiple_of3A = tpu.assume_multiple %mul3A_2, 8 : i32
    %mul3A_3 = arith.constant 50000 : i32
    %mul3A_4 = arith.muli %arg1, %mul3A_3 : i32
    %multiple_of3A_5 = tpu.assume_multiple %mul3A_4, 8 : i32
    "tpu.region"() ({
      %run_scoped3A = tpu.sem_alloc : memref<!tpu.dma_semaphore, #tpu.memory_space<semaphore_mem>>
      %dma_start3A = tpu.memref_slice %arg30[%multiple_of3A_5] : memref<800000xf32, #tpu.memory_space<vmem_shared>> -> memref<50000xf32, #tpu.memory_space<vmem_shared>>
      %dma_start3A_19 = tpu.memref_slice %arg10[%multiple_of3A] : memref<800000xf32, #tpu.memory_space<hbm>> -> memref<50000xf32, #tpu.memory_space<hbm>>
      tpu.enqueue_dma source(%dma_start3A_19 : memref<50000xf32, #tpu.memory_space<hbm>>) target(%dma_start3A : memref<50000xf32, #tpu.memory_space<vmem_shared>>) target_semaphore(%run_scoped3A : memref<!tpu.dma_semaphore, #tpu.memory_space<semaphore_mem>>)
      %dma_wait3A = tpu.memref_slice %arg30[%multiple_of3A_5] : memref<800000xf32, #tpu.memory_space<vmem_shared>> -> memref<50000xf32, #tpu.memory_space<vmem_shared>>
      %dma_wait3A_20 = tpu.memref_slice %arg10[%multiple_of3A] : memref<800000xf32, #tpu.memory_space<hbm>> -> memref<50000xf32, #tpu.memory_space<hbm>>
      tpu.wait_dma2 semaphore(%run_scoped3A : memref<!tpu.dma_semaphore, #tpu.memory_space<semaphore_mem>>) src(%dma_wait3A_20 : memref<50000xf32, #tpu.memory_space<hbm>>) dst(%dma_wait3A : memref<50000xf32, #tpu.memory_space<vmem_shared>>)
      tpu.yield
    }) : () -> ()
    %barrier3A = arith.constant 0 : index
    tpu.barrier barrier_id(%barrier3A)
    %scan3A = arith.constant 0 : i32
    %scan3A_6 = arith.constant 0 : i32
    %scan3A_7 = arith.constant 50 : i32
    %scan3A_8 = arith.addi %scan3A_6, %scan3A_7 : i32
    %scan3A_9 = arith.constant 1 : i32
    %scan3A_10 = scf.for %scan3A_19 = %scan3A_6 to %scan3A_8 step %scan3A_9 iter_args(%scan3A_20 = %scan3A) -> (i32)  : i32 {
      %mul3A_21 = arith.constant 100000 : i32
      %mul3A_22 = arith.muli %add3A, %mul3A_21 : i32
      %mul3A_23 = arith.constant 2000 : i32
      %mul3A_24 = arith.muli %scan3A_19, %mul3A_23 : i32
      %add3A_25 = arith.addi %mul3A_22, %mul3A_24 : i32
      %mul3A_26 = arith.constant 3 : i32
      %mul3A_27 = arith.muli %add3A_25, %mul3A_26 : i32
      %multiple_of3A_28 = tpu.assume_multiple %mul3A_27, 8 : i32
      "tpu.region"() ({
        %run_scoped3A = tpu.sem_alloc : memref<!tpu.dma_semaphore, #tpu.memory_space<semaphore_mem>>
        %dma_start3A_51 = tpu.memref_slice %arg7[%multiple_of3A_28] : memref<9600000xi32, #tpu.memory_space<hbm>> -> memref<6000xi32, #tpu.memory_space<hbm>>
        %dma_start3A_52 = tpu.memref_slice %arg7[%multiple_of3A_28] : memref<9600000xi32, #tpu.memory_space<hbm>> -> memref<6000xi32, #tpu.memory_space<hbm>>
        tpu.enqueue_dma source(%dma_start3A_52 : memref<6000xi32, #tpu.memory_space<hbm>>) target(%arg22 : memref<6000xi32, #tpu.memory_space<vmem>>) target_semaphore(%run_scoped3A : memref<!tpu.dma_semaphore, #tpu.memory_space<semaphore_mem>>)
        %dma_wait3A_53 = tpu.memref_slice %arg7[%multiple_of3A_28] : memref<9600000xi32, #tpu.memory_space<hbm>> -> memref<6000xi32, #tpu.memory_space<hbm>>
        %dma_wait3A_54 = tpu.memref_slice %arg7[%multiple_of3A_28] : memref<9600000xi32, #tpu.memory_space<hbm>> -> memref<6000xi32, #tpu.memory_space<hbm>>
        tpu.wait_dma2 semaphore(%run_scoped3A : memref<!tpu.dma_semaphore, #tpu.memory_space<semaphore_mem>>) src(%dma_wait3A_54 : memref<6000xi32, #tpu.memory_space<hbm>>) dst(%arg22 : memref<6000xi32, #tpu.memory_space<vmem>>)
        tpu.yield
      }) : () -> ()
      %dma_start3A = arith.constant 0 : i32
      %dma_start3A_29 = tpu.memref_slice %arg22[%dma_start3A] : memref<6000xi32, #tpu.memory_space<vmem>> -> memref<6000xi32, #tpu.memory_space<vmem>>
      %dma_start3A_30 = arith.constant 0 : i32
      %dma_start3A_31 = tpu.memref_slice %arg8[%dma_start3A_30] : memref<800000xf32, #tpu.memory_space<hbm>> -> memref<800000xf32, #tpu.memory_space<hbm>>
      tpu.enqueue_indirect_dma source(%dma_start3A_31 : memref<800000xf32, #tpu.memory_space<hbm>>) target(%arg23 : memref<6000xf32, #tpu.memory_space<vmem>>) offsets(%dma_start3A_29 : memref<6000xi32, #tpu.memory_space<vmem>>) semaphore(%arg31 : memref<!tpu.dma_semaphore, #tpu.memory_space<semaphore_mem>>)
      %dma_start3A_32 = arith.constant 0 : i32
      %dma_start3A_33 = tpu.memref_slice %arg22[%dma_start3A_32] : memref<6000xi32, #tpu.memory_space<vmem>> -> memref<6000xi32, #tpu.memory_space<vmem>>
      %dma_start3A_34 = arith.constant 0 : i32
      %dma_start3A_35 = tpu.memref_slice %arg9[%dma_start3A_34] : memref<800000xf32, #tpu.memory_space<hbm>> -> memref<800000xf32, #tpu.memory_space<hbm>>
      tpu.enqueue_indirect_dma source(%dma_start3A_35 : memref<800000xf32, #tpu.memory_space<hbm>>) target(%arg24 : memref<6000xf32, #tpu.memory_space<vmem>>) offsets(%dma_start3A_33 : memref<6000xi32, #tpu.memory_space<vmem>>) semaphore(%arg32 : memref<!tpu.dma_semaphore, #tpu.memory_space<semaphore_mem>>)
      "tpu.region"() ({
        %run_scoped3A = tpu.sem_alloc : memref<!tpu.dma_semaphore, #tpu.memory_space<semaphore_mem>>
        %dma_start3A_51 = tpu.memref_slice %arg2[%multiple_of3A_28] : memref<9600000xf32, #tpu.memory_space<hbm>> -> memref<6000xf32, #tpu.memory_space<hbm>>
        %dma_start3A_52 = tpu.memref_slice %arg2[%multiple_of3A_28] : memref<9600000xf32, #tpu.memory_space<hbm>> -> memref<6000xf32, #tpu.memory_space<hbm>>
        tpu.enqueue_dma source(%dma_start3A_52 : memref<6000xf32, #tpu.memory_space<hbm>>) target(%arg17 : memref<6000xf32, #tpu.memory_space<vmem>>) target_semaphore(%run_scoped3A : memref<!tpu.dma_semaphore, #tpu.memory_space<semaphore_mem>>)
        %dma_wait3A_53 = tpu.memref_slice %arg2[%multiple_of3A_28] : memref<9600000xf32, #tpu.memory_space<hbm>> -> memref<6000xf32, #tpu.memory_space<hbm>>
        %dma_wait3A_54 = tpu.memref_slice %arg2[%multiple_of3A_28] : memref<9600000xf32, #tpu.memory_space<hbm>> -> memref<6000xf32, #tpu.memory_space<hbm>>
        tpu.wait_dma2 semaphore(%run_scoped3A : memref<!tpu.dma_semaphore, #tpu.memory_space<semaphore_mem>>) src(%dma_wait3A_54 : memref<6000xf32, #tpu.memory_space<hbm>>) dst(%arg17 : memref<6000xf32, #tpu.memory_space<vmem>>)
        tpu.yield
      }) : () -> ()
      "tpu.region"() ({
        %run_scoped3A = tpu.sem_alloc : memref<!tpu.dma_semaphore, #tpu.memory_space<semaphore_mem>>
        %dma_start3A_51 = tpu.memref_slice %arg3[%multiple_of3A_28] : memref<9600000xf32, #tpu.memory_space<hbm>> -> memref<6000xf32, #tpu.memory_space<hbm>>
        %dma_start3A_52 = tpu.memref_slice %arg3[%multiple_of3A_28] : memref<9600000xf32, #tpu.memory_space<hbm>> -> memref<6000xf32, #tpu.memory_space<hbm>>
        tpu.enqueue_dma source(%dma_start3A_52 : memref<6000xf32, #tpu.memory_space<hbm>>) target(%arg18 : memref<6000xf32, #tpu.memory_space<vmem>>) target_semaphore(%run_scoped3A : memref<!tpu.dma_semaphore, #tpu.memory_space<semaphore_mem>>)
        %dma_wait3A_53 = tpu.memref_slice %arg3[%multiple_of3A_28] : memref<9600000xf32, #tpu.memory_space<hbm>> -> memref<6000xf32, #tpu.memory_space<hbm>>
        %dma_wait3A_54 = tpu.memref_slice %arg3[%multiple_of3A_28] : memref<9600000xf32, #tpu.memory_space<hbm>> -> memref<6000xf32, #tpu.memory_space<hbm>>
        tpu.wait_dma2 semaphore(%run_scoped3A : memref<!tpu.dma_semaphore, #tpu.memory_space<semaphore_mem>>) src(%dma_wait3A_54 : memref<6000xf32, #tpu.memory_space<hbm>>) dst(%arg18 : memref<6000xf32, #tpu.memory_space<vmem>>)
        tpu.yield
      }) : () -> ()
      "tpu.region"() ({
        %run_scoped3A = tpu.sem_alloc : memref<!tpu.dma_semaphore, #tpu.memory_space<semaphore_mem>>
        %dma_start3A_51 = tpu.memref_slice %arg4[%multiple_of3A_28] : memref<9600000xf32, #tpu.memory_space<hbm>> -> memref<6000xf32, #tpu.memory_space<hbm>>
        %dma_start3A_52 = tpu.memref_slice %arg4[%multiple_of3A_28] : memref<9600000xf32, #tpu.memory_space<hbm>> -> memref<6000xf32, #tpu.memory_space<hbm>>
        tpu.enqueue_dma source(%dma_start3A_52 : memref<6000xf32, #tpu.memory_space<hbm>>) target(%arg19 : memref<6000xf32, #tpu.memory_space<vmem>>) target_semaphore(%run_scoped3A : memref<!tpu.dma_semaphore, #tpu.memory_space<semaphore_mem>>)
        %dma_wait3A_53 = tpu.memref_slice %arg4[%multiple_of3A_28] : memref<9600000xf32, #tpu.memory_space<hbm>> -> memref<6000xf32, #tpu.memory_space<hbm>>
        %dma_wait3A_54 = tpu.memref_slice %arg4[%multiple_of3A_28] : memref<9600000xf32, #tpu.memory_space<hbm>> -> memref<6000xf32, #tpu.memory_space<hbm>>
        tpu.wait_dma2 semaphore(%run_scoped3A : memref<!tpu.dma_semaphore, #tpu.memory_space<semaphore_mem>>) src(%dma_wait3A_54 : memref<6000xf32, #tpu.memory_space<hbm>>) dst(%arg19 : memref<6000xf32, #tpu.memory_space<vmem>>)
        tpu.yield
      }) : () -> ()
      "tpu.region"() ({
        %run_scoped3A = tpu.sem_alloc : memref<!tpu.dma_semaphore, #tpu.memory_space<semaphore_mem>>
        %dma_start3A_51 = tpu.memref_slice %arg5[%multiple_of3A_28] : memref<9600000xf32, #tpu.memory_space<hbm>> -> memref<6000xf32, #tpu.memory_space<hbm>>
        %dma_start3A_52 = tpu.memref_slice %arg5[%multiple_of3A_28] : memref<9600000xf32, #tpu.memory_space<hbm>> -> memref<6000xf32, #tpu.memory_space<hbm>>
        tpu.enqueue_dma source(%dma_start3A_52 : memref<6000xf32, #tpu.memory_space<hbm>>) target(%arg20 : memref<6000xf32, #tpu.memory_space<vmem>>) target_semaphore(%run_scoped3A : memref<!tpu.dma_semaphore, #tpu.memory_space<semaphore_mem>>)
        %dma_wait3A_53 = tpu.memref_slice %arg5[%multiple_of3A_28] : memref<9600000xf32, #tpu.memory_space<hbm>> -> memref<6000xf32, #tpu.memory_space<hbm>>
        %dma_wait3A_54 = tpu.memref_slice %arg5[%multiple_of3A_28] : memref<9600000xf32, #tpu.memory_space<hbm>> -> memref<6000xf32, #tpu.memory_space<hbm>>
        tpu.wait_dma2 semaphore(%run_scoped3A : memref<!tpu.dma_semaphore, #tpu.memory_space<semaphore_mem>>) src(%dma_wait3A_54 : memref<6000xf32, #tpu.memory_space<hbm>>) dst(%arg20 : memref<6000xf32, #tpu.memory_space<vmem>>)
        tpu.yield
      }) : () -> ()
      "tpu.region"() ({
        %run_scoped3A = tpu.sem_alloc : memref<!tpu.dma_semaphore, #tpu.memory_space<semaphore_mem>>
        %dma_start3A_51 = tpu.memref_slice %arg6[%multiple_of3A_28] : memref<9600000xf32, #tpu.memory_space<hbm>> -> memref<6000xf32, #tpu.memory_space<hbm>>
        %dma_start3A_52 = tpu.memref_slice %arg6[%multiple_of3A_28] : memref<9600000xf32, #tpu.memory_space<hbm>> -> memref<6000xf32, #tpu.memory_space<hbm>>
        tpu.enqueue_dma source(%dma_start3A_52 : memref<6000xf32, #tpu.memory_space<hbm>>) target(%arg21 : memref<6000xf32, #tpu.memory_space<vmem>>) target_semaphore(%run_scoped3A : memref<!tpu.dma_semaphore, #tpu.memory_space<semaphore_mem>>)
        %dma_wait3A_53 = tpu.memref_slice %arg6[%multiple_of3A_28] : memref<9600000xf32, #tpu.memory_space<hbm>> -> memref<6000xf32, #tpu.memory_space<hbm>>
        %dma_wait3A_54 = tpu.memref_slice %arg6[%multiple_of3A_28] : memref<9600000xf32, #tpu.memory_space<hbm>> -> memref<6000xf32, #tpu.memory_space<hbm>>
        tpu.wait_dma2 semaphore(%run_scoped3A : memref<!tpu.dma_semaphore, #tpu.memory_space<semaphore_mem>>) src(%dma_wait3A_54 : memref<6000xf32, #tpu.memory_space<hbm>>) dst(%arg21 : memref<6000xf32, #tpu.memory_space<vmem>>)
        tpu.yield
      }) : () -> ()
      %dma_wait3A = arith.constant 0 : i32
      %dma_wait3A_36 = tpu.memref_slice %arg22[%dma_wait3A] : memref<6000xi32, #tpu.memory_space<vmem>> -> memref<6000xi32, #tpu.memory_space<vmem>>
      %dma_wait3A_37 = arith.constant 0 : i32
      %dma_wait3A_38 = tpu.memref_slice %arg8[%dma_wait3A_37] : memref<800000xf32, #tpu.memory_space<hbm>> -> memref<800000xf32, #tpu.memory_space<hbm>>
      tpu.wait_indirect_dma semaphore(%arg31 : memref<!tpu.dma_semaphore, #tpu.memory_space<semaphore_mem>>) src(%dma_wait3A_38 : memref<800000xf32, #tpu.memory_space<hbm>>) dst(%arg23 : memref<6000xf32, #tpu.memory_space<vmem>>)
      %dma_wait3A_39 = arith.constant 0 : i32
      %dma_wait3A_40 = tpu.memref_slice %arg22[%dma_wait3A_39] : memref<6000xi32, #tpu.memory_space<vmem>> -> memref<6000xi32, #tpu.memory_space<vmem>>
      %dma_wait3A_41 = arith.constant 0 : i32
      %dma_wait3A_42 = tpu.memref_slice %arg9[%dma_wait3A_41] : memref<800000xf32, #tpu.memory_space<hbm>> -> memref<800000xf32, #tpu.memory_space<hbm>>
      tpu.wait_indirect_dma semaphore(%arg32 : memref<!tpu.dma_semaphore, #tpu.memory_space<semaphore_mem>>) src(%dma_wait3A_42 : memref<800000xf32, #tpu.memory_space<hbm>>) dst(%arg24 : memref<6000xf32, #tpu.memory_space<vmem>>)
      %scan3A_43 = arith.constant 0 : i32
      %scan3A_44 = arith.constant 0 : i32
      %scan3A_45 = arith.constant 375 : i32
      %scan3A_46 = arith.addi %scan3A_44, %scan3A_45 : i32
      %scan3A_47 = arith.constant 1 : i32
      %scan3A_48 = scf.for %scan3A_51 = %scan3A_44 to %scan3A_46 step %scan3A_47 iter_args(%scan3A_52 = %scan3A_43) -> (i32)  : i32 {
        %mul3A_53 = arith.constant 16 : i32
        %mul3A_54 = arith.muli %scan3A_51, %mul3A_53 : i32
        %get3A = arith.index_cast %mul3A_54 : i32 to index
        %get3A_55 = tpu.vector_load %arg17[%get3A] {strides = array<i32>} : memref<6000xf32, #tpu.memory_space<vmem>>, vector<16xf32>,
        %get3A_56 = vector.shape_cast %get3A_55 : vector<16xf32> to vector<16xf32>
        %mul3A_57 = arith.constant 2.000000e+00 : f32
        %mul3A_58 = vector.broadcast %mul3A_57 : f32 to vector<16xf32>
        %mul3A_59 = arith.mulf %get3A_56, %mul3A_58 : vector<16xf32>
        %neg3A = arith.constant 0.000000e+00 : f32
        %neg3A_60 = vector.broadcast %neg3A : f32 to vector<16xf32>
        %neg3A_61 = arith.subf %neg3A_60, %mul3A_59 : vector<16xf32>
        %exp3A = math.exp %neg3A_61 : vector<16xf32>
        %mul3A_62 = arith.mulf %exp3A, %exp3A : vector<16xf32>
        %sub3A = arith.constant 1.000000e+00 : f32
        %sub3A_63 = vector.broadcast %sub3A : f32 to vector<16xf32>
        %sub3A_64 = arith.subf %sub3A_63, %mul3A_62 : vector<16xf32>
        %max3A = arith.constant 9.99999974E-6 : f32
        %max3A_65 = vector.broadcast %max3A : f32 to vector<16xf32>
        %max3A_66 = arith.maximumf %sub3A_64, %max3A_65 : vector<16xf32>
        %bitcast_convert_type3A = tpu.bitcast %max3A_66 : vector<16xf32> -> vector<16xi32>
        %shift_right_arithmetic3A = arith.constant 1 : i32
        %shift_right_arithmetic3A_67 = vector.broadcast %shift_right_arithmetic3A : i32 to vector<16xi32>
        %shift_right_arithmetic3A_68 = arith.shrsi %bitcast_convert_type3A, %shift_right_arithmetic3A_67 : vector<16xi32>
        %add3A_69 = arith.constant 532487669 : i32
        %add3A_70 = vector.broadcast %add3A_69 : i32 to vector<16xi32>
        %add3A_71 = arith.addi %shift_right_arithmetic3A_68, %add3A_70 : vector<16xi32>
        %bitcast_convert_type3A_72 = tpu.bitcast %add3A_71 : vector<16xi32> -> vector<16xf32>
        %div3A = arith.divf %max3A_66, %bitcast_convert_type3A_72 : vector<16xf32>
        %add3A_73 = arith.addf %bitcast_convert_type3A_72, %div3A : vector<16xf32>
        %mul3A_74 = arith.constant 5.000000e-01 : f32
        %mul3A_75 = vector.broadcast %mul3A_74 : f32 to vector<16xf32>
        %mul3A_76 = arith.mulf %mul3A_75, %add3A_73 : vector<16xf32>
        %div3A_77 = arith.divf %max3A_66, %mul3A_76 : vector<16xf32>
        %add3A_78 = arith.addf %mul3A_76, %div3A_77 : vector<16xf32>
        %mul3A_79 = arith.constant 5.000000e-01 : f32
        %mul3A_80 = vector.broadcast %mul3A_79 : f32 to vector<16xf32>
        %mul3A_81 = arith.mulf %mul3A_80, %add3A_78 : vector<16xf32>
        %div3A_82 = arith.divf %max3A_66, %mul3A_81 : vector<16xf32>
        %add3A_83 = arith.addf %mul3A_81, %div3A_82 : vector<16xf32>
        %mul3A_84 = arith.constant 5.000000e-01 : f32
        %mul3A_85 = vector.broadcast %mul3A_84 : f32 to vector<16xf32>
        %mul3A_86 = arith.mulf %mul3A_85, %add3A_83 : vector<16xf32>
        %sub3A_87 = arith.constant 1.000000e+00 : f32
        %sub3A_88 = vector.broadcast %sub3A_87 : f32 to vector<16xf32>
        %sub3A_89 = arith.subf %sub3A_88, %exp3A : vector<16xf32>
        %add3A_90 = arith.constant 1.000000e+00 : f32
        %add3A_91 = vector.broadcast %add3A_90 : f32 to vector<16xf32>
        %add3A_92 = arith.addf %add3A_91, %exp3A : vector<16xf32>
        %div3A_93 = arith.divf %sub3A_89, %add3A_92 : vector<16xf32>
        %mul3A_94 = arith.constant 2.000000e+00 : f32
        %mul3A_95 = vector.broadcast %mul3A_94 : f32 to vector<16xf32>
        %mul3A_96 = arith.mulf %mul3A_95, %mul3A_59 : vector<16xf32>
        %mul3A_97 = arith.constant 8.000000e+00 : f32
        %mul3A_98 = vector.broadcast %mul3A_97 : f32 to vector<16xf32>
        %mul3A_99 = arith.mulf %mul3A_98, %exp3A : vector<16xf32>
        %add3A_100 = arith.constant 1.000000e+00 : f32
        %add3A_101 = vector.broadcast %add3A_100 : f32 to vector<16xf32>
        %add3A_102 = arith.addf %exp3A, %add3A_101 : vector<16xf32>
        %div3A_103 = arith.divf %mul3A_99, %add3A_102 : vector<16xf32>
        %add3A_104 = arith.addf %mul3A_96, %div3A_103 : vector<16xf32>
        %sub3A_105 = arith.constant 4.000000e+00 : f32
        %sub3A_106 = vector.broadcast %sub3A_105 : f32 to vector<16xf32>
        %sub3A_107 = arith.subf %add3A_104, %sub3A_106 : vector<16xf32>
        %max3A_108 = arith.constant 9.99999974E-6 : f32
        %max3A_109 = vector.broadcast %max3A_108 : f32 to vector<16xf32>
        %max3A_110 = arith.maximumf %sub3A_107, %max3A_109 : vector<16xf32>
        %bitcast_convert_type3A_111 = tpu.bitcast %max3A_110 : vector<16xf32> -> vector<16xi32>
        %shift_right_arithmetic3A_112 = arith.constant 1 : i32
        %shift_right_arithmetic3A_113 = vector.broadcast %shift_right_arithmetic3A_112 : i32 to vector<16xi32>
        %shift_right_arithmetic3A_114 = arith.shrsi %bitcast_convert_type3A_111, %shift_right_arithmetic3A_113 : vector<16xi32>
        %add3A_115 = arith.constant 532487669 : i32
        %add3A_116 = vector.broadcast %add3A_115 : i32 to vector<16xi32>
        %add3A_117 = arith.addi %shift_right_arithmetic3A_114, %add3A_116 : vector<16xi32>
        %bitcast_convert_type3A_118 = tpu.bitcast %add3A_117 : vector<16xi32> -> vector<16xf32>
        %div3A_119 = arith.divf %max3A_110, %bitcast_convert_type3A_118 : vector<16xf32>
        %add3A_120 = arith.addf %bitcast_convert_type3A_118, %div3A_119 : vector<16xf32>
        %mul3A_121 = arith.constant 5.000000e-01 : f32
        %mul3A_122 = vector.broadcast %mul3A_121 : f32 to vector<16xf32>
        %mul3A_123 = arith.mulf %mul3A_122, %add3A_120 : vector<16xf32>
        %div3A_124 = arith.divf %max3A_110, %mul3A_123 : vector<16xf32>
        %add3A_125 = arith.addf %mul3A_123, %div3A_124 : vector<16xf32>
        %mul3A_126 = arith.constant 5.000000e-01 : f32
        %mul3A_127 = vector.broadcast %mul3A_126 : f32 to vector<16xf32>
        %mul3A_128 = arith.mulf %mul3A_127, %add3A_125 : vector<16xf32>
        %div3A_129 = arith.divf %max3A_110, %mul3A_128 : vector<16xf32>
        %add3A_130 = arith.addf %mul3A_128, %div3A_129 : vector<16xf32>
        %mul3A_131 = arith.constant 5.000000e-01 : f32
        %mul3A_132 = vector.broadcast %mul3A_131 : f32 to vector<16xf32>
        %mul3A_133 = arith.mulf %mul3A_132, %add3A_130 : vector<16xf32>
        %mul3A_134 = arith.constant 0.159154937 : f32
        %mul3A_135 = vector.broadcast %mul3A_134 : f32 to vector<16xf32>
        %mul3A_136 = arith.mulf %mul3A_135, %mul3A_133 : vector<16xf32>
        %get3A_137 = arith.index_cast %mul3A_54 : i32 to index
        %get3A_138 = tpu.vector_load %arg18[%get3A_137] {strides = array<i32>} : memref<6000xf32, #tpu.memory_space<vmem>>, vector<16xf32>,
        %get3A_139 = vector.shape_cast %get3A_138 : vector<16xf32> to vector<16xf32>
        %get3A_140 = arith.index_cast %mul3A_54 : i32 to index
        %get3A_141 = tpu.vector_load %arg19[%get3A_140] {strides = array<i32>} : memref<6000xf32, #tpu.memory_space<vmem>>, vector<16xf32>,
        %get3A_142 = vector.shape_cast %get3A_141 : vector<16xf32> to vector<16xf32>
        %get3A_143 = arith.index_cast %mul3A_54 : i32 to index
        %get3A_144 = tpu.vector_load %arg20[%get3A_143] {strides = array<i32>} : memref<6000xf32, #tpu.memory_space<vmem>>, vector<16xf32>,
        %get3A_145 = vector.shape_cast %get3A_144 : vector<16xf32> to vector<16xf32>
        %get3A_146 = arith.index_cast %mul3A_54 : i32 to index
        %get3A_147 = tpu.vector_load %arg23[%get3A_146] {strides = array<i32>} : memref<6000xf32, #tpu.memory_space<vmem>>, vector<16xf32>,
        %get3A_148 = vector.shape_cast %get3A_147 : vector<16xf32> to vector<16xf32>
        %sub3A_149 = arith.subf %get3A_145, %get3A_148 : vector<16xf32>
        %mul3A_150 = arith.constant 0.159154937 : f32
        %mul3A_151 = vector.broadcast %mul3A_150 : f32 to vector<16xf32>
        %mul3A_152 = arith.mulf %mul3A_151, %sub3A_149 : vector<16xf32>
        %mul3A_153 = arith.mulf %exp3A, %get3A_142 : vector<16xf32>
        %mul3A_154 = arith.mulf %mul3A_86, %mul3A_152 : vector<16xf32>
        %add3A_155 = arith.addf %mul3A_153, %mul3A_154 : vector<16xf32>
        %get3A_156 = arith.index_cast %mul3A_54 : i32 to index
        %get3A_157 = tpu.vector_load %arg21[%get3A_156] {strides = array<i32>} : memref<6000xf32, #tpu.memory_space<vmem>>, vector<16xf32>,
        %get3A_158 = vector.shape_cast %get3A_157 : vector<16xf32> to vector<16xf32>
        %get3A_159 = arith.index_cast %mul3A_54 : i32 to index
        %get3A_160 = tpu.vector_load %arg24[%get3A_159] {strides = array<i32>} : memref<6000xf32, #tpu.memory_space<vmem>>, vector<16xf32>,
        %get3A_161 = vector.shape_cast %get3A_160 : vector<16xf32> to vector<16xf32>
        %sub3A_162 = arith.subf %get3A_158, %get3A_161 : vector<16xf32>
        %add3A_163 = arith.addf %add3A_155, %get3A_142 : vector<16xf32>
        %mul3A_164 = arith.mulf %div3A_93, %add3A_163 : vector<16xf32>
        %mul3A_165 = arith.mulf %mul3A_136, %sub3A_162 : vector<16xf32>
        %add3A_166 = arith.addf %mul3A_164, %mul3A_165 : vector<16xf32>
        %add3A_167 = arith.constant 5.000000e-01 : f32
        %add3A_168 = vector.broadcast %add3A_167 : f32 to vector<16xf32>
        %add3A_169 = arith.addf %add3A_166, %add3A_168 : vector<16xf32>
        %rem3A = arith.constant 1.000000e+00 : f32
        %rem3A_170 = vector.broadcast %rem3A : f32 to vector<16xf32>
        %rem3A_171 = arith.remf %add3A_169, %rem3A_170 : vector<16xf32>
        %lt3A = arith.constant 0.000000e+00 : f32
        %lt3A_172 = vector.broadcast %lt3A : f32 to vector<16xf32>
        %lt3A_173 = arith.cmpf olt, %rem3A_171, %lt3A_172 : vector<16xf32>
        %add3A_174 = arith.constant 1.000000e+00 : f32
        %add3A_175 = vector.broadcast %add3A_174 : f32 to vector<16xf32>
        %add3A_176 = arith.addf %rem3A_171, %add3A_175 : vector<16xf32>
        %select_n3A = arith.select %lt3A_173, %add3A_176, %rem3A_171 : vector<16xi1>, vector<16xf32>
        %sub3A_177 = arith.constant 5.000000e-01 : f32
        %sub3A_178 = vector.broadcast %sub3A_177 : f32 to vector<16xf32>
        %sub3A_179 = arith.subf %select_n3A, %sub3A_178 : vector<16xf32>
        %add3A_180 = arith.constant 5.000000e-01 : f32
        %add3A_181 = vector.broadcast %add3A_180 : f32 to vector<16xf32>
        %add3A_182 = arith.addf %get3A_139, %add3A_181 : vector<16xf32>
        %rem3A_183 = arith.constant 1.000000e+00 : f32
        %rem3A_184 = vector.broadcast %rem3A_183 : f32 to vector<16xf32>
        %rem3A_185 = arith.remf %add3A_182, %rem3A_184 : vector<16xf32>
        %lt3A_186 = arith.constant 0.000000e+00 : f32
        %lt3A_187 = vector.broadcast %lt3A_186 : f32 to vector<16xf32>
        %lt3A_188 = arith.cmpf olt, %rem3A_185, %lt3A_187 : vector<16xf32>
        %add3A_189 = arith.constant 1.000000e+00 : f32
        %add3A_190 = vector.broadcast %add3A_189 : f32 to vector<16xf32>
        %add3A_191 = arith.addf %rem3A_185, %add3A_190 : vector<16xf32>
        %select_n3A_192 = arith.select %lt3A_188, %add3A_191, %rem3A_185 : vector<16xi1>, vector<16xf32>
        %sub3A_193 = arith.constant 5.000000e-01 : f32
        %sub3A_194 = vector.broadcast %sub3A_193 : f32 to vector<16xf32>
        %sub3A_195 = arith.subf %select_n3A_192, %sub3A_194 : vector<16xf32>
        %add3A_196 = arith.addf %sub3A_195, %sub3A_179 : vector<16xf32>
        %add3A_197 = arith.constant 5.000000e-01 : f32
        %add3A_198 = vector.broadcast %add3A_197 : f32 to vector<16xf32>
        %add3A_199 = arith.addf %add3A_196, %add3A_198 : vector<16xf32>
        %rem3A_200 = arith.constant 1.000000e+00 : f32
        %rem3A_201 = vector.broadcast %rem3A_200 : f32 to vector<16xf32>
        %rem3A_202 = arith.remf %add3A_199, %rem3A_201 : vector<16xf32>
        %lt3A_203 = arith.constant 0.000000e+00 : f32
        %lt3A_204 = vector.broadcast %lt3A_203 : f32 to vector<16xf32>
        %lt3A_205 = arith.cmpf olt, %rem3A_202, %lt3A_204 : vector<16xf32>
        %add3A_206 = arith.constant 1.000000e+00 : f32
        %add3A_207 = vector.broadcast %add3A_206 : f32 to vector<16xf32>
        %add3A_208 = arith.addf %rem3A_202, %add3A_207 : vector<16xf32>
        %select_n3A_209 = arith.select %lt3A_205, %add3A_208, %rem3A_202 : vector<16xi1>, vector<16xf32>
        %sub3A_210 = arith.constant 5.000000e-01 : f32
        %sub3A_211 = vector.broadcast %sub3A_210 : f32 to vector<16xf32>
        %sub3A_212 = arith.subf %select_n3A_209, %sub3A_211 : vector<16xf32>
        %swap3A = arith.index_cast %mul3A_54 : i32 to index
        %swap3A_213 = tpu.vector_load %arg25[%swap3A] {strides = array<i32>} : memref<6000xf32, #tpu.memory_space<vmem>>, vector<16xf32>,
        %swap3A_214 = vector.shape_cast %swap3A_213 : vector<16xf32> to vector<16xf32>
        %swap3A_215 = vector.shape_cast %add3A_155 : vector<16xf32> to vector<16xf32>
        tpu.vector_store %arg25[%swap3A], %swap3A_215 {strides = array<i32>} : memref<6000xf32, #tpu.memory_space<vmem>>, vector<16xf32>,
        %swap3A_216 = arith.index_cast %mul3A_54 : i32 to index
        %swap3A_217 = tpu.vector_load %arg26[%swap3A_216] {strides = array<i32>} : memref<6000xf32, #tpu.memory_space<vmem>>, vector<16xf32>,
        %swap3A_218 = vector.shape_cast %swap3A_217 : vector<16xf32> to vector<16xf32>
        %swap3A_219 = vector.shape_cast %mul3A_152 : vector<16xf32> to vector<16xf32>
        tpu.vector_store %arg26[%swap3A_216], %swap3A_219 {strides = array<i32>} : memref<6000xf32, #tpu.memory_space<vmem>>, vector<16xf32>,
        %swap3A_220 = arith.index_cast %mul3A_54 : i32 to index
        %swap3A_221 = tpu.vector_load %arg27[%swap3A_220] {strides = array<i32>} : memref<6000xf32, #tpu.memory_space<vmem>>, vector<16xf32>,
        %swap3A_222 = vector.shape_cast %swap3A_221 : vector<16xf32> to vector<16xf32>
        %swap3A_223 = vector.shape_cast %sub3A_162 : vector<16xf32> to vector<16xf32>
        tpu.vector_store %arg27[%swap3A_220], %swap3A_223 {strides = array<i32>} : memref<6000xf32, #tpu.memory_space<vmem>>, vector<16xf32>,
        %swap3A_224 = arith.index_cast %mul3A_54 : i32 to index
        %swap3A_225 = tpu.vector_load %arg28[%swap3A_224] {strides = array<i32>} : memref<6000xf32, #tpu.memory_space<vmem>>, vector<16xf32>,
        %swap3A_226 = vector.shape_cast %swap3A_225 : vector<16xf32> to vector<16xf32>
        %swap3A_227 = vector.shape_cast %sub3A_179 : vector<16xf32> to vector<16xf32>
        tpu.vector_store %arg28[%swap3A_224], %swap3A_227 {strides = array<i32>} : memref<6000xf32, #tpu.memory_space<vmem>>, vector<16xf32>,
        %swap3A_228 = arith.index_cast %mul3A_54 : i32 to index
        %swap3A_229 = tpu.vector_load %arg29[%swap3A_228] {strides = array<i32>} : memref<6000xf32, #tpu.memory_space<vmem>>, vector<16xf32>,
        %swap3A_230 = vector.shape_cast %swap3A_229 : vector<16xf32> to vector<16xf32>
        %swap3A_231 = vector.shape_cast %sub3A_212 : vector<16xf32> to vector<16xf32>
        tpu.vector_store %arg29[%swap3A_228], %swap3A_231 {strides = array<i32>} : memref<6000xf32, #tpu.memory_space<vmem>>, vector<16xf32>,
        %scan3A_232 = arith.constant 0 : i32
        scf.yield %scan3A_232 : i32
      }
      %scan3A_49 = arith.constant 375 : i32
      "tpu.region"() ({
        %run_scoped3A = tpu.sem_alloc : memref<!tpu.dma_semaphore, #tpu.memory_space<semaphore_mem>>
        %dma_start3A_51 = arith.constant 0 : i32
        %dma_start3A_52 = tpu.memref_slice %arg22[%dma_start3A_51] : memref<6000xi32, #tpu.memory_space<vmem>> -> memref<6000xi32, #tpu.memory_space<vmem>>
        %dma_start3A_53 = arith.constant 0 : i32
        %dma_start3A_54 = tpu.memref_slice %arg30[%dma_start3A_53] : memref<800000xf32, #tpu.memory_space<vmem_shared>> -> memref<800000xf32, #tpu.memory_space<vmem_shared>>
        tpu.enqueue_indirect_dma source(%arg29 : memref<6000xf32, #tpu.memory_space<vmem>>) target(%dma_start3A_54 : memref<800000xf32, #tpu.memory_space<vmem_shared>>) offsets(%dma_start3A_52 : memref<6000xi32, #tpu.memory_space<vmem>>) semaphore(%run_scoped3A : memref<!tpu.dma_semaphore, #tpu.memory_space<semaphore_mem>>) {add = true}
        %dma_wait3A_55 = arith.constant 0 : i32
        %dma_wait3A_56 = tpu.memref_slice %arg22[%dma_wait3A_55] : memref<6000xi32, #tpu.memory_space<vmem>> -> memref<6000xi32, #tpu.memory_space<vmem>>
        %dma_wait3A_57 = arith.constant 0 : i32
        %dma_wait3A_58 = tpu.memref_slice %arg30[%dma_wait3A_57] : memref<800000xf32, #tpu.memory_space<vmem_shared>> -> memref<800000xf32, #tpu.memory_space<vmem_shared>>
        tpu.wait_indirect_dma semaphore(%run_scoped3A : memref<!tpu.dma_semaphore, #tpu.memory_space<semaphore_mem>>) src(%arg29 : memref<6000xf32, #tpu.memory_space<vmem>>) dst(%dma_wait3A_58 : memref<800000xf32, #tpu.memory_space<vmem_shared>>)
        tpu.yield
      }) : () -> ()
      "tpu.region"() ({
        %run_scoped3A = tpu.sem_alloc : memref<!tpu.dma_semaphore, #tpu.memory_space<semaphore_mem>>
        %dma_start3A_51 = tpu.memref_slice %arg11[%multiple_of3A_28] : memref<9600000xf32, #tpu.memory_space<hbm>> -> memref<6000xf32, #tpu.memory_space<hbm>>
        %dma_start3A_52 = tpu.memref_slice %arg11[%multiple_of3A_28] : memref<9600000xf32, #tpu.memory_space<hbm>> -> memref<6000xf32, #tpu.memory_space<hbm>>
        tpu.enqueue_dma source(%arg25 : memref<6000xf32, #tpu.memory_space<vmem>>) target(%dma_start3A_52 : memref<6000xf32, #tpu.memory_space<hbm>>) target_semaphore(%run_scoped3A : memref<!tpu.dma_semaphore, #tpu.memory_space<semaphore_mem>>)
        %dma_wait3A_53 = tpu.memref_slice %arg11[%multiple_of3A_28] : memref<9600000xf32, #tpu.memory_space<hbm>> -> memref<6000xf32, #tpu.memory_space<hbm>>
        %dma_wait3A_54 = tpu.memref_slice %arg11[%multiple_of3A_28] : memref<9600000xf32, #tpu.memory_space<hbm>> -> memref<6000xf32, #tpu.memory_space<hbm>>
        tpu.wait_dma2 semaphore(%run_scoped3A : memref<!tpu.dma_semaphore, #tpu.memory_space<semaphore_mem>>) src(%arg25 : memref<6000xf32, #tpu.memory_space<vmem>>) dst(%dma_wait3A_54 : memref<6000xf32, #tpu.memory_space<hbm>>)
        tpu.yield
      }) : () -> ()
      "tpu.region"() ({
        %run_scoped3A = tpu.sem_alloc : memref<!tpu.dma_semaphore, #tpu.memory_space<semaphore_mem>>
        %dma_start3A_51 = tpu.memref_slice %arg12[%multiple_of3A_28] : memref<9600000xf32, #tpu.memory_space<hbm>> -> memref<6000xf32, #tpu.memory_space<hbm>>
        %dma_start3A_52 = tpu.memref_slice %arg12[%multiple_of3A_28] : memref<9600000xf32, #tpu.memory_space<hbm>> -> memref<6000xf32, #tpu.memory_space<hbm>>
        tpu.enqueue_dma source(%arg26 : memref<6000xf32, #tpu.memory_space<vmem>>) target(%dma_start3A_52 : memref<6000xf32, #tpu.memory_space<hbm>>) target_semaphore(%run_scoped3A : memref<!tpu.dma_semaphore, #tpu.memory_space<semaphore_mem>>)
        %dma_wait3A_53 = tpu.memref_slice %arg12[%multiple_of3A_28] : memref<9600000xf32, #tpu.memory_space<hbm>> -> memref<6000xf32, #tpu.memory_space<hbm>>
        %dma_wait3A_54 = tpu.memref_slice %arg12[%multiple_of3A_28] : memref<9600000xf32, #tpu.memory_space<hbm>> -> memref<6000xf32, #tpu.memory_space<hbm>>
        tpu.wait_dma2 semaphore(%run_scoped3A : memref<!tpu.dma_semaphore, #tpu.memory_space<semaphore_mem>>) src(%arg26 : memref<6000xf32, #tpu.memory_space<vmem>>) dst(%dma_wait3A_54 : memref<6000xf32, #tpu.memory_space<hbm>>)
        tpu.yield
      }) : () -> ()
      "tpu.region"() ({
        %run_scoped3A = tpu.sem_alloc : memref<!tpu.dma_semaphore, #tpu.memory_space<semaphore_mem>>
        %dma_start3A_51 = tpu.memref_slice %arg13[%multiple_of3A_28] : memref<9600000xf32, #tpu.memory_space<hbm>> -> memref<6000xf32, #tpu.memory_space<hbm>>
        %dma_start3A_52 = tpu.memref_slice %arg13[%multiple_of3A_28] : memref<9600000xf32, #tpu.memory_space<hbm>> -> memref<6000xf32, #tpu.memory_space<hbm>>
        tpu.enqueue_dma source(%arg27 : memref<6000xf32, #tpu.memory_space<vmem>>) target(%dma_start3A_52 : memref<6000xf32, #tpu.memory_space<hbm>>) target_semaphore(%run_scoped3A : memref<!tpu.dma_semaphore, #tpu.memory_space<semaphore_mem>>)
        %dma_wait3A_53 = tpu.memref_slice %arg13[%multiple_of3A_28] : memref<9600000xf32, #tpu.memory_space<hbm>> -> memref<6000xf32, #tpu.memory_space<hbm>>
        %dma_wait3A_54 = tpu.memref_slice %arg13[%multiple_of3A_28] : memref<9600000xf32, #tpu.memory_space<hbm>> -> memref<6000xf32, #tpu.memory_space<hbm>>
        tpu.wait_dma2 semaphore(%run_scoped3A : memref<!tpu.dma_semaphore, #tpu.memory_space<semaphore_mem>>) src(%arg27 : memref<6000xf32, #tpu.memory_space<vmem>>) dst(%dma_wait3A_54 : memref<6000xf32, #tpu.memory_space<hbm>>)
        tpu.yield
      }) : () -> ()
      "tpu.region"() ({
        %run_scoped3A = tpu.sem_alloc : memref<!tpu.dma_semaphore, #tpu.memory_space<semaphore_mem>>
        %dma_start3A_51 = tpu.memref_slice %arg14[%multiple_of3A_28] : memref<9600000xf32, #tpu.memory_space<hbm>> -> memref<6000xf32, #tpu.memory_space<hbm>>
        %dma_start3A_52 = tpu.memref_slice %arg14[%multiple_of3A_28] : memref<9600000xf32, #tpu.memory_space<hbm>> -> memref<6000xf32, #tpu.memory_space<hbm>>
        tpu.enqueue_dma source(%arg28 : memref<6000xf32, #tpu.memory_space<vmem>>) target(%dma_start3A_52 : memref<6000xf32, #tpu.memory_space<hbm>>) target_semaphore(%run_scoped3A : memref<!tpu.dma_semaphore, #tpu.memory_space<semaphore_mem>>)
        %dma_wait3A_53 = tpu.memref_slice %arg14[%multiple_of3A_28] : memref<9600000xf32, #tpu.memory_space<hbm>> -> memref<6000xf32, #tpu.memory_space<hbm>>
        %dma_wait3A_54 = tpu.memref_slice %arg14[%multiple_of3A_28] : memref<9600000xf32, #tpu.memory_space<hbm>> -> memref<6000xf32, #tpu.memory_space<hbm>>
        tpu.wait_dma2 semaphore(%run_scoped3A : memref<!tpu.dma_semaphore, #tpu.memory_space<semaphore_mem>>) src(%arg28 : memref<6000xf32, #tpu.memory_space<vmem>>) dst(%dma_wait3A_54 : memref<6000xf32, #tpu.memory_space<hbm>>)
        tpu.yield
      }) : () -> ()
      "tpu.region"() ({
        %run_scoped3A = tpu.sem_alloc : memref<!tpu.dma_semaphore, #tpu.memory_space<semaphore_mem>>
        %dma_start3A_51 = tpu.memref_slice %arg15[%multiple_of3A_28] : memref<9600000xf32, #tpu.memory_space<hbm>> -> memref<6000xf32, #tpu.memory_space<hbm>>
        %dma_start3A_52 = tpu.memref_slice %arg15[%multiple_of3A_28] : memref<9600000xf32, #tpu.memory_space<hbm>> -> memref<6000xf32, #tpu.memory_space<hbm>>
        tpu.enqueue_dma source(%arg29 : memref<6000xf32, #tpu.memory_space<vmem>>) target(%dma_start3A_52 : memref<6000xf32, #tpu.memory_space<hbm>>) target_semaphore(%run_scoped3A : memref<!tpu.dma_semaphore, #tpu.memory_space<semaphore_mem>>)
        %dma_wait3A_53 = tpu.memref_slice %arg15[%multiple_of3A_28] : memref<9600000xf32, #tpu.memory_space<hbm>> -> memref<6000xf32, #tpu.memory_space<hbm>>
        %dma_wait3A_54 = tpu.memref_slice %arg15[%multiple_of3A_28] : memref<9600000xf32, #tpu.memory_space<hbm>> -> memref<6000xf32, #tpu.memory_space<hbm>>
        tpu.wait_dma2 semaphore(%run_scoped3A : memref<!tpu.dma_semaphore, #tpu.memory_space<semaphore_mem>>) src(%arg29 : memref<6000xf32, #tpu.memory_space<vmem>>) dst(%dma_wait3A_54 : memref<6000xf32, #tpu.memory_space<hbm>>)
        tpu.yield
      }) : () -> ()
      %scan3A_50 = arith.constant 0 : i32
      scf.yield %scan3A_50 : i32
    }
    %scan3A_11 = arith.constant 50 : i32
    %barrier3A_12 = arith.constant 0 : index
    tpu.barrier barrier_id(%barrier3A_12)
    %mul3A_13 = arith.constant 50000 : i32
    %mul3A_14 = arith.muli %arg1, %mul3A_13 : i32
    %multiple_of3A_15 = tpu.assume_multiple %mul3A_14, 8 : i32
    %mul3A_16 = arith.constant 50000 : i32
    %mul3A_17 = arith.muli %arg1, %mul3A_16 : i32
    %multiple_of3A_18 = tpu.assume_multiple %mul3A_17, 8 : i32
    "tpu.region"() ({
      %run_scoped3A = tpu.sem_alloc : memref<!tpu.dma_semaphore, #tpu.memory_space<semaphore_mem>>
      %dma_start3A = tpu.memref_slice %arg16[%arg0, %multiple_of3A_18] : memref<2x800000xf32, #tpu.memory_space<hbm>> -> memref<1x50000xf32, #tpu.memory_space<hbm>>
      %dma_start3A_19 = tpu.memref_squeeze %dma_start3A : memref<1x50000xf32, #tpu.memory_space<hbm>> -> memref<50000xf32, #tpu.memory_space<hbm>>
      %dma_start3A_20 = tpu.memref_slice %arg30[%multiple_of3A_15] : memref<800000xf32, #tpu.memory_space<vmem_shared>> -> memref<50000xf32, #tpu.memory_space<vmem_shared>>
      tpu.enqueue_dma source(%dma_start3A_20 : memref<50000xf32, #tpu.memory_space<vmem_shared>>) target(%dma_start3A_19 : memref<50000xf32, #tpu.memory_space<hbm>>) target_semaphore(%run_scoped3A : memref<!tpu.dma_semaphore, #tpu.memory_space<semaphore_mem>>)
      %dma_wait3A = tpu.memref_slice %arg16[%arg0, %multiple_of3A_18] : memref<2x800000xf32, #tpu.memory_space<hbm>> -> memref<1x50000xf32, #tpu.memory_space<hbm>>
      %dma_wait3A_21 = tpu.memref_squeeze %dma_wait3A : memref<1x50000xf32, #tpu.memory_space<hbm>> -> memref<50000xf32, #tpu.memory_space<hbm>>
      %dma_wait3A_22 = tpu.memref_slice %arg30[%multiple_of3A_15] : memref<800000xf32, #tpu.memory_space<vmem_shared>> -> memref<50000xf32, #tpu.memory_space<vmem_shared>>
      tpu.wait_dma2 semaphore(%run_scoped3A : memref<!tpu.dma_semaphore, #tpu.memory_space<semaphore_mem>>) src(%dma_wait3A_22 : memref<50000xf32, #tpu.memory_space<vmem_shared>>) dst(%dma_wait3A_21 : memref<50000xf32, #tpu.memory_space<hbm>>)
      tpu.yield
    }) : () -> ()
    return
  }
}

module attributes {stable_mosaic.version = 14 : i64} {
  func.func @_tc0_body(%arg0: i32, %arg1: memref<200x128xi32, #tpu.memory_space<vmem>>, %arg2: memref<200x128xf32, #tpu.memory_space<vmem>>, %arg3: memref<200x384xi32, #tpu.memory_space<vmem>>, %arg4: memref<200x128xi32, #tpu.memory_space<vmem>>, %arg5: memref<200x384xf32, #tpu.memory_space<vmem>>) attributes {dimension_semantics = [#tpu.dimension_semantics<arbitrary>], iteration_bounds = array<i64: 125>, scalar_prefetch = 0 : i64, scratch_operands = 0 : i64, tpu.core_type = #tpu.core_type<tc>, window_params = [{transform_indices = @transform_0, window_bounds = array<i64: 200, 128>}, {transform_indices = @transform_1, window_bounds = array<i64: 200, 128>}, {transform_indices = @transform_2, window_bounds = array<i64: 200, 384>}, {transform_indices = @transform_3, window_bounds = array<i64: 200, 128>}, {transform_indices = @transform_4, window_bounds = array<i64: 200, 384>}]} {
    %get3A = arith.constant 0 : index
    %get3A_0 = arith.constant 0 : index
    %get3A_1 = vector.load %arg1[%get3A, %get3A_0] : memref<200x128xi32, #tpu.memory_space<vmem>>, vector<200x128xi32>
    %mul3A = arith.constant 8 : i32
    %mul3A_2 = vector.broadcast %mul3A : i32 to vector<200x128xi32>
    %mul3A_3 = arith.muli %get3A_1, %mul3A_2 : vector<200x128xi32>
    %broadcast_in_dim3A = vector.shape_cast %mul3A_3 : vector<200x128xi32> to vector<200x128x1xi32>
    %broadcast_in_dim3A_4 = vector.shape_cast %broadcast_in_dim3A : vector<200x128x1xi32> to vector<200x128x1xi32>
    %broadcast_in_dim3A_5 = vector.broadcast %broadcast_in_dim3A_4 : vector<200x128x1xi32> to vector<200x128x3xi32>
    %reshape3A = vector.shape_cast %broadcast_in_dim3A_5 : vector<200x128x3xi32> to vector<200x384xi32>
    %iota3A = tpu.iota {dimensions = array<i32: 1>} : vector<200x384xi32>
    %jit3A = arith.constant 3 : i32
    %eq3A = arith.constant 0 : i32
    %eq3A_6 = arith.cmpi eq, %jit3A, %eq3A : i32
    %jit3A_7 = arith.constant 1 : i32
    %select_n3A = arith.select %eq3A_6, %jit3A_7, %jit3A : i32
    %rem3A = vector.broadcast %select_n3A : i32 to vector<200x384xi32>
    %rem3A_8 = arith.remsi %iota3A, %rem3A : vector<200x384xi32>
    %ne3A = arith.constant 0 : i32
    %ne3A_9 = vector.broadcast %ne3A : i32 to vector<200x384xi32>
    %ne3A_10 = arith.cmpi ne, %rem3A_8, %ne3A_9 : vector<200x384xi32>
    %lt3A = arith.constant 0 : i32
    %lt3A_11 = vector.broadcast %lt3A : i32 to vector<200x384xi32>
    %lt3A_12 = arith.cmpi slt, %rem3A_8, %lt3A_11 : vector<200x384xi32>
    %lt3A_13 = arith.constant 0 : i32
    %lt3A_14 = arith.cmpi slt, %select_n3A, %lt3A_13 : i32
    %ne3A_15 = vector.broadcast %lt3A_14 : i1 to vector<200x384xi1>
    %ne3A_16 = vector.broadcast %ne3A_15 : vector<200x384xi1> to vector<200x384xi1>
    %ne3A_17 = arith.xori %lt3A_12, %ne3A_16 : vector<200x384xi1>
    %and3A = arith.andi %ne3A_17, %ne3A_10 : vector<200x384xi1>
    %add3A = vector.broadcast %select_n3A : i32 to vector<200x384xi32>
    %add3A_18 = arith.addi %rem3A_8, %add3A : vector<200x384xi32>
    %select_n3A_19 = arith.select %and3A, %add3A_18, %rem3A_8 : vector<200x384xi1>, vector<200x384xi32>
    %add3A_20 = arith.addi %reshape3A, %select_n3A_19 : vector<200x384xi32>
    %swap3A = arith.constant 0 : index
    %swap3A_21 = arith.constant 0 : index
    %swap3A_22 = vector.load %arg3[%swap3A, %swap3A_21] : memref<200x384xi32, #tpu.memory_space<vmem>>, vector<200x384xi32>
    tpu.vector_store %arg3[%swap3A, %swap3A_21], %add3A_20 {strides = array<i32>} : memref<200x384xi32, #tpu.memory_space<vmem>>, vector<200x384xi32>,
    %add3A_23 = arith.constant 6 : i32
    %add3A_24 = vector.broadcast %add3A_23 : i32 to vector<200x128xi32>
    %add3A_25 = arith.addi %mul3A_3, %add3A_24 : vector<200x128xi32>
    %swap3A_26 = arith.constant 0 : index
    %swap3A_27 = arith.constant 0 : index
    %swap3A_28 = vector.load %arg4[%swap3A_26, %swap3A_27] : memref<200x128xi32, #tpu.memory_space<vmem>>, vector<200x128xi32>
    tpu.vector_store %arg4[%swap3A_26, %swap3A_27], %add3A_25 {strides = array<i32>} : memref<200x128xi32, #tpu.memory_space<vmem>>, vector<200x128xi32>,
    %get3A_29 = arith.constant 0 : index
    %get3A_30 = arith.constant 0 : index
    %get3A_31 = vector.load %arg2[%get3A_29, %get3A_30] : memref<200x128xf32, #tpu.memory_space<vmem>>, vector<200x128xf32>
    %broadcast_in_dim3A_32 = vector.shape_cast %get3A_31 : vector<200x128xf32> to vector<200x128x1xf32>
    %broadcast_in_dim3A_33 = vector.shape_cast %broadcast_in_dim3A_32 : vector<200x128x1xf32> to vector<200x128x1xf32>
    %broadcast_in_dim3A_34 = vector.broadcast %broadcast_in_dim3A_33 : vector<200x128x1xf32> to vector<200x128x3xf32>
    %reshape3A_35 = vector.shape_cast %broadcast_in_dim3A_34 : vector<200x128x3xf32> to vector<200x384xf32>
    %swap3A_36 = arith.constant 0 : index
    %swap3A_37 = arith.constant 0 : index
    %swap3A_38 = vector.load %arg5[%swap3A_36, %swap3A_37] : memref<200x384xf32, #tpu.memory_space<vmem>>, vector<200x384xf32>
    tpu.vector_store %arg5[%swap3A_36, %swap3A_37], %reshape3A_35 {strides = array<i32>} : memref<200x384xf32, #tpu.memory_space<vmem>>, vector<200x384xf32>,
    return
  }
  func.func @transform_0(%arg0: i32) -> (i32, i32) {
    %c0_i32 = arith.constant 0 : i32
    %c0_i32_0 = arith.constant 0 : i32
    return %arg0, %c0_i32 : i32, i32
  }
  func.func @transform_1(%arg0: i32) -> (i32, i32) {
    %c0_i32 = arith.constant 0 : i32
    %c0_i32_0 = arith.constant 0 : i32
    return %arg0, %c0_i32 : i32, i32
  }
  func.func @transform_2(%arg0: i32) -> (i32, i32) {
    %c0_i32 = arith.constant 0 : i32
    %c0_i32_0 = arith.constant 0 : i32
    return %arg0, %c0_i32 : i32, i32
  }
  func.func @transform_3(%arg0: i32) -> (i32, i32) {
    %c0_i32 = arith.constant 0 : i32
    %c0_i32_0 = arith.constant 0 : i32
    return %arg0, %c0_i32 : i32, i32
  }
  func.func @transform_4(%arg0: i32) -> (i32, i32) {
    %c0_i32 = arith.constant 0 : i32
    %c0_i32_0 = arith.constant 0 : i32
    return %arg0, %c0_i32 : i32, i32
  }
}

module attributes {stable_mosaic.version = 14 : i64} {
  func.func @_k1b_body(%arg0: i32, %arg1: memref<1x2000x8xf32, #tpu.memory_space<vmem>>, %arg2: memref<1x2000x8xf32, #tpu.memory_space<vmem>>, %arg3: memref<2000x8xf32, #tpu.memory_space<vmem>>, %arg4: memref<2000x8xf32, #tpu.memory_space<vmem>>) attributes {dimension_semantics = [#tpu.dimension_semantics<arbitrary>], iteration_bounds = array<i64: 50>, scalar_prefetch = 0 : i64, scratch_operands = 0 : i64, tpu.core_type = #tpu.core_type<tc>, window_params = [{transform_indices = @transform_0, window_bounds = array<i64: 1, 2000, 8>}, {transform_indices = @transform_1, window_bounds = array<i64: 1, 2000, 8>}, {transform_indices = @transform_2, window_bounds = array<i64: 2000, 8>}, {transform_indices = @transform_3, window_bounds = array<i64: 2000, 8>}]} {
    %get3A = arith.constant 0 : index
    %get3A_0 = arith.constant 0 : index
    %get3A_1 = arith.constant 0 : index
    %get3A_2 = vector.load %arg1[%get3A, %get3A_0, %get3A_1] : memref<1x2000x8xf32, #tpu.memory_space<vmem>>, vector<1x2000x8xf32>
    %get3A_3 = vector.shape_cast %get3A_2 : vector<1x2000x8xf32> to vector<2000x8xf32>
    %get3A_4 = arith.constant 0 : index
    %get3A_5 = arith.constant 0 : index
    %get3A_6 = arith.constant 0 : index
    %get3A_7 = vector.load %arg2[%get3A_4, %get3A_5, %get3A_6] : memref<1x2000x8xf32, #tpu.memory_space<vmem>>, vector<1x2000x8xf32>
    %get3A_8 = vector.shape_cast %get3A_7 : vector<1x2000x8xf32> to vector<2000x8xf32>
    %add3A = arith.addf %get3A_3, %get3A_8 : vector<2000x8xf32>
    %slice3A = vector.extract_strided_slice %add3A {offsets = [0, 6], sizes = [2000, 1], strides = [1, 1]} : vector<2000x8xf32> to vector<2000x1xf32>
    %max3A = arith.constant 1.000000e+00 : f32
    %max3A_9 = vector.broadcast %max3A : f32 to vector<2000x1xf32>
    %max3A_10 = arith.maximumf %slice3A, %max3A_9 : vector<2000x1xf32>
    %iota3A = tpu.iota {dimensions = array<i32: 1>} : vector<2000x8xi32>
    %lt3A = arith.constant 3 : i32
    %lt3A_11 = vector.broadcast %lt3A : i32 to vector<2000x8xi32>
    %lt3A_12 = arith.cmpi slt, %iota3A, %lt3A_11 : vector<2000x8xi32>
    %div3A = vector.broadcast %max3A_10 : vector<2000x1xf32> to vector<2000x8xf32>
    %div3A_13 = arith.divf %add3A, %div3A : vector<2000x8xf32>
    %jit3A = arith.constant 0.000000e+00 : f32
    %broadcast_in_dim3A = vector.broadcast %jit3A : f32 to vector<2000x8xf32>
    %select_n3A = arith.select %lt3A_12, %div3A_13, %broadcast_in_dim3A : vector<2000x8xi1>, vector<2000x8xf32>
    %swap3A = arith.constant 0 : index
    %swap3A_14 = arith.constant 0 : index
    %swap3A_15 = vector.load %arg3[%swap3A, %swap3A_14] : memref<2000x8xf32, #tpu.memory_space<vmem>>, vector<2000x8xf32>
    tpu.vector_store %arg3[%swap3A, %swap3A_14], %select_n3A {strides = array<i32>} : memref<2000x8xf32, #tpu.memory_space<vmem>>, vector<2000x8xf32>,
    %slice3A_16 = vector.extract_strided_slice %add3A {offsets = [0, 3], sizes = [2000, 3], strides = [1, 1]} : vector<2000x8xf32> to vector<2000x3xf32>
    %div3A_17 = vector.broadcast %max3A_10 : vector<2000x1xf32> to vector<2000x3xf32>
    %div3A_18 = arith.divf %slice3A_16, %div3A_17 : vector<2000x3xf32>
    %broadcast_in_dim3A_19 = arith.constant 0.000000e+00 : f32
    %broadcast_in_dim3A_20 = vector.broadcast %broadcast_in_dim3A_19 : f32 to vector<2000x5xf32>
    %concatenate3A = tpu.concatenate %div3A_18, %broadcast_in_dim3A_20 in 1 : vector<2000x3xf32>, vector<2000x5xf32> -> vector<2000x8xf32>
    %swap3A_21 = arith.constant 0 : index
    %swap3A_22 = arith.constant 0 : index
    %swap3A_23 = vector.load %arg4[%swap3A_21, %swap3A_22] : memref<2000x8xf32, #tpu.memory_space<vmem>>, vector<2000x8xf32>
    tpu.vector_store %arg4[%swap3A_21, %swap3A_22], %concatenate3A {strides = array<i32>} : memref<2000x8xf32, #tpu.memory_space<vmem>>, vector<2000x8xf32>,
    return
  }
  func.func @transform_0(%arg0: i32) -> (i32, i32, i32) {
    %c0_i32 = arith.constant 0 : i32
    %c0_i32_0 = arith.constant 0 : i32
    %c0_i32_1 = arith.constant 0 : i32
    return %c0_i32, %arg0, %c0_i32_0 : i32, i32, i32
  }
  func.func @transform_1(%arg0: i32) -> (i32, i32, i32) {
    %c1_i32 = arith.constant 1 : i32
    %c0_i32 = arith.constant 0 : i32
    %c0_i32_0 = arith.constant 0 : i32
    return %c1_i32, %arg0, %c0_i32 : i32, i32, i32
  }
  func.func @transform_2(%arg0: i32) -> (i32, i32) {
    %c0_i32 = arith.constant 0 : i32
    %c0_i32_0 = arith.constant 0 : i32
    return %arg0, %c0_i32 : i32, i32
  }
  func.func @transform_3(%arg0: i32) -> (i32, i32) {
    %c0_i32 = arith.constant 0 : i32
    %c0_i32_0 = arith.constant 0 : i32
    return %arg0, %c0_i32 : i32, i32
  }
}

module attributes {stable_mosaic.version = 14 : i64} {
  func.func @_k2b_body(%arg0: i32, %arg1: memref<1x2000x8xf32, #tpu.memory_space<vmem>>, %arg2: memref<1x2000x8xf32, #tpu.memory_space<vmem>>, %arg3: memref<1x2000x8xf32, #tpu.memory_space<vmem>>, %arg4: memref<1x2000x8xf32, #tpu.memory_space<vmem>>, %arg5: memref<2000x8xf32, #tpu.memory_space<vmem>>) attributes {dimension_semantics = [#tpu.dimension_semantics<arbitrary>], iteration_bounds = array<i64: 50>, scalar_prefetch = 0 : i64, scratch_operands = 0 : i64, tpu.core_type = #tpu.core_type<tc>, window_params = [{transform_indices = @transform_0, window_bounds = array<i64: 1, 2000, 8>}, {transform_indices = @transform_1, window_bounds = array<i64: 1, 2000, 8>}, {transform_indices = @transform_2, window_bounds = array<i64: 1, 2000, 8>}, {transform_indices = @transform_3, window_bounds = array<i64: 1, 2000, 8>}, {transform_indices = @transform_4, window_bounds = array<i64: 2000, 8>}]} {
    %get3A = arith.constant 0 : index
    %get3A_0 = arith.constant 0 : index
    %get3A_1 = arith.constant 0 : index
    %get3A_2 = vector.load %arg1[%get3A, %get3A_0, %get3A_1] : memref<1x2000x8xf32, #tpu.memory_space<vmem>>, vector<1x2000x8xf32>
    %get3A_3 = vector.shape_cast %get3A_2 : vector<1x2000x8xf32> to vector<2000x8xf32>
    %get3A_4 = arith.constant 0 : index
    %get3A_5 = arith.constant 0 : index
    %get3A_6 = arith.constant 0 : index
    %get3A_7 = vector.load %arg2[%get3A_4, %get3A_5, %get3A_6] : memref<1x2000x8xf32, #tpu.memory_space<vmem>>, vector<1x2000x8xf32>
    %get3A_8 = vector.shape_cast %get3A_7 : vector<1x2000x8xf32> to vector<2000x8xf32>
    %add3A = arith.addf %get3A_3, %get3A_8 : vector<2000x8xf32>
    %get3A_9 = arith.constant 0 : index
    %get3A_10 = arith.constant 0 : index
    %get3A_11 = arith.constant 0 : index
    %get3A_12 = vector.load %arg3[%get3A_9, %get3A_10, %get3A_11] : memref<1x2000x8xf32, #tpu.memory_space<vmem>>, vector<1x2000x8xf32>
    %get3A_13 = vector.shape_cast %get3A_12 : vector<1x2000x8xf32> to vector<2000x8xf32>
    %slice3A = vector.extract_strided_slice %get3A_13 {offsets = [0, 6], sizes = [2000, 1], strides = [1, 1]} : vector<2000x8xf32> to vector<2000x1xf32>
    %get3A_14 = arith.constant 0 : index
    %get3A_15 = arith.constant 0 : index
    %get3A_16 = arith.constant 0 : index
    %get3A_17 = vector.load %arg4[%get3A_14, %get3A_15, %get3A_16] : memref<1x2000x8xf32, #tpu.memory_space<vmem>>, vector<1x2000x8xf32>
    %get3A_18 = vector.shape_cast %get3A_17 : vector<1x2000x8xf32> to vector<2000x8xf32>
    %slice3A_19 = vector.extract_strided_slice %get3A_18 {offsets = [0, 6], sizes = [2000, 1], strides = [1, 1]} : vector<2000x8xf32> to vector<2000x1xf32>
    %add3A_20 = arith.addf %slice3A, %slice3A_19 : vector<2000x1xf32>
    %max3A = arith.constant 1.000000e+00 : f32
    %max3A_21 = vector.broadcast %max3A : f32 to vector<2000x1xf32>
    %max3A_22 = arith.maximumf %add3A_20, %max3A_21 : vector<2000x1xf32>
    %iota3A = tpu.iota {dimensions = array<i32: 1>} : vector<2000x8xi32>
    %lt3A = arith.constant 3 : i32
    %lt3A_23 = vector.broadcast %lt3A : i32 to vector<2000x8xi32>
    %lt3A_24 = arith.cmpi slt, %iota3A, %lt3A_23 : vector<2000x8xi32>
    %div3A = vector.broadcast %max3A_22 : vector<2000x1xf32> to vector<2000x8xf32>
    %div3A_25 = arith.divf %add3A, %div3A : vector<2000x8xf32>
    %jit3A = arith.constant 0.000000e+00 : f32
    %broadcast_in_dim3A = vector.broadcast %jit3A : f32 to vector<2000x8xf32>
    %select_n3A = arith.select %lt3A_24, %div3A_25, %broadcast_in_dim3A : vector<2000x8xi1>, vector<2000x8xf32>
    %swap3A = arith.constant 0 : index
    %swap3A_26 = arith.constant 0 : index
    %swap3A_27 = vector.load %arg5[%swap3A, %swap3A_26] : memref<2000x8xf32, #tpu.memory_space<vmem>>, vector<2000x8xf32>
    tpu.vector_store %arg5[%swap3A, %swap3A_26], %select_n3A {strides = array<i32>} : memref<2000x8xf32, #tpu.memory_space<vmem>>, vector<2000x8xf32>,
    return
  }
  func.func @transform_0(%arg0: i32) -> (i32, i32, i32) {
    %c0_i32 = arith.constant 0 : i32
    %c0_i32_0 = arith.constant 0 : i32
    %c0_i32_1 = arith.constant 0 : i32
    return %c0_i32, %arg0, %c0_i32_0 : i32, i32, i32
  }
  func.func @transform_1(%arg0: i32) -> (i32, i32, i32) {
    %c1_i32 = arith.constant 1 : i32
    %c0_i32 = arith.constant 0 : i32
    %c0_i32_0 = arith.constant 0 : i32
    return %c1_i32, %arg0, %c0_i32 : i32, i32, i32
  }
  func.func @transform_2(%arg0: i32) -> (i32, i32, i32) {
    %c0_i32 = arith.constant 0 : i32
    %c0_i32_0 = arith.constant 0 : i32
    %c0_i32_1 = arith.constant 0 : i32
    return %c0_i32, %arg0, %c0_i32_0 : i32, i32, i32
  }
  func.func @transform_3(%arg0: i32) -> (i32, i32, i32) {
    %c1_i32 = arith.constant 1 : i32
    %c0_i32 = arith.constant 0 : i32
    %c0_i32_0 = arith.constant 0 : i32
    return %c1_i32, %arg0, %c0_i32 : i32, i32, i32
  }
  func.func @transform_4(%arg0: i32) -> (i32, i32) {
    %c0_i32 = arith.constant 0 : i32
    %c0_i32_0 = arith.constant 0 : i32
    return %arg0, %c0_i32 : i32, i32
  }
}

</mosaic_0001>

<sc_bundles>
// kernel: kernel.11.cloned.1.call-start
scs
__scs_entry_jumppad:
0x0: {  	(pc) =	sbr.rel $0x88, $3  }
0x1: {  	(tag) =	ssettag $0x0;
	lr =	simm.s32 $0x1  }
0x2: {  	[smem:$0x3F9B] =	sst lr;
	_ =	strace $0xD0000000  }
0x3: {  	_ = 	snop  }
0x4: {  	_ = 	snop  }
0x5: {  	_ = 	snop  }
0x6: {  	_ = 	snop  }
0x7: {  	_ = 	snop  }
__scs_overlays_trampoline_lowered:
0x8: {  	[smem:$0x3FAA] =	sst s0  }
0x9: {  	[smem:$0x3FAB] =	sst s1  }
0xa: {  	[smem:$0x3FAC] =	sst s2  }
0xb: {  	[smem:$0x3FAD] =	sst s3  }
0xc: {  	[smem:$0x3FAE] =	sst s4  }
0xd: {  	[smem:$0x3FAF] =	sst s5  }
0xe: {  	[smem:$0x3FB0] =	sst s6  }
0xf: {  	[smem:$0x3FB1] =	sst s7  }
0x10: {  	[smem:$0x3FB2] =	sst s8  }
0x11: {  	[smem:$0x3FB3] =	sst s9;
	s0 =	simm.s32 @!p0 $0x0  }
0x12: {  	s1 =	sld [smem:$0x3F99];
	s0 =	simm.s32 @p0 $0x1  }
0x13: {  	[smem:$0x3FB4] =	sst s0;
	s0 =	simm.s32 @!p1 $0x0  }
0x14: {  	s2 =	sld [smem:$0x3F98];
	s0 =	simm.s32 @p1 $0x1  }
0x15: {  	[smem:$0x3FB5] =	sst s0;
	s0 =	simm.s32 @!p2 $0x0  }
0x16: {  	s3 =	sld [smem:$0x3FDB];
	s0 =	simm.s32 @p2 $0x1  }
0x17: {  	s4 =	simm.s32 $0x1BF5;
	[smem:$0x3FB7] =	sst s0  }
0x18: {  	s0 =	sld [smem:$0x3F9A];
	_ =	swait.ge [sflag:s4], $0x0  }
0x19: {  	s7 =	sld [smem:$0x3F9B]  }
0x1a: {  	s8 =	sadd.s32 $0xFFFFE003, lr  }
0x1b: {  	s9 =	sadd.s32 $0xFFFFFEF7, lr;
	s5 =	simm.s32 $0xFFFFFFFF;
	p2 =	slt.u32 s8, $0xFFFFF086  }
0x1c: {  	p1 =	slt.u32 s9, $0xF7A;
	s5 =	simm.s32 @!p2 $0x0  }
0x1d: {  	s5 =	simm.s32 @p1 $0x1;
	p0 =	seq.s32 s7, s2  }
0x1e: {  	s7 =	smul.u32 @!p0 $0xF7A, s2;
	p2 =	seq.s32 @!p0 s5, $0x0  }
0x1f: {  	s9 =	smul.u32 $0xF7A, s1;
	s8 =	simm.s32 @!p0 $0x1BF5;
	p2 =	por !p2, p0  }
0x20: {  	[sflag:s8] =	ssyncset.s32 @!p0 $0xFFFFF086;
	s6 =	sadd.s32 @!p0 s3, s7;
	s7 =	simm.s32 @!p0 $0x108  }
0x21: {  	s3 =	sadd.s32 s3, s9;
	s6 =	sadd.s32 @!p0 $0x88, s6;
	s7 =	simm.s32 @p2 $0x1082  }
0x22: {  	[simem:s7], [sflag:s8] =	dma.local @!p0 [hbm:s6], $0xF7A  }
0x23: {  	s9 =	sor.u32 $0xD0000000, s2;
	s6 =	simm.s32 $0x108;
	_ =	swait.ge @!p0 [sflag:s8], $0x0  }
0x24: {  	s3 =	sadd.s32 $0x88, s3;
	s6 =	simm.s32 @!p1 $0x1082;
	[sflag:s4] =	ssyncset.s32 $0xFFFFF086  }
0x25: {  	[simem:s6], [sflag:s4] =	dma.local [hbm:s3], $0xF7A  }
0x26: {  	[smem:$0x3F9B] =	sst s1;
	(tag) =	ssettag s2;
	_ =	strace s9  }
0x27: {  	s1 =	sld [smem:$0x3FAB]  }
0x28: {  	s2 =	sld [smem:$0x3FAC]  }
0x29: {  	s4 =	sld [smem:$0x3FAE]  }
0x2a: {  	p0 =	seq.s32 s5, $0x0;
	s5 =	sld [smem:$0x3FAF]  }
0x2b: {  	s6 =	sld [smem:$0x3FB0]  }
0x2c: {  	s7 =	sld [smem:$0x3FB1]  }
0x2d: {  	s3 =	simm.s32 $0x108;
	s8 =	sld [smem:$0x3FB2]  }
0x2e: {  	s3 =	simm.s32 @!p0 $0x1082;
	s9 =	sld [smem:$0x3FB3]  }
0x2f: {  	lr =	sadd.s32 s0, s3;
	s0 =	sld [smem:$0x3FAA]  }
0x30: {  	s3 =	sld [smem:$0x3FAD]  }
0x31: {  	[smem:$0x3FB6] =	sst s10  }
0x32: {  	s10 =	sld [smem:$0x3FB4];
	_ =	sdelay $0x3  }
0x33: {  	p0 =	seq.s32 s10, $0x1;
	s10 =	sld [smem:$0x3FB6];
	_ =	sdelay $0x3  }
0x34: {  	[smem:$0x3FB6] =	sst s10  }
0x35: {  	s10 =	sld [smem:$0x3FB5];
	_ =	sdelay $0x3  }
0x36: {  	p1 =	seq.s32 s10, $0x1;
	s10 =	sld [smem:$0x3FB6];
	_ =	sdelay $0x3  }
0x37: {  	[smem:$0x3FB6] =	sst s10  }
0x38: {  	s10 =	sld [smem:$0x3FB7]  }
0x39: {  	_ = 	snop;
	(pc) =	sbr.ind lr, $3  }
0x3a: {  	_ = 	snop  }
0x3b: {  	_ = 	snop  }
0x3c: {  	p2 =	seq.s32 s10, $0x1;
	s10 =	sld [smem:$0x3FB6]  }
0x3d: {  	_ =	shalt  }
0x3e: {  	_ =	shalt  }
0x3f: {  	_ =	shalt  }
0x40: {  	_ =	shalt  }
0x41: {  	_ =	shalt  }
0x42: {  	_ =	shalt  }
0x43: {  	_ =	shalt  }
0x44: {  	_ =	shalt  }
0x45: {  	_ =	shalt  }
0x46: {  	_ =	shalt  }
0x47: {  	_ =	shalt  }
0x48: {  	_ =	shalt  }
0x49: {  	_ =	shalt  }
0x4a: {  	_ =	shalt  }
0x4b: {  	_ =	shalt  }
0x4c: {  	_ =	shalt  }
0x4d: {  	_ =	shalt  }
0x4e: {  	_ =	shalt  }
0x4f: {  	_ =	shalt  }
0x50: {  	_ =	shalt  }
0x51: {  	_ =	shalt  }
0x52: {  	_ =	shalt  }
0x53: {  	_ =	shalt  }
0x54: {  	_ =	shalt  }
0x55: {  	_ =	shalt  }
0x56: {  	_ =	shalt  }
0x57: {  	_ =	shalt  }
0x58: {  	_ =	shalt  }
0x59: {  	_ =	shalt  }
0x5a: {  	_ =	shalt  }
0x5b: {  	_ =	shalt  }
0x5c: {  	_ =	shalt  }
0x5d: {  	_ =	shalt  }
0x5e: {  	_ =	shalt  }
0x5f: {  	_ =	shalt  }
0x60: {  	_ =	shalt  }
0x61: {  	_ =	shalt  }
0x62: {  	_ =	shalt  }
0x63: {  	_ =	shalt  }
0x64: {  	_ =	shalt  }
0x65: {  	_ =	shalt  }
0x66: {  	_ =	shalt  }
0x67: {  	_ =	shalt  }
0x68: {  	_ =	shalt  }
0x69: {  	_ =	shalt  }
0x6a: {  	_ =	shalt  }
0x6b: {  	_ =	shalt  }
0x6c: {  	_ =	shalt  }
0x6d: {  	_ =	shalt  }
0x6e: {  	_ =	shalt  }
0x6f: {  	_ =	shalt  }
0x70: {  	_ =	shalt  }
0x71: {  	_ =	shalt  }
0x72: {  	_ =	shalt  }
0x73: {  	_ =	shalt  }
0x74: {  	_ =	shalt  }
0x75: {  	_ =	shalt  }
0x76: {  	_ =	shalt  }
0x77: {  	_ =	shalt  }
0x78: {  	_ =	shalt  }
0x79: {  	_ =	shalt  }
0x7a: {  	_ =	shalt  }
0x7b: {  	_ =	shalt  }
0x7c: {  	_ =	shalt  }
0x7d: {  	_ =	shalt  }
0x7e: {  	_ =	shalt  }
0x7f: {  	_ =	shalt  }
0x80: {  	_ =	shalt  }
0x81: {  	_ =	shalt  }
0x82: {  	_ =	shalt  }
0x83: {  	_ =	shalt  }
0x84: {  	_ =	shalt  }
0x85: {  	_ =	shalt  }
0x86: {  	_ =	shalt  }
0x87: {  	_ =	shalt  }
.Lfunc_end0:
.L_simem_size_0:
called_computation.6_lowered:
.L_overlay_start_0:
0x88: {  	s2 =	sld [smem:$0x3FD9]  }
0x89: {  	s3 =	sld [smem:$0x3FFE];
	_ =	sdelay $0x1  }
0x8a: {  	s1 =	srdreg.scid  }
0x8b: {  	s0 =	sand.u32 $0x1, s1  }
0x8c: {  	s14 =	sshll.u32 s0, $0xA;
	s2 =	sadd.s32 s3, s2  }
0x8d: {  	s2 =	sadd.s32 s2, s14  }
0x8e: {  	[smem:$0x3FC2] =	sst s2  }
0x8f: {  	_ = 	snop  }
0x90: {  	s2 =	sld [smem:$0x3FD0];
	_ =	sdelay $0x2  }
0x91: {  	s15 =	simm.s32 $0xE;
	s4 =	simm.s32 $0x10  }
0x92: {  	[smem:s4], [sflag:s15] =	dma.local [hbm:s2], $0x1  }
0x93: {  	_ =	swait.eq [sflag:s15], $0x1  }
0x94: {  	s16 =	sld [smem:$0x10]  }
0x95: {  	s17 =	sld [smem:$0x11]  }
0x96: {  	s5 =	sld [smem:$0x12];
	[sflag:s15] =	ssyncset.done $0x0  }
0x97: {  	s6 =	sld [smem:$0x13];
	[sflag:s15] =	ssyncadd.s32 $0xFFFFFFFF  }
0x98: {  	s18 =	sld [smem:$0x14];
	(tm) =	ssettm $0x1  }
0x99: {  	s7 =	sld [smem:$0x3FFB];
	_ =	sdelay $0x3  }
0x9a: {  	_ =	strace s7  }
0x9b: {  	s7 =	sld [smem:$0x3FFC];
	_ =	sdelay $0x3  }
0x9c: {  	_ =	strace s7  }
0x9d: {  	s7 =	sld [smem:$0x3FFD];
	_ =	sdelay $0x3  }
0x9e: {  	_ =	strace s7  }
0x9f: {  	_ =	strace $0x8FFFFFFF  }
0xa0: {  	s19 =	sld [smem:$0x3FDB];
	_ =	sdelay $0x1  }
0xa1: {  	s8 =	simm.s32 $_scs_section_size  }
0xa2: {  	s9 =	simm.s32 $_size__tile_overlayer_lowered;
	s10 =	simm.s32 $_tile_overlayer_lowered  }
0xa3: {  	s22 =	simm.s32 $0x1BFF;
	s21 =	sshll.u32 s10, $0x1;
	s7 =	sadd.s32 s8, s19  }
0xa4: {  	s11 =	simm.s32 $0x0;
	s20 =	sshll.u32 s9, $0x1;
	s9 =	sadd.s32 s21, s7  }
0xa5: {  	[timem:s11], [sflag:s22] =	dma.local [hbm:s9], s20  }
0xa6: {  	_ =	swait.ge [sflag:s22], s20  }
0xa7: {  	s8 =	ssub.s32 $0x0, s20;
	[sflag:s22] =	ssyncset.done $0x0  }
0xa8: {  	[sflag:s22] =	ssyncadd.s32 s8;
	_ =	sdelay $0x1  }
0xa9: {  	s23 =	simm.s32 $0x1B8B  }
0xaa: {  	_ =	swait.ge [sflag:s23], $0x1  }
0xab: {  	[sflag:s23] =	ssyncset.done $0x0  }
0xac: {  	s25 =	simm.s32 $0x1B8E;
	s24 =	sld [smem:$0x3FFE];
	[sflag:s23] =	ssyncadd.s32 $0xFFFFFFFF  }
0xad: {  	s26 =	simm.s32 $execute0_lowered;
	[smem:$0x3FD2] =	sst s25  }
0xae: {  	s9 =	sshll.u32 s26, $0x1;
	_ =	strace $0x80000049;
	[dreg:$0x1] =	wrdreg $0xFFFFFFFF  }
0xaf: {  	s28 =	simm.s32 $_size_execute0_lowered;
	s7 =	sadd.s32 s7, s9;
	[dreg:$0x0] =	wrdreg $0x0  }
0xb0: {  	s9 =	sshll.u32 s28, $0x1;
	[dreg:$0x2] =	wrdreg s7  }
0xb1: {  	[dreg:$0x3] =	wrdreg s9  }
0xb2: {  	[dreg:$0x4] =	wrdreg $0xC0  }
0xb3: {  	_ =	task [dreg:s11], $0x5FFFF  }
0xb4: {  	[dreg:$0x1] =	wrdreg $0xFFFFFFFF  }
0xb5: {  	[dreg:$0x0] =	wrdreg $0x60  }
0xb6: {  	[dreg:$0x2] =	wrdreg s6  }
0xb7: {  	[dreg:$0x3] =	wrdreg s18  }
0xb8: {  	[dreg:$0x4] =	wrdreg s16  }
0xb9: {  	[dreg:$0x5] =	wrdreg s24  }
0xba: {  	[dreg:$0x6] =	wrdreg s5  }
0xbb: {  	[dreg:$0x7] =	wrdreg s17  }
0xbc: {  	[dreg:$0x8] =	wrdreg $0x130B00  }
0xbd: {  	[dreg:$0x9] =	wrdreg $0x9  }
0xbe: {  	_ =	task.clear_ibuf [dreg:s11], $0xAFFFF;
	_ =	strace $0x90000049  }
0xbf: {  	s29 =	simm.s32 $0x9;
	_ =	strace $0x8000004B  }
0xc0: {  	_ =	swait.ge [sflag:s29], $0x1  }
0xc1: {  	[sflag:s29] =	ssyncadd.s32 $0xFFFFFFFF  }
0xc2: {  	_ =	strace $0x9000004B  }
0xc3: {  	_ =	sfence  }
0xc4: {  	s30 =	sld [smem:$0x0];
	_ =	sdelay $0x2  }
0xc5: {  	s31 =	sshll.u32 s1, $0xD;
	s1 =	sshrl.u32 s1, $0x2  }
0xc6: {  	s3 =	sand.u32 $0x4000, s31;
	s1 =	sadd.s32 s1, s30  }
0xc7: {  	s0 =	sor.u32 s3, s0;
	s1 =	sshll.u32 s1, $0x11  }
0xc8: {  	s0 =	sor.u32 s1, s0  }
0xc9: {  	s0 =	sadd.s32 $0x8F2B, s0  }
0xca: {  	[sflag:s0] =	ssyncadd.remote.s32 $0x1  }
0xcb: {  	_ =	sfence.sel $0xFFFF  }
0xcc: {  	[dreg:$0x0] =	wrdreg $0xFFFFFFFF;
	(pc) =	sbr.abs _section_cstart, $3  }
0xcd: {  	[dreg:$0x1] =	wrdreg $0xFFFFFFFF  }
0xce: {  	_ =	task.clear_ibuf [dreg:s11], $0x2FFFF;
	_ =	strace $0x9FFFFFFF  }
0xcf: {  	(tm) =	ssettm $0x7FFFFFFF  }
tec
execute0_lowered:
.L_overlay_start_1:
0x0: {  	(tag) =	ssettag $0x1  }
0x1: {  	s0 =	rddreg [dreg:$0x3]  }
0x2: {  	s1 =	rddreg [dreg:$0x5]  }
0x3: {  	s18 =	rddreg [dreg:$0x6]  }
0x4: {  	s7 =	simm.s32 $0x0;
	s19 =	stileid.u32;
	s4 =	srdreg.scid  }
0x5: {  	s23 =	simm.s32 $0x3;
	s24 =	simm.s32 $0x7530;
	s25 =	simm.s32 $0x1770  }
0x6: {  	s31 =	simm.s32 $0x5DC0;
	s20 =	simm.s32 $0xBB80;
	s21 =	simm.s32 $0xD2F0  }
0x7: {  	s22 =	simm.s32 $0x101D0;
	[smem:$0x7FF] =	sst s7;
	s8 =	sadd.s32 $0x325D600, s0  }
0x8: {  	s2 =	smul.u32 $0xC350, s19;
	s9 =	sadd.s32 $0x3382600, s0;
	s10 =	sadd.s32 $0x64600, s0  }
0x9: {  	s11 =	sadd.s32 $0x2A00, s0;
	s12 =	sadd.s32 $0x1B200, s0;
	s13 =	sadd.s32 $0x4AF200, s0  }
0xa: {  	v0 =	vimm.f32 $1.000000000e+00;
	s4 =	sand.u32 $0x1, s4;
	s14 =	sadd.s32 $0x5D4200, s0;
	_ =	strace $0x8000004A  }
0xb: {  	s15 =	sadd.s32 $0x6F9200, s0;
	s16 =	sadd.s32 $0x81E200, s0;
	s28 =	sshll.u32 s19, $0x1;
	(erf) = vrcp.f32 v0  }
0xc: {  	s30 =	sshll.u32 s19, $0x6;
	s5 =	ssub.s32 $0x2, s4;
	s17 =	smul.u32 $0xC3500, s4  }
0xd: {  	s4 =	sor.u32 s4, s28;
	s3 =	sshrl.u32 s2, $0x3;
	s6 =	sshrl.u32 s5, $0x1  }
0xe: {  	s29 =	sadd.s32 s2, s18;
	s19 =	smul.u32 $0x186A0, s4;
	s3 =	sadd.s32 s3, s0  }
0xf: {  	s26 =	ssub.s32 s5, s6;
	s2 =	sadd.s32 s2, s17;
	s3 =	sadd.s32 $0x189600, s3  }
0x10: {  	s2 =	sshrl.u32 s2, $0x3;
	s0 =	smax.u32 s26, $0x1;
	[dreg:$0x8] =	wrdreg s3  }
0x11: {  	s18 =	simm.s32 $0xEA60;
	s1 =	sadd.s32 s1, s2;
	[dreg:$0xb] =	wrdreg s0  }
0x12: {  	s4 =	simm.s32 $0x0;
	s3 =	sor.u32 $0x1C03, s30;
	[dreg:$0xa] =	wrdreg s1  }
0x13: {  	s6 =	simm.s32 $0x2;
	s2 =	sshrl.u32 s29, $0x3;
	[dreg:$0x9] =	wrdreg s3  }
0x14: {  	s17 =	simm.s32 $0x11940;
	s1 =	simm.s32 $0x1;
	[dreg:$0xc] =	wrdreg s2;
	v0 =	vpop (erf)  }
.LBB2_1:
0x15: {  	[dreg:$0xd] =	wrdreg s4  }
0x16: {  	s0 =	rddreg [dreg:$0x8]  }
0x17: {  	[spmem:s2], [sflag:s3] =	dma.local [hbm:s0], $0x186A  }
0x18: {  	_ =	swait.ge [sflag:s23], $0x186A  }
0x19: {  	[sflag:s23] =	ssyncset.done $0x0  }
0x1a: {  	[sflag:s23] =	ssyncadd.s32 $0xFFFFE796  }
0x1b: {  	s0 =	simm.s32 $0x0;
	[bflag:$0x0] =	sbarrier.arrive $0xFFFF  }
.LBB2_2:
0x1c: {  	s2 =	smul.u32 $0x7D0, s0;
	_ =	sdelay $0x1  }
0x1d: {  	s2 =	sadd.s32 s19, s2  }
0x1e: {  	s2 =	smul.u32 $0x3, s2;
	_ =	sdelay $0x1  }
0x1f: {  	s2 =	sshrl.u32 s2, $0x3  }
0x20: {  	s4 =	simm.s32 $0x0;
	s3 =	sadd.s32 s10, s2  }
0x21: {  	[tilespmem:s24], [sflag:$0x3] =	stream.linear.gather [hbm4b:s3+s4], $0x1770, $0x38;
	[tilespmem:$0x1F400] =	vst v63  }
0x22: {  	_ =	swait.ge [sflag:s23], $0x1770  }
0x23: {  	[sflag:s23] =	ssyncset.done $0x0  }
0x24: {  	s26 =	simm.s32 $0x8CA0;
	[sflag:s23] =	ssyncadd.s32 $0xFFFFE890  }
0x25: {  	[tilespmem:s26], [sflag:$0x1] =	stream.indirect.gather [hbm4b:s11+s25], $0x1, s24, s25, $0xb8;
	[tilespmem:$0x1F400] =	vst v63  }
0x26: {  	s30 =	simm.s32 $0xA410;
	s5 =	rddreg [dreg:$0x0]  }
0x27: {  	[tilespmem:s30], [sflag:$0x2] =	stream.indirect.gather [hbm4b:s12+s25], $0x1, s24, s25, $0xb8;
	[tilespmem:$0x1F400] =	vst v63  }
0x28: {  	s3 =	sadd.s32 s5, s2  }
0x29: {  	[tilespmem:s4], [sflag:$0x3] =	stream.linear.gather [hbm4b:s3+s4], $0x1770, $0x38;
	[tilespmem:$0x1F400] =	vst v63  }
0x2a: {  	_ =	swait.ge [sflag:s23], $0x1770  }
0x2b: {  	[sflag:s23] =	ssyncset.done $0x0  }
0x2c: {  	[sflag:s23] =	ssyncadd.s32 $0xFFFFE890  }
0x2d: {  	s26 =	rddreg [dreg:$0x1]  }
0x2e: {  	s3 =	sadd.s32 s26, s2  }
0x2f: {  	[tilespmem:s25], [sflag:$0x3] =	stream.linear.gather [hbm4b:s3+s4], $0x1770, $0x38;
	[tilespmem:$0x1F400] =	vst v63  }
0x30: {  	_ =	swait.ge [sflag:s23], $0x1770  }
0x31: {  	[sflag:s23] =	ssyncset.done $0x0  }
0x32: {  	[sflag:s23] =	ssyncadd.s32 $0xFFFFE890  }
0x33: {  	s30 =	rddreg [dreg:$0x2]  }
0x34: {  	s5 =	simm.s32 $0x2EE0;
	s3 =	sadd.s32 s30, s2  }
0x35: {  	[tilespmem:s5], [sflag:$0x3] =	stream.linear.gather [hbm4b:s3+s4], $0x1770, $0x38;
	[tilespmem:$0x1F400] =	vst v63  }
0x36: {  	_ =	swait.ge [sflag:s23], $0x1770  }
0x37: {  	[sflag:s23] =	ssyncset.done $0x0  }
0x38: {  	s26 =	simm.s32 $0x4650;
	s5 =	sadd.s32 s8, s2;
	[sflag:s23] =	ssyncadd.s32 $0xFFFFE890  }
0x39: {  	[tilespmem:s26], [sflag:$0x3] =	stream.linear.gather [hbm4b:s5+s4], $0x1770, $0x38;
	[tilespmem:$0x1F400] =	vst v63  }
0x3a: {  	_ =	swait.ge [sflag:s23], $0x1770  }
0x3b: {  	[sflag:s23] =	ssyncset.done $0x0  }
0x3c: {  	s30 =	sadd.s32 s9, s2;
	[sflag:s23] =	ssyncadd.s32 $0xFFFFE890  }
0x3d: {  	[tilespmem:s31], [sflag:$0x3] =	stream.linear.gather [hbm4b:s30+s4], $0x1770, $0x38;
	[tilespmem:$0x1F400] =	vst v63  }
0x3e: {  	_ =	swait.ge [sflag:s23], $0x1770  }
0x3f: {  	[sflag:s23] =	ssyncset.done $0x0  }
0x40: {  	[sflag:s23] =	ssyncadd.s32 $0xFFFFE890  }
0x41: {  	_ =	swait.ge [sflag:s1], $0x1770  }
0x42: {  	[sflag:s1] =	ssyncset.done $0x0  }
0x43: {  	[sflag:s1] =	ssyncadd.s32 $0xFFFFE890  }
0x44: {  	_ =	swait.ge [sflag:s6], $0x1770  }
0x45: {  	[sflag:s6] =	ssyncset.done $0x0  }
0x46: {  	s26 =	simm.s32 $0x0;
	[sflag:s6] =	ssyncadd.s32 $0xFFFFE890  }
0x47: {  	v1 =	vld [tilespmem:s26+$0x0];
	_ =	sdelay $0x4  }
0x48: {  	v1 =	vadd.f32 v1, v1;
	_ =	sdelay $0x1  }
0x49: {  	v2 =	vsub.f32 $0.0e+00, v1;
	_ =	sdelay $0x1  }
0x4a: {  	v2 =	vmul.f32 $1.442695020e+00, v2;
	_ =	sdelay $0x1  }
0x4b: {  	(erf) = vpow2.f32 v2;
	_ =	sdelay $0x8  }
0x4c: {  	v3 =	vpop (erf)  }
0x4d: {  	v2 =	vadd.f32 $1.000000000e+00, v3;
	_ =	sdelay $0x1  }
0x4e: {  	(erf) = vrcp.f32 v2;
	_ =	sdelay $0x7  }
0x4f: {  	s4 =	simm.s32 $0x10;
	v5 =	vmul.f32 $8.000000000e+00, v3;
	v2 =	vmul.f32 v3, v3  }
0x50: {  	v6 =	vld [tilespmem:s4+$0x0];
	v4 =	vpop (erf)  }
0x51: {  	v1 =	vadd.f32 v1, v1;
	v2 =	vsub.f32 $1.000000000e+00, v2;
	v5 =	vmul.f32 v4, v5;
	_ =	sdelay $0x1  }
0x52: {  	v7 =	vmax.f32 v2, $9.999999740e-06;
	v1 =	vadd.f32 v5, v1  }
0x53: {  	v2 =	vshra.s32 v7, $0x1  }
0x54: {  	v2 =	vadd.s32 $0x1FBD1DF5, v2;
	v5 =	vadd.f32 v6, v6;
	v1 =	vadd.f32 $-4.000000000e+00, v1  }
0x55: {  	(erf) = vrcp.f32 v2  }
0x56: {  	v10 =	vmax.f32 v1, $9.999999740e-06;
	v1 =	vsub.f32 $0.0e+00, v5  }
0x57: {  	v6 =	vshra.s32 v10, $0x1  }
0x58: {  	v6 =	vadd.s32 $0x1FBD1DF5, v6;
	v1 =	vmul.f32 $1.442695020e+00, v1  }
0x59: {  	(erf) = vrcp.f32 v6  }
0x5a: {  	(erf) = vpow2.f32 v1;
	_ =	sdelay $0x3  }
0x5b: {  	v1 =	vpop (erf)  }
0x5c: {  	v1 =	vmul.f32 v1, v7;
	_ =	sdelay $0x1  }
0x5d: {  	v1 =	vadd.f32 v2, v1  }
0x5e: {  	v2 =	vpop (erf)  }
0x5f: {  	v8 =	vmul.f32 $5.000000000e-01, v1;
	v1 =	vmul.f32 v2, v10;
	v2 =	vpop (erf)  }
0x60: {  	v9 =	vadd.f32 $1.000000000e+00, v2  }
0x61: {  	(erf) = vrcp.f32 v8;
	v1 =	vadd.f32 v6, v1  }
0x62: {  	(erf) = vrcp.f32 v9  }
0x63: {  	v6 =	vmul.f32 $5.000000000e-01, v1;
	_ =	sdelay $0x1  }
0x64: {  	(erf) = vrcp.f32 v6;
	_ =	sdelay $0x4  }
0x65: {  	v12 =	vmul.f32 $8.000000000e+00, v2;
	v9 =	vmul.f32 v2, v2;
	v11 =	vpop (erf)  }
0x66: {  	s3 =	simm.s32 $0x20;
	v1 =	vpop (erf)  }
0x67: {  	v13 =	vld [tilespmem:s3+$0x0];
	v14 =	vadd.f32 v5, v5;
	v9 =	vsub.f32 $1.000000000e+00, v9;
	v12 =	vmul.f32 v1, v12;
	_ =	sdelay $0x1  }
0x68: {  	v5 =	vmax.f32 v9, $9.999999740e-06;
	v9 =	vmul.f32 v11, v7;
	v11 =	vpop (erf);
	v12 =	vadd.f32 v12, v14  }
0x69: {  	v11 =	vmul.f32 v11, v10  }
0x6a: {  	v8 =	vadd.f32 v9, v8;
	v14 =	vshra.s32 v5, $0x1;
	v9 =	vadd.f32 $-4.000000000e+00, v12  }
0x6b: {  	v14 =	vadd.s32 $0x1FBD1DF5, v14;
	v12 =	vadd.f32 v13, v13;
	v11 =	vadd.f32 v11, v6  }
0x6c: {  	v8 =	vmul.f32 $5.000000000e-01, v8;
	(erf) = vrcp.f32 v14  }
0x6d: {  	v6 =	vmax.f32 v9, $9.999999740e-06;
	v9 =	vsub.f32 $0.0e+00, v12;
	v11 =	vmul.f32 $5.000000000e-01, v11  }
0x6e: {  	(erf) = vrcp.f32 v8;
	v13 =	vshra.s32 v6, $0x1  }
0x6f: {  	v15 =	vld [tilespmem:s26+$0x1770];
	v13 =	vadd.s32 $0x1FBD1DF5, v13;
	v9 =	vmul.f32 $1.442695020e+00, v9;
	(erf) = vrcp.f32 v11  }
0x70: {  	v16 =	vld [tilespmem:s26+$0x8CA0];
	(erf) = vrcp.f32 v13  }
0x71: {  	(erf) = vpow2.f32 v9;
	v9 =	vld [tilespmem:s26+$0x4650];
	_ =	sdelay $0x3  }
0x72: {  	v17 =	vpop (erf)  }
0x73: {  	v15 =	vadd.f32 $5.000000000e-01, v15;
	v17 =	vmul.f32 v17, v5;
	v9 =	vsub.f32 v9, v16;
	_ =	sdelay $0x1  }
0x74: {  	v19 =	vpop (erf);
	v16 =	vand.u32 $0x7FFFFFFF, v15;
	v14 =	vadd.f32 v14, v17  }
0x75: {  	v17 =	vmul.f32 v16, v0;
	v20 =	vpop (erf)  }
0x76: {  	v18 =	vld [tilespmem:s4+$0x1770];
	v22 =	vmul.f32 $1.591549370e-01, v9;
	v14 =	vmul.f32 $5.000000000e-01, v14;
	v9 =	vpop (erf)  }
0x77: {  	v17 =	vfloor.f32 v17;
	v24 =	vmul.f32 v9, v6;
	v9 =	vpop (erf)  }
0x78: {  	v7 =	vmul.f32 v19, v7;
	v16 =	vsub.f32 v16, v17;
	v17 =	vadd.f32 $1.000000000e+00, v9  }
0x79: {  	v21 =	vld [tilespmem:s4+$0x8CA0];
	(erf) = vrcp.f32 v14  }
0x7a: {  	v19 =	vld [tilespmem:s26+$0x2EE0];
	v7 =	vadd.f32 v7, v8;
	(erf) = vrcp.f32 v17  }
0x7b: {  	v23 =	vld [tilespmem:s4+$0x4650];
	v18 =	vadd.f32 $5.000000000e-01, v18;
	v13 =	vadd.f32 v13, v24  }
0x7c: {  	v7 =	vmul.f32 $5.000000000e-01, v7  }
0x7d: {  	vm0 =	veq.f32 v16, $1.000000000e+00;
	v17 =	vand.u32 $0x7FFFFFFF, v18;
	v13 =	vmul.f32 $5.000000000e-01, v13  }
0x7e: {  	v58 =	vld [tilespmem:s26+$0xA410];
	v10 =	vmul.f32 v20, v10;
	v8 =	vsel vm0, $0x0, v16;
	v16 =	vmul.f32 v17, v0  }
0x7f: {  	v25 =	vld [tilespmem:s26+$0x5DC0];
	v15 =	vand.u32 $0x80000000, v15;
	v26 =	vmul.f32 v3, v19;
	(erf) = vrcp.f32 v13  }
0x80: {  	v21 =	vsub.f32 v23, v21;
	v7 =	vmul.f32 v7, v22;
	v16 =	vfloor.f32 v16  }
0x81: {  	v8 =	vand.u32 $0x7FFFFFFF, v8;
	v16 =	vsub.f32 v17, v16;
	v17 =	vmul.f32 v9, v9  }
0x82: {  	[tilespmem:s26+$0xD2F0] =	vst v22;
	v60 =	vmul.f32 $8.000000000e+00, v9;
	v7 =	vadd.f32 v7, v26;
	v22 =	vor.u32 v15, v8;
	v15 =	vpop (erf)  }
0x83: {  	v23 =	vld [tilespmem:s3+$0x8CA0];
	vm5 =	veq.f32 v16, $1.000000000e+00;
	v8 =	vsub.f32 $1.000000000e+00, v17;
	v59 =	vmul.f32 v15, v5;
	v15 =	vpop (erf)  }
0x84: {  	v27 =	vld [tilespmem:s3+$0x4650];
	v24 =	vsub.f32 v25, v58;
	v29 =	vsel vm5, $0x0, v16;
	v16 =	vmul.f32 v15, v60  }
0x85: {  	v3 =	vsub.f32 $1.000000000e+00, v3;
	v17 =	vld [tilespmem:s3+$0x1770];
	[tilespmem:s26+$0xBB80] =	vst v7;
	v8 =	vmax.f32 v8, $9.999999740e-06;
	v14 =	vadd.f32 v59, v14  }
0x86: {  	s5 =	simm.s32 $0x30;
	v12 =	vadd.f32 v12, v12;
	v10 =	vadd.f32 v10, v11;
	[tilespmem:s26+$0xEA60] =	vst v24;
	v20 =	vshra.s32 v8, $0x1  }
0x87: {  	v3 =	vmul.f32 v4, v3;
	v61 =	vld [tilespmem:s5+$0x0];
	v20 =	vadd.s32 $0x1FBD1DF5, v20;
	v14 =	vmul.f32 $5.000000000e-01, v14  }
0x88: {  	v4 =	vmul.f32 $5.000000000e-01, v10;
	(erf) = vrcp.f32 v20;
	v12 =	vadd.f32 v16, v12;
	v16 =	vpop (erf)  }
0x89: {  	(erf) = vrcp.f32 v14;
	v16 =	vmul.f32 v16, v6  }
0x8a: {  	v4 =	vmul.f32 $1.591549370e-01, v4;
	v28 =	vadd.f32 $1.000000000e+00, v22  }
0x8b: {  	v11 =	vand.u32 $0x80000000, v18;
	v12 =	vadd.f32 $-4.000000000e+00, v12;
	v13 =	vadd.f32 v16, v13  }
0x8c: {  	vm6 =	vlt.f32 v22, $0.0e+00;
	v4 =	vmul.f32 v4, v24;
	v10 =	vadd.f32 v61, v61  }
0x8d: {  	v7 =	vadd.f32 v7, v19;
	v16 =	vmax.f32 v12, $9.999999740e-06;
	v12 =	vmul.f32 $5.000000000e-01, v13  }
0x8e: {  	v17 =	vadd.f32 $5.000000000e-01, v17;
	v18 =	vshra.s32 v16, $0x1;
	v13 =	vsub.f32 $0.0e+00, v10  }
0x8f: {  	v19 =	vmul.f32 $1.591549370e-01, v21;
	v18 =	vadd.s32 $0x1FBD1DF5, v18;
	(erf) = vrcp.f32 v12  }
0x90: {  	v21 =	vand.u32 $0x7FFFFFFF, v17;
	v13 =	vmul.f32 $1.442695020e+00, v13;
	(erf) = vrcp.f32 v18  }
0x91: {  	v62 =	vand.u32 $0x7FFFFFFF, v29;
	v3 =	vmul.f32 v7, v3;
	v63 =	vmul.f32 v21, v0;
	v31 =	vpop (erf)  }
0x92: {  	v7 =	vor.u32 v11, v62;
	v24 =	vmul.f32 v31, v8;
	v33 =	vpop (erf);
	(erf) = vpow2.f32 v13  }
0x93: {  	v35 =	vld [tilespmem:s4+$0x2EE0];
	[tilespmem:s4+$0xD2F0] =	vst v19;
	v3 =	vadd.f32 v4, v3;
	v4 =	vfloor.f32 v63;
	v5 =	vmul.f32 v33, v5  }
0x94: {  	v11 =	vld [tilespmem:s5+$0x8CA0];
	v13 =	vsel vm6, v28, v22;
	v22 =	vadd.f32 $1.000000000e+00, v7;
	v20 =	vadd.f32 v20, v24  }
0x95: {  	v32 =	vld [tilespmem:s5+$0x4650];
	vm7 =	vlt.f32 v7, $0.0e+00;
	v21 =	vsub.f32 v21, v4;
	v5 =	vadd.f32 v5, v14  }
0x96: {  	v4 =	vsel vm7, v22, v7;
	v22 =	vadd.f32 $5.000000000e-01, v3;
	v3 =	vmul.f32 $5.000000000e-01, v20  }
0x97: {  	v30 =	vsub.f32 $1.000000000e+00, v9;
	v14 =	vand.u32 $0x80000000, v17;
	v17 =	vmul.f32 $5.000000000e-01, v5  }
0x98: {  	v37 =	vmul.f32 v2, v35;
	vm8 =	veq.f32 v21, $1.000000000e+00;
	(erf) = vrcp.f32 v3;
	v20 =	vpop (erf)  }
0x99: {  	v36 =	vld [tilespmem:s4+$0x5DC0];
	v7 =	vsel vm8, $0x0, v21;
	v17 =	vmul.f32 v17, v19;
	v21 =	vpop (erf);
	v6 =	vmul.f32 v20, v6  }
0x9a: {  	v5 =	vsub.f32 v32, v11;
	v11 =	vld [tilespmem:s4+$0xA410];
	v19 =	vsub.f32 $1.000000000e+00, v2;
	v21 =	vmul.f32 v21, v16  }
0x9b: {  	v34 =	vld [tilespmem:s5+$0x1770];
	v7 =	vand.u32 $0x7FFFFFFF, v7;
	v17 =	vadd.f32 v17, v37;
	v2 =	vpop (erf);
	v6 =	vadd.f32 v6, v12  }
0x9c: {  	v1 =	vmul.f32 v1, v19;
	v12 =	vadd.f32 $1.000000000e+00, v2;
	v18 =	vadd.f32 v18, v21  }
0x9d: {  	v14 =	vor.u32 v14, v7;
	v21 =	vmul.f32 v2, v2;
	v6 =	vmul.f32 $5.000000000e-01, v6  }
0x9e: {  	v7 =	vadd.f32 v17, v35;
	(erf) = vrcp.f32 v12;
	v12 =	vmul.f32 $5.000000000e-01, v18  }
0x9f: {  	vm9 =	vlt.f32 v14, $0.0e+00;
	v18 =	vsub.f32 v36, v11;
	v11 =	vsub.f32 $1.000000000e+00, v21  }
0xa0: {  	v20 =	vadd.f32 $5.000000000e-01, v34;
	v6 =	vmul.f32 $1.591549370e-01, v6;
	(erf) = vrcp.f32 v12  }
0xa1: {  	v24 =	vmul.f32 v7, v1;
	v21 =	vadd.f32 $1.000000000e+00, v14;
	v7 =	vmax.f32 v11, $9.999999740e-06  }
0xa2: {  	v19 =	vand.u32 $0x7FFFFFFF, v20;
	v1 =	vpop (erf);
	v6 =	vmul.f32 v6, v18;
	v38 =	vshra.s32 v7, $0x1  }
0xa3: {  	v39 =	vmul.f32 v1, v8;
	v1 =	vsel vm9, v21, v14;
	v21 =	vadd.s32 $0x1FBD1DF5, v38  }
0xa4: {  	v11 =	vmul.f32 v19, v0;
	v6 =	vadd.f32 v6, v24;
	(erf) = vrcp.f32 v21  }
0xa5: {  	v23 =	vsub.f32 v27, v23;
	[tilespmem:s4+$0xBB80] =	vst v17;
	v17 =	vand.u32 $0x7FFFFFFF, v22;
	v40 =	vadd.f32 v39, v3  }
0xa6: {  	v14 =	vfloor.f32 v11;
	v11 =	vadd.f32 $5.000000000e-01, v6;
	v6 =	vmul.f32 $8.000000000e+00, v2  }
0xa7: {  	s28 =	simm.s32 $0x40;
	[tilespmem:s4+$0xEA60] =	vst v18;
	v14 =	vsub.f32 v19, v14;
	v18 =	vmul.f32 $5.000000000e-01, v40;
	v19 =	vmul.f32 v17, v0;
	v3 =	vpop (erf)  }
0xa8: {  	v23 =	vmul.f32 $1.591549370e-01, v23;
	v10 =	vadd.f32 v10, v10;
	v41 =	vld [tilespmem:s28+$0x0];
	v6 =	vmul.f32 v3, v6  }
0xa9: {  	v13 =	vadd.f32 $-5.000000000e-01, v13;
	v19 =	vfloor.f32 v19;
	(erf) = vrcp.f32 v18;
	v42 =	vpop (erf)  }
0xaa: {  	v17 =	vsub.f32 v17, v19;
	v6 =	vadd.f32 v6, v10;
	v10 =	vmul.f32 v42, v16  }
0xab: {  	v22 =	vand.u32 $0x80000000, v22;
	v20 =	vand.u32 $0x80000000, v20;
	vm10 =	veq.f32 v14, $1.000000000e+00  }
0xac: {  	vm11 =	veq.f32 v17, $1.000000000e+00;
	v6 =	vadd.f32 $-4.000000000e+00, v6;
	v10 =	vadd.f32 v10, v12  }
0xad: {  	v19 =	vsel vm10, $0x0, v14;
	v14 =	vadd.f32 v41, v41;
	v17 =	vsel vm11, $0x0, v17;
	v48 =	vpop (erf)  }
0xae: {  	v6 =	vmax.f32 v6, $9.999999740e-06;
	v49 =	vmul.f32 v48, v7;
	v44 =	vmul.f32 $5.000000000e-01, v10  }
0xaf: {  	v10 =	vand.u32 $0x7FFFFFFF, v17;
	v17 =	vsub.f32 $0.0e+00, v14;
	v46 =	vshra.s32 v6, $0x1  }
0xb0: {  	[tilespmem:s3+$0xD2F0] =	vst v23;
	v10 =	vor.u32 v22, v10;
	v22 =	vadd.s32 $0x1FBD1DF5, v46;
	(erf) = vrcp.f32 v44  }
0xb1: {  	v45 =	vld [tilespmem:s28+$0x1770];
	v47 =	vadd.f32 $1.000000000e+00, v10;
	v17 =	vmul.f32 $1.442695020e+00, v17;
	(erf) = vrcp.f32 v22  }
0xb2: {  	v43 =	vld [tilespmem:s28+$0x8CA0];
	v19 =	vand.u32 $0x7FFFFFFF, v19;
	v50 =	vpop (erf);
	v21 =	vadd.f32 v21, v49;
	vm12 =	vlt.f32 v10, $0.0e+00  }
0xb3: {  	v12 =	vld [tilespmem:s28+$0x4650];
	v10 =	vsel vm12, v47, v10;
	(erf) = vpow2.f32 v17;
	v17 =	vmul.f32 v50, v8  }
0xb4: {  	v51 =	vld [tilespmem:s3+$0x2EE0];
	v19 =	vor.u32 v20, v19;
	v20 =	vmul.f32 $5.000000000e-01, v21;
	v10 =	vadd.f32 $-5.000000000e-01, v10  }
0xb5: {  	v15 =	vmul.f32 v15, v30;
	v17 =	vadd.f32 v17, v18  }
0xb6: {  	v52 =	vld [tilespmem:s3+$0xA410];
	v8 =	vadd.f32 $5.000000000e-01, v45;
	(erf) = vrcp.f32 v20;
	v18 =	vadd.f32 v10, v13;
	[tilespmem:s26+$0x101D0] =	vst v10  }
0xb7: {  	vm13 =	vlt.f32 v19, $0.0e+00;
	v10 =	vadd.f32 $1.000000000e+00, v19;
	v21 =	vld [tilespmem:s3+$0x5DC0];
	v17 =	vmul.f32 $5.000000000e-01, v17  }
0xb8: {  	v12 =	vsub.f32 v12, v43;
	v13 =	vand.u32 $0x7FFFFFFF, v8;
	v18 =	vadd.f32 $5.000000000e-01, v18  }
0xb9: {  	v10 =	vsel vm13, v10, v19;
	v19 =	vmul.f32 v9, v51;
	v17 =	vmul.f32 v17, v23;
	v23 =	vpop (erf)  }
0xba: {  	v53 =	vmul.f32 v13, v0;
	v54 =	vand.u32 $0x7FFFFFFF, v18;
	v55 =	vpop (erf);
	v16 =	vmul.f32 v23, v16  }
0xbb: {  	v23 =	vmul.f32 v54, v0;
	v17 =	vadd.f32 v17, v19;
	v29 =	vmul.f32 v55, v6  }
0xbc: {  	v18 =	vand.u32 $0x80000000, v18;
	v21 =	vsub.f32 v21, v52;
	v9 =	vpop (erf);
	v16 =	vadd.f32 v16, v44  }
0xbd: {  	v19 =	vfloor.f32 v23;
	v56 =	vadd.f32 $1.000000000e+00, v9;
	v22 =	vadd.f32 v22, v29  }
0xbe: {  	v23 =	vmul.f32 v9, v9;
	v58 =	vsub.f32 v54, v19;
	v16 =	vmul.f32 $5.000000000e-01, v16  }
0xbf: {  	v57 =	vadd.f32 v17, v51;
	v60 =	vpop (erf);
	(erf) = vrcp.f32 v56;
	v19 =	vmul.f32 $5.000000000e-01, v22  }
0xc0: {  	v25 =	vmul.f32 v60, v7;
	v23 =	vsub.f32 $1.000000000e+00, v23;
	vm14 =	veq.f32 v58, $1.000000000e+00  }
0xc1: {  	v16 =	vmul.f32 $1.591549370e-01, v16;
	v59 =	vsel vm14, $0x0, v58;
	(erf) = vrcp.f32 v19  }
0xc2: {  	v22 =	vmul.f32 v57, v15;
	v15 =	vmax.f32 v23, $9.999999740e-06;
	v23 =	vand.u32 $0x7FFFFFFF, v59  }
0xc3: {  	v61 =	vshra.s32 v15, $0x1;
	v16 =	vmul.f32 v16, v21;
	v23 =	vor.u32 v18, v23  }
0xc4: {  	[tilespmem:s3+$0xEA60] =	vst v21;
	v18 =	vadd.s32 $0x1FBD1DF5, v61;
	v21 =	vand.u32 $0x7FFFFFFF, v11;
	v63 =	vadd.f32 $1.000000000e+00, v23  }
0xc5: {  	vm15 =	vlt.f32 v23, $0.0e+00;
	(erf) = vrcp.f32 v18;
	v62 =	vadd.f32 v16, v22  }
0xc6: {  	v16 =	vfloor.f32 v53;
	v22 =	vadd.f32 v25, v20;
	v20 =	vsel vm15, v63, v23  }
0xc7: {  	s29 =	simm.s32 $0x140;
	[tilespmem:s3+$0xBB80] =	vst v17;
	v23 =	vmul.f32 $8.000000000e+00, v9;
	v17 =	vadd.f32 $5.000000000e-01, v62;
	v20 =	vadd.f32 $-5.000000000e-01, v20  }
.LBB2_3:
0xc8: {  	s30 =	sshra.s32 s29, $0x2;
	p0 =	sne.s32 s29, $0x5D80;
	s29 =	sadd.s32 $0x40, s29;
	v13 =	vsub.f32 v13, v16;
	v16 =	vpop (erf);
	v22 =	vmul.f32 $5.000000000e-01, v22;
	v24 =	vmul.f32 v21, v0  }
0xc9: {  	v14 =	vadd.f32 v14, v14;
	v26 =	vmul.f32 $1.591549370e-01, v5;
	v5 =	vmovc v12;
	v25 =	vld [tilespmem:s30+$0x0];
	v23 =	vmul.f32 v16, v23;
	[tilespmem:s26+$0x11940] =	vst v20;
	s26 =	smov.u32 s4;
	s4 =	smov.u32 s3;
	s3 =	smov.u32 s5  }
0xca: {  	s5 =	smov.u32 s28;
	s28 =	smov.u32 s30;
	vm0 =	veq.f32 v13, $1.000000000e+00;
	(erf) = vrcp.f32 v22;
	v12 =	vpop (erf);
	v20 =	vfloor.f32 v24  }
0xcb: {  	v14 =	vadd.f32 v23, v14;
	v12 =	vmul.f32 v12, v6;
	[tilespmem:s3+$0xD2F0] =	vst v26;
	v20 =	vsub.f32 v21, v20  }
0xcc: {  	v13 =	vsel vm0, $0x0, v13;
	v21 =	vand.u32 $0x80000000, v8;
	v23 =	vadd.f32 $-5.000000000e-01, v4;
	v4 =	vmovc v1;
	v1 =	vmovc v10  }
0xcd: {  	v8 =	vld [tilespmem:s28+$0x8CA0];
	v27 =	vadd.f32 $-4.000000000e+00, v14;
	v12 =	vadd.f32 v12, v19;
	vm0 =	veq.f32 v20, $1.000000000e+00  }
0xce: {  	v24 =	vand.u32 $0x80000000, v11;
	v11 =	vmovc v17;
	v14 =	vadd.f32 v25, v25;
	v19 =	vld [tilespmem:s28+$0x4650];
	v20 =	vsel vm0, $0x0, v20  }
0xcf: {  	v17 =	vmax.f32 v27, $9.999999740e-06;
	v10 =	vpop (erf);
	v25 =	vmul.f32 $5.000000000e-01, v12;
	v12 =	vand.u32 $0x7FFFFFFF, v20  }
0xd0: {  	v20 =	vsub.f32 $0.0e+00, v14;
	v27 =	vld [tilespmem:s28+$0x1770];
	v28 =	vshra.s32 v17, $0x1;
	v24 =	vor.u32 v24, v12  }
0xd1: {  	v28 =	vadd.s32 $0x1FBD1DF5, v28;
	(erf) = vrcp.f32 v25;
	v29 =	vadd.f32 $1.000000000e+00, v24  }
0xd2: {  	vm0 =	vlt.f32 v24, $0.0e+00;
	v20 =	vmul.f32 $1.442695020e+00, v20;
	(erf) = vrcp.f32 v28  }
0xd3: {  	v10 =	vmul.f32 v10, v15;
	v12 =	vsub.f32 v19, v8;
	v8 =	vpop (erf);
	v19 =	vsel vm0, v29, v24  }
0xd4: {  	(erf) = vpow2.f32 v20;
	v20 =	vmul.f32 v8, v7;
	v19 =	vadd.f32 $-5.000000000e-01, v19;
	v7 =	vmovc v15  }
0xd5: {  	v13 =	vand.u32 $0x7FFFFFFF, v13;
	v10 =	vadd.f32 v18, v10;
	v8 =	vadd.f32 $5.000000000e-01, v27;
	v15 =	vld [tilespmem:s3+$0x2EE0]  }
0xd6: {  	v18 =	vor.u32 v21, v13;
	v20 =	vadd.f32 v20, v22;
	v21 =	vld [tilespmem:s3+$0xA410];
	v22 =	vadd.f32 v19, v23;
	[tilespmem:s26+$0x101D0] =	vst v19  }
0xd7: {  	v23 =	vmul.f32 $5.000000000e-01, v10;
	v10 =	vadd.f32 $1.000000000e+00, v18;
	v13 =	vand.u32 $0x7FFFFFFF, v8;
	v19 =	vld [tilespmem:s3+$0x5DC0]  }
0xd8: {  	vm0 =	vlt.f32 v18, $0.0e+00;
	v20 =	vmul.f32 $5.000000000e-01, v20;
	v22 =	vadd.f32 $5.000000000e-01, v22  }
0xd9: {  	v24 =	vmul.f32 v13, v0;
	v10 =	vsel vm0, v10, v18;
	(erf) = vrcp.f32 v23  }
0xda: {  	v18 =	vmul.f32 v2, v15;
	v20 =	vmul.f32 v20, v26;
	v26 =	vpop (erf);
	v27 =	vand.u32 $0x7FFFFFFF, v22  }
0xdb: {  	v2 =	vsub.f32 $1.000000000e+00, v2;
	v29 =	vpop (erf);
	v26 =	vmul.f32 v26, v6;
	v30 =	vmul.f32 v27, v0  }
0xdc: {  	v6 =	vmovc v17;
	v29 =	vmul.f32 v29, v17;
	v18 =	vadd.f32 v20, v18;
	v20 =	vsub.f32 v19, v21  }
0xdd: {  	v21 =	vmul.f32 v3, v2;
	v17 =	vpop (erf);
	v31 =	vadd.f32 v26, v25;
	v19 =	vfloor.f32 v30  }
0xde: {  	v3 =	vmovc v16;
	v25 =	vmul.f32 v17, v17;
	v26 =	vadd.f32 $1.000000000e+00, v17;
	v28 =	vadd.f32 v28, v29;
	[tilespmem:s3+$0xBB80] =	vst v18  }
0xdf: {  	v15 =	vadd.f32 v18, v15;
	v18 =	vsub.f32 v27, v19;
	v2 =	vmovc v9;
	v16 =	vmul.f32 $5.000000000e-01, v31;
	[tilespmem:s3+$0xEA60] =	vst v20  }
0xe0: {  	v9 =	vmovc v17;
	v25 =	vsub.f32 $1.000000000e+00, v25;
	(erf) = vrcp.f32 v26;
	v19 =	vmul.f32 $5.000000000e-01, v28  }
0xe1: {  	v17 =	vmul.f32 v15, v21;
	vm0 =	veq.f32 v18, $1.000000000e+00;
	v16 =	vmul.f32 $1.591549370e-01, v16  }
0xe2: {  	v22 =	vand.u32 $0x80000000, v22;
	v18 =	vsel vm0, $0x0, v18;
	v21 =	vpop (erf);
	(erf) = vrcp.f32 v19  }
0xe3: {  	v15 =	vmax.f32 v25, $9.999999740e-06;
	v18 =	vand.u32 $0x7FFFFFFF, v18;
	v16 =	vmul.f32 v16, v20  }
.Ltmp0:
0xe4: {  	v20 =	vshra.s32 v15, $0x1;
	v21 =	vmul.f32 v21, v7;
	v25 =	vor.u32 v22, v18;
	(pc) =	sbr.rel @p0 .LBB2_3-.Ltmp0, $4  }
0xe5: {  	vm0 =	vlt.f32 v25, $0.0e+00;
	v26 =	vadd.f32 $1.000000000e+00, v25;
	v17 =	vadd.f32 v16, v17  }
0xe6: {  	v18 =	vadd.s32 $0x1FBD1DF5, v20;
	v16 =	vfloor.f32 v24;
	v22 =	vadd.f32 v21, v23  }
0xe7: {  	v20 =	vsel vm0, v26, v25;
	(erf) = vrcp.f32 v18;
	v17 =	vadd.f32 $5.000000000e-01, v17  }
0xe8: {  	v23 =	vmul.f32 $8.000000000e+00, v9;
	v21 =	vand.u32 $0x7FFFFFFF, v11;
	v20 =	vadd.f32 $-5.000000000e-01, v20  }
0xe9: {  	v24 =	vpop (erf)  }
0xea: {  	v14 =	vadd.f32 v14, v14;
	v23 =	vmul.f32 v24, v23  }
0xeb: {  	v25 =	vpop (erf)  }
0xec: {  	v14 =	vadd.f32 v23, v14;
	v49 =	vmul.f32 v25, v6;
	_ =	sdelay $0x1  }
0xed: {  	v14 =	vadd.f32 $-4.000000000e+00, v14;
	v19 =	vadd.f32 v49, v19  }
0xee: {  	v22 =	vmul.f32 $5.000000000e-01, v22  }
0xef: {  	v14 =	vmax.f32 v14, $9.999999740e-06;
	v19 =	vmul.f32 $5.000000000e-01, v19  }
0xf0: {  	(erf) = vrcp.f32 v22;
	v50 =	vshra.s32 v14, $0x1  }
0xf1: {  	v23 =	vadd.s32 $0x1FBD1DF5, v50;
	(erf) = vrcp.f32 v19  }
0xf2: {  	(erf) = vrcp.f32 v23;
	_ =	sdelay $0x3  }
0xf3: {  	v51 =	vmul.f32 v21, v0  }
0xf4: {  	v26 =	vpop (erf)  }
0xf5: {  	v25 =	vfloor.f32 v51;
	v26 =	vmul.f32 v26, v15  }
0xf6: {  	v52 =	vsub.f32 v21, v25;
	v27 =	vpop (erf)  }
0xf7: {  	v18 =	vadd.f32 v18, v26;
	v53 =	vpop (erf)  }
0xf8: {  	vm0 =	veq.f32 v52, $1.000000000e+00;
	v54 =	vpop (erf)  }
0xf9: {  	v21 =	vsel vm0, $0x0, v52;
	v18 =	vmul.f32 $5.000000000e-01, v18;
	v26 =	vmul.f32 v54, v14  }
0xfa: {  	v11 =	vand.u32 $0x80000000, v11;
	v21 =	vand.u32 $0x7FFFFFFF, v21  }
0xfb: {  	v11 =	vor.u32 v11, v21;
	(erf) = vrcp.f32 v18;
	v23 =	vadd.f32 v23, v26  }
0xfc: {  	v21 =	vadd.f32 $1.000000000e+00, v11  }
0xfd: {  	vm12 =	vlt.f32 v11, $0.0e+00;
	v23 =	vmul.f32 $5.000000000e-01, v23  }
0xfe: {  	v11 =	vsel vm12, v21, v11  }
0xff: {  	v4 =	vadd.f32 $-5.000000000e-01, v4;
	v11 =	vadd.f32 $-5.000000000e-01, v11;
	(erf) = vrcp.f32 v23;
	_ =	sdelay $0x1  }
0x100: {  	v4 =	vadd.f32 v11, v4;
	_ =	sdelay $0x1  }
0x101: {  	v4 =	vadd.f32 $5.000000000e-01, v4  }
0x102: {  	v55 =	vpop (erf)  }
0x103: {  	v56 =	vand.u32 $0x7FFFFFFF, v4;
	v21 =	vmul.f32 v55, v15  }
0x104: {  	v7 =	vmul.f32 v27, v7;
	v57 =	vmul.f32 v56, v0  }
0x105: {  	v18 =	vadd.f32 v21, v18  }
0x106: {  	v5 =	vmul.f32 $1.591549370e-01, v5;
	v7 =	vadd.f32 v7, v22;
	v22 =	vfloor.f32 v57;
	v59 =	vpop (erf)  }
0x107: {  	v60 =	vand.u32 $0x7FFFFFFF, v17;
	[tilespmem:s26+$0x11940] =	vst v20;
	v18 =	vmul.f32 $5.000000000e-01, v18;
	v21 =	vmul.f32 v59, v14  }
0x108: {  	v61 =	vmul.f32 v60, v0;
	v58 =	vld [tilespmem:s5+$0x2EE0];
	v20 =	vsub.f32 v56, v22  }
0x109: {  	[tilespmem:s5+$0xD2F0] =	vst v5;
	v7 =	vmul.f32 $5.000000000e-01, v7;
	(erf) = vrcp.f32 v18;
	v62 =	vadd.f32 v21, v23  }
0x10a: {  	v28 =	vld [tilespmem:s5+$0xA410];
	v63 =	vfloor.f32 v61;
	[tilespmem:s4+$0x101D0] =	vst v11;
	vm13 =	veq.f32 v20, $1.000000000e+00  }
0x10b: {  	v11 =	vld [tilespmem:s5+$0x5DC0];
	v5 =	vmul.f32 v7, v5;
	v20 =	vsel vm13, $0x0, v20;
	v7 =	vmul.f32 $5.000000000e-01, v62  }
0x10c: {  	v4 =	vand.u32 $0x80000000, v4;
	v20 =	vand.u32 $0x7FFFFFFF, v20;
	v21 =	vsub.f32 v60, v63  }
0x10d: {  	v27 =	vmul.f32 v2, v58;
	v4 =	vor.u32 v4, v20;
	(erf) = vrcp.f32 v7  }
0x10e: {  	v29 =	vand.u32 $0x80000000, v17;
	v20 =	vadd.f32 $1.000000000e+00, v4;
	vm14 =	veq.f32 v21, $1.000000000e+00  }
0x10f: {  	v5 =	vadd.f32 v5, v27;
	vm15 =	vlt.f32 v4, $0.0e+00;
	v21 =	vsel vm14, $0x0, v21  }
0x110: {  	v11 =	vsub.f32 v11, v28;
	v4 =	vsel vm15, v20, v4;
	v30 =	vand.u32 $0x7FFFFFFF, v21  }
0x111: {  	[tilespmem:s5+$0xBB80] =	vst v5;
	v4 =	vadd.f32 $-5.000000000e-01, v4;
	v17 =	vor.u32 v29, v30  }
0x112: {  	[tilespmem:s5+$0xEA60] =	vst v11;
	v31 =	vpop (erf);
	v20 =	vadd.f32 $1.000000000e+00, v17  }
0x113: {  	[tilespmem:s4+$0x11940] =	vst v4;
	v4 =	vmul.f32 v31, v15;
	vm4 =	vlt.f32 v17, $0.0e+00  }
0x114: {  	v12 =	vmul.f32 $1.591549370e-01, v12;
	v32 =	vmul.f32 v53, v6;
	v34 =	vld [tilespmem:s28+$0x2EE0];
	v17 =	vsel vm4, v20, v17  }
0x115: {  	v4 =	vadd.f32 v4, v18;
	v33 =	vadd.f32 $-5.000000000e-01, v17  }
0x116: {  	v2 =	vsub.f32 $1.000000000e+00, v2;
	v6 =	vadd.f32 v32, v19;
	[tilespmem:s28+$0xD2F0] =	vst v12;
	v36 =	vpop (erf)  }
0x117: {  	v35 =	vld [tilespmem:s28+$0xA410];
	v4 =	vmul.f32 $5.000000000e-01, v4;
	[tilespmem:s3+$0x101D0] =	vst v33;
	v14 =	vmul.f32 v36, v14  }
0x118: {  	v2 =	vmul.f32 v3, v2;
	v3 =	vadd.f32 v5, v58;
	v6 =	vmul.f32 $5.000000000e-01, v6;
	v37 =	vld [tilespmem:s28+$0x5DC0]  }
0x119: {  	v38 =	vmul.f32 v9, v34;
	v4 =	vmul.f32 v4, v12;
	v7 =	vadd.f32 v14, v7  }
0x11a: {  	v40 =	vsub.f32 $1.000000000e+00, v9;
	v39 =	vmul.f32 $1.591549370e-01, v6  }
0x11b: {  	v2 =	vmul.f32 v3, v2;
	v4 =	vadd.f32 v4, v38;
	v7 =	vmul.f32 $5.000000000e-01, v7  }
0x11c: {  	v6 =	vmul.f32 v24, v40;
	v3 =	vmul.f32 v39, v11  }
0x11d: {  	v42 =	vadd.f32 v4, v34;
	v41 =	vsub.f32 v37, v35;
	v7 =	vmul.f32 $1.591549370e-01, v7;
	_ =	sdelay $0x1  }
0x11e: {  	v2 =	vadd.f32 v3, v2;
	v3 =	vmul.f32 v42, v6;
	v43 =	vmul.f32 v7, v41;
	_ =	sdelay $0x1  }
0x11f: {  	v2 =	vadd.f32 $5.000000000e-01, v2;
	v3 =	vadd.f32 v43, v3;
	_ =	sdelay $0x1  }
0x120: {  	v44 =	vand.u32 $0x7FFFFFFF, v2;
	v3 =	vadd.f32 $5.000000000e-01, v3  }
0x121: {  	v45 =	vmul.f32 v44, v0  }
0x122: {  	v47 =	vand.u32 $0x7FFFFFFF, v3  }
0x123: {  	v46 =	vsub.f32 v13, v16;
	v7 =	vfloor.f32 v45;
	v48 =	vmul.f32 v47, v0  }
0x124: {  	v8 =	vand.u32 $0x80000000, v8;
	v1 =	vadd.f32 $-5.000000000e-01, v1;
	v6 =	vsub.f32 v44, v7  }
0x125: {  	v10 =	vadd.f32 $-5.000000000e-01, v10;
	vm5 =	veq.f32 v46, $1.000000000e+00;
	v7 =	vfloor.f32 v48  }
0x126: {  	v9 =	vsel vm5, $0x0, v46;
	vm6 =	veq.f32 v6, $1.000000000e+00;
	v7 =	vsub.f32 v47, v7  }
0x127: {  	v2 =	vand.u32 $0x80000000, v2;
	v9 =	vand.u32 $0x7FFFFFFF, v9;
	v6 =	vsel vm6, $0x0, v6  }
0x128: {  	v8 =	vor.u32 v8, v9;
	v6 =	vand.u32 $0x7FFFFFFF, v6;
	vm7 =	veq.f32 v7, $1.000000000e+00  }
0x129: {  	v9 =	vadd.f32 $1.000000000e+00, v8;
	v2 =	vor.u32 v2, v6;
	v7 =	vsel vm7, $0x0, v7  }
0x12a: {  	v3 =	vand.u32 $0x80000000, v3;
	v6 =	vadd.f32 $1.000000000e+00, v2;
	v7 =	vand.u32 $0x7FFFFFFF, v7  }
0x12b: {  	vm9 =	vlt.f32 v8, $0.0e+00;
	vm8 =	vlt.f32 v2, $0.0e+00;
	v3 =	vor.u32 v3, v7  }
0x12c: {  	v1 =	vadd.f32 v33, v1;
	v2 =	vsel vm8, v6, v2;
	v49 =	vadd.f32 $1.000000000e+00, v3  }
0x12d: {  	v50 =	vsel vm9, v9, v8;
	v2 =	vadd.f32 $-5.000000000e-01, v2;
	vm10 =	vlt.f32 v3, $0.0e+00  }
0x12e: {  	v52 =	vadd.f32 $-5.000000000e-01, v50;
	v1 =	vadd.f32 $5.000000000e-01, v1;
	v3 =	vsel vm10, v49, v3  }
0x12f: {  	v51 =	vadd.f32 v2, v10;
	v3 =	vadd.f32 $-5.000000000e-01, v3  }
0x130: {  	v53 =	vand.u32 $0x7FFFFFFF, v1  }
0x131: {  	v54 =	vmul.f32 v53, v0;
	v8 =	vadd.f32 $5.000000000e-01, v51;
	v6 =	vadd.f32 v3, v52;
	_ =	sdelay $0x1  }
0x132: {  	v9 =	vfloor.f32 v54;
	v55 =	vand.u32 $0x7FFFFFFF, v8;
	v6 =	vadd.f32 $5.000000000e-01, v6  }
0x133: {  	v7 =	vsub.f32 v53, v9;
	v56 =	vmul.f32 v55, v0  }
0x134: {  	v57 =	vand.u32 $0x7FFFFFFF, v6  }
0x135: {  	vm11 =	veq.f32 v7, $1.000000000e+00;
	v9 =	vfloor.f32 v56;
	v58 =	vmul.f32 v57, v0  }
0x136: {  	v7 =	vsel vm11, $0x0, v7;
	v9 =	vsub.f32 v55, v9  }
0x137: {  	v1 =	vand.u32 $0x80000000, v1;
	v7 =	vand.u32 $0x7FFFFFFF, v7;
	v59 =	vfloor.f32 v58  }
0x138: {  	v1 =	vor.u32 v1, v7;
	vm12 =	veq.f32 v9, $1.000000000e+00;
	v60 =	vsub.f32 v57, v59  }
0x139: {  	v8 =	vand.u32 $0x80000000, v8;
	v61 =	vadd.f32 $1.000000000e+00, v1;
	v9 =	vsel vm12, $0x0, v9  }
0x13a: {  	vm1 =	vlt.f32 v1, $0.0e+00;
	v9 =	vand.u32 $0x7FFFFFFF, v9;
	vm13 =	veq.f32 v60, $1.000000000e+00  }
0x13b: {  	v1 =	vsel vm1, v61, v1;
	v8 =	vor.u32 v8, v9;
	v7 =	vsel vm13, $0x0, v60  }
0x13c: {  	v6 =	vand.u32 $0x80000000, v6;
	v9 =	vadd.f32 $1.000000000e+00, v8;
	v7 =	vand.u32 $0x7FFFFFFF, v7  }
0x13d: {  	[tilespmem:s28+$0xBB80] =	vst v4;
	v1 =	vadd.f32 $-5.000000000e-01, v1;
	vm14 =	vlt.f32 v8, $0.0e+00;
	v62 =	vor.u32 v6, v7  }
0x13e: {  	[tilespmem:s28+$0xEA60] =	vst v41;
	v63 =	vsel vm14, v9, v8;
	v6 =	vadd.f32 $1.000000000e+00, v62  }
0x13f: {  	[tilespmem:s3+$0x11940] =	vst v1;
	v1 =	vadd.f32 $-5.000000000e-01, v63;
	vm15 =	vlt.f32 v62, $0.0e+00  }
0x140: {  	[tilespmem:s5+$0x101D0] =	vst v2;
	v2 =	vsel vm15, v6, v62  }
0x141: {  	[tilespmem:s5+$0x11940] =	vst v1;
	v1 =	vadd.f32 $-5.000000000e-01, v2  }
0x142: {  	[tilespmem:s28+$0x101D0] =	vst v3  }
0x143: {  	s4 =	rddreg [dreg:$0x6];
	[tilespmem:s28+$0x11940] =	vst v1  }
0x144: {  	[spmem:s4] =	stream.indirect.scatter.add.f32 [tilespmem:s17], [sflag:$0x3], $0x1, s24, s25, $0xb8;
	[tilespmem:$0x1F400] =	vst v63  }
0x145: {  	_ =	swait.ge [sflag:s23], $0x1770  }
0x146: {  	[sflag:s23] =	ssyncset.done $0x0  }
0x147: {  	[sflag:s23] =	ssyncadd.s32 $0xFFFFE890  }
0x148: {  	s5 =	rddreg [dreg:$0x4]  }
0x149: {  	s3 =	sadd.s32 s5, s2  }
0x14a: {  	[hbm4b:s3+s7] =	stream.linear.scatter [tilespmem:s20], [sflag:$0x3], $0x1770, $0x38;
	[tilespmem:$0x1F400] =	vst v63  }
0x14b: {  	_ =	swait.ge [sflag:s23], $0x1770  }
0x14c: {  	[sflag:s23] =	ssyncset.done $0x0  }
0x14d: {  	s26 =	sadd.s32 s13, s2;
	[sflag:s23] =	ssyncadd.s32 $0xFFFFE890  }
0x14e: {  	[hbm4b:s26+s7] =	stream.linear.scatter [tilespmem:s21], [sflag:$0x3], $0x1770, $0x38;
	[tilespmem:$0x1F400] =	vst v63  }
0x14f: {  	_ =	swait.ge [sflag:s23], $0x1770  }
0x150: {  	[sflag:s23] =	ssyncset.done $0x0  }
0x151: {  	s28 =	sadd.s32 s14, s2;
	[sflag:s23] =	ssyncadd.s32 $0xFFFFE890  }
0x152: {  	[hbm4b:s28+s7] =	stream.linear.scatter [tilespmem:s18], [sflag:$0x3], $0x1770, $0x38;
	[tilespmem:$0x1F400] =	vst v63  }
0x153: {  	_ =	swait.ge [sflag:s23], $0x1770  }
0x154: {  	[sflag:s23] =	ssyncset.done $0x0  }
0x155: {  	s29 =	sadd.s32 s15, s2;
	[sflag:s23] =	ssyncadd.s32 $0xFFFFE890  }
0x156: {  	[hbm4b:s29+s7] =	stream.linear.scatter [tilespmem:s22], [sflag:$0x3], $0x1770, $0x38;
	[tilespmem:$0x1F400] =	vst v63  }
0x157: {  	s0 =	sadd.s32 $0x1, s0;
	_ =	swait.ge [sflag:s23], $0x1770  }
0x158: {  	p0 =	sne.s32 s0, $0x32;
	[sflag:s23] =	ssyncset.done $0x0  }
.Ltmp1:
0x159: {  	s30 =	sadd.s32 s16, s2;
	[sflag:s23] =	ssyncadd.s32 $0xFFFFE890;
	(pc) =	sbr.rel @p0 .LBB2_2-.Ltmp1, $4  }
0x15a: {  	[hbm4b:s30+s7] =	stream.linear.scatter [tilespmem:s17], [sflag:$0x3], $0x1770, $0x38;
	[tilespmem:$0x1F400] =	vst v63  }
0x15b: {  	_ =	swait.ge [sflag:s23], $0x1770  }
0x15c: {  	[sflag:s23] =	ssyncset.done $0x0  }
0x15d: {  	[sflag:s23] =	ssyncadd.s32 $0xFFFFE890  }
0x15e: {  	[bflag:$0x0] =	sbarrier.arrive $0xFFFF  }
0x15f: {  	s3 =	rddreg [dreg:$0x9]  }
0x160: {  	s0 =	rddreg [dreg:$0xa]  }
0x161: {  	s2 =	rddreg [dreg:$0xc]  }
0x162: {  	[hbm:s0], [sflag:s3] =	dma.local [spmem:s2], $0x186A  }
0x163: {  	_ =	swait.ge [sflag:s23], $0x186A  }
0x164: {  	s4 =	rddreg [dreg:$0xd]  }
0x165: {  	s30 =	rddreg [dreg:$0xb];
	s4 =	sadd.s32 $0x1, s4  }
0x166: {  	p0 =	sne.s32 s4, s30  }
.Ltmp2:
0x167: {  	_ = 	snop;
	(pc) =	sbr.rel @p0 .LBB2_1-.Ltmp2, $3  }
0x168: {  	_ =	sdelay $0x1  }
0x169: {  	[sflag:s23] =	ssyncset.done $0x0  }
0x16a: {  	[sflag:s23] =	ssyncadd.s32 $0xFFFFE796  }
0x16b: {  	_ =	sfence.sel $0x180000  }
0x16c: {  	[bflag:$0x0] =	sbarrier.arrive $0xFFFF  }
0x16d: {  	_ =	strace $0x9000004A  }
0x16e: {  	s0 =	stileid.u32;
	[bflag:$0x2] =	sbarrier.arrive $0xFFFF  }
0x16f: {  	p0 =	sne.s32 s0, $0x0;
	s0 =	rddreg [dreg:$0x7]  }
0x170: {  	s0 =	sadd.s32 @!p0 $0x100000, s0  }
0x171: {  	[sflag:s0] =	ssyncadd.tile.s32 @!p0 $0x1;
	_ =	shalt  }
.Lfunc_end2:
_tile_overlayer_lowered:
.L_overlay_start_2:
0x172: {  	(tag) =	ssettag $0x2  }
0x173: {  	s0 =	rddreg [dreg:$0x0];
	s2 =	stileid.u32  }
0x174: {  	s1 =	rddreg [dreg:$0x1];
	p0 =	sne.s32 s2, $0x0  }
0x175: {  	s3 =	rddreg [dreg:$0x2];
	[bflag:$0x3] =	sbarrier.arrive $0xFFFF;
	s2 =	simm.s32 @!p0 $0x1C03  }
0x176: {  	[timem:s3], [sflag:s2] =	dma.local @!p0 [hbm:s0], s1  }
0x177: {  	s0 =	simm.s32 @!p0 $0x3  }
0x178: {  	_ =	swait.ge @!p0 [sflag:s0], s1  }
0x179: {  	s1 =	ssub.s32 @!p0 $0x0, s1;
	[sflag:s0] =	ssyncset.done @!p0 $0x0  }
0x17a: {  	[sflag:s0] =	ssyncadd.s32 @!p0 s1  }
0x17b: {  	[bflag:$0x3] =	sbarrier.arrive $0xFFFF  }
0x17c: {  	_ =	shalt  }

// kernel: kernel.14.cloned.1.call-start
scs
__scs_entry_jumppad:
0x0: {  	(pc) =	sbr.rel $0x88, $3  }
0x1: {  	(tag) =	ssettag $0x0;
	lr =	simm.s32 $0x1  }
0x2: {  	[smem:$0x3F9B] =	sst lr;
	_ =	strace $0xD0000000  }
0x3: {  	_ = 	snop  }
0x4: {  	_ = 	snop  }
0x5: {  	_ = 	snop  }
0x6: {  	_ = 	snop  }
0x7: {  	_ = 	snop  }
__scs_overlays_trampoline_lowered:
0x8: {  	[smem:$0x3FAA] =	sst s0  }
0x9: {  	[smem:$0x3FAB] =	sst s1  }
0xa: {  	[smem:$0x3FAC] =	sst s2  }
0xb: {  	[smem:$0x3FAD] =	sst s3  }
0xc: {  	[smem:$0x3FAE] =	sst s4  }
0xd: {  	[smem:$0x3FAF] =	sst s5  }
0xe: {  	[smem:$0x3FB0] =	sst s6  }
0xf: {  	[smem:$0x3FB1] =	sst s7  }
0x10: {  	[smem:$0x3FB2] =	sst s8  }
0x11: {  	[smem:$0x3FB3] =	sst s9;
	s0 =	simm.s32 @!p0 $0x0  }
0x12: {  	s1 =	sld [smem:$0x3F99];
	s0 =	simm.s32 @p0 $0x1  }
0x13: {  	[smem:$0x3FB4] =	sst s0;
	s0 =	simm.s32 @!p1 $0x0  }
0x14: {  	s2 =	sld [smem:$0x3F98];
	s0 =	simm.s32 @p1 $0x1  }
0x15: {  	[smem:$0x3FB5] =	sst s0;
	s0 =	simm.s32 @!p2 $0x0  }
0x16: {  	s3 =	sld [smem:$0x3FDB];
	s0 =	simm.s32 @p2 $0x1  }
0x17: {  	s4 =	simm.s32 $0x1BF5;
	[smem:$0x3FB7] =	sst s0  }
0x18: {  	s0 =	sld [smem:$0x3F9A];
	_ =	swait.ge [sflag:s4], $0x0  }
0x19: {  	s7 =	sld [smem:$0x3F9B]  }
0x1a: {  	s8 =	sadd.s32 $0xFFFFE003, lr  }
0x1b: {  	s9 =	sadd.s32 $0xFFFFFEF7, lr;
	s5 =	simm.s32 $0xFFFFFFFF;
	p2 =	slt.u32 s8, $0xFFFFF086  }
0x1c: {  	p1 =	slt.u32 s9, $0xF7A;
	s5 =	simm.s32 @!p2 $0x0  }
0x1d: {  	s5 =	simm.s32 @p1 $0x1;
	p0 =	seq.s32 s7, s2  }
0x1e: {  	s7 =	smul.u32 @!p0 $0xF7A, s2;
	p2 =	seq.s32 @!p0 s5, $0x0  }
0x1f: {  	s9 =	smul.u32 $0xF7A, s1;
	s8 =	simm.s32 @!p0 $0x1BF5;
	p2 =	por !p2, p0  }
0x20: {  	[sflag:s8] =	ssyncset.s32 @!p0 $0xFFFFF086;
	s6 =	sadd.s32 @!p0 s3, s7;
	s7 =	simm.s32 @!p0 $0x108  }
0x21: {  	s3 =	sadd.s32 s3, s9;
	s6 =	sadd.s32 @!p0 $0x88, s6;
	s7 =	simm.s32 @p2 $0x1082  }
0x22: {  	[simem:s7], [sflag:s8] =	dma.local @!p0 [hbm:s6], $0xF7A  }
0x23: {  	s9 =	sor.u32 $0xD0000000, s2;
	s6 =	simm.s32 $0x108;
	_ =	swait.ge @!p0 [sflag:s8], $0x0  }
0x24: {  	s3 =	sadd.s32 $0x88, s3;
	s6 =	simm.s32 @!p1 $0x1082;
	[sflag:s4] =	ssyncset.s32 $0xFFFFF086  }
0x25: {  	[simem:s6], [sflag:s4] =	dma.local [hbm:s3], $0xF7A  }
0x26: {  	[smem:$0x3F9B] =	sst s1;
	(tag) =	ssettag s2;
	_ =	strace s9  }
0x27: {  	s1 =	sld [smem:$0x3FAB]  }
0x28: {  	s2 =	sld [smem:$0x3FAC]  }
0x29: {  	s4 =	sld [smem:$0x3FAE]  }
0x2a: {  	p0 =	seq.s32 s5, $0x0;
	s5 =	sld [smem:$0x3FAF]  }
0x2b: {  	s6 =	sld [smem:$0x3FB0]  }
0x2c: {  	s7 =	sld [smem:$0x3FB1]  }
0x2d: {  	s3 =	simm.s32 $0x108;
	s8 =	sld [smem:$0x3FB2]  }
0x2e: {  	s3 =	simm.s32 @!p0 $0x1082;
	s9 =	sld [smem:$0x3FB3]  }
0x2f: {  	lr =	sadd.s32 s0, s3;
	s0 =	sld [smem:$0x3FAA]  }
0x30: {  	s3 =	sld [smem:$0x3FAD]  }
0x31: {  	[smem:$0x3FB6] =	sst s10  }
0x32: {  	s10 =	sld [smem:$0x3FB4];
	_ =	sdelay $0x3  }
0x33: {  	p0 =	seq.s32 s10, $0x1;
	s10 =	sld [smem:$0x3FB6];
	_ =	sdelay $0x3  }
0x34: {  	[smem:$0x3FB6] =	sst s10  }
0x35: {  	s10 =	sld [smem:$0x3FB5];
	_ =	sdelay $0x3  }
0x36: {  	p1 =	seq.s32 s10, $0x1;
	s10 =	sld [smem:$0x3FB6];
	_ =	sdelay $0x3  }
0x37: {  	[smem:$0x3FB6] =	sst s10  }
0x38: {  	s10 =	sld [smem:$0x3FB7]  }
0x39: {  	_ = 	snop;
	(pc) =	sbr.ind lr, $3  }
0x3a: {  	_ = 	snop  }
0x3b: {  	_ = 	snop  }
0x3c: {  	p2 =	seq.s32 s10, $0x1;
	s10 =	sld [smem:$0x3FB6]  }
0x3d: {  	_ =	shalt  }
0x3e: {  	_ =	shalt  }
0x3f: {  	_ =	shalt  }
0x40: {  	_ =	shalt  }
0x41: {  	_ =	shalt  }
0x42: {  	_ =	shalt  }
0x43: {  	_ =	shalt  }
0x44: {  	_ =	shalt  }
0x45: {  	_ =	shalt  }
0x46: {  	_ =	shalt  }
0x47: {  	_ =	shalt  }
0x48: {  	_ =	shalt  }
0x49: {  	_ =	shalt  }
0x4a: {  	_ =	shalt  }
0x4b: {  	_ =	shalt  }
0x4c: {  	_ =	shalt  }
0x4d: {  	_ =	shalt  }
0x4e: {  	_ =	shalt  }
0x4f: {  	_ =	shalt  }
0x50: {  	_ =	shalt  }
0x51: {  	_ =	shalt  }
0x52: {  	_ =	shalt  }
0x53: {  	_ =	shalt  }
0x54: {  	_ =	shalt  }
0x55: {  	_ =	shalt  }
0x56: {  	_ =	shalt  }
0x57: {  	_ =	shalt  }
0x58: {  	_ =	shalt  }
0x59: {  	_ =	shalt  }
0x5a: {  	_ =	shalt  }
0x5b: {  	_ =	shalt  }
0x5c: {  	_ =	shalt  }
0x5d: {  	_ =	shalt  }
0x5e: {  	_ =	shalt  }
0x5f: {  	_ =	shalt  }
0x60: {  	_ =	shalt  }
0x61: {  	_ =	shalt  }
0x62: {  	_ =	shalt  }
0x63: {  	_ =	shalt  }
0x64: {  	_ =	shalt  }
0x65: {  	_ =	shalt  }
0x66: {  	_ =	shalt  }
0x67: {  	_ =	shalt  }
0x68: {  	_ =	shalt  }
0x69: {  	_ =	shalt  }
0x6a: {  	_ =	shalt  }
0x6b: {  	_ =	shalt  }
0x6c: {  	_ =	shalt  }
0x6d: {  	_ =	shalt  }
0x6e: {  	_ =	shalt  }
0x6f: {  	_ =	shalt  }
0x70: {  	_ =	shalt  }
0x71: {  	_ =	shalt  }
0x72: {  	_ =	shalt  }
0x73: {  	_ =	shalt  }
0x74: {  	_ =	shalt  }
0x75: {  	_ =	shalt  }
0x76: {  	_ =	shalt  }
0x77: {  	_ =	shalt  }
0x78: {  	_ =	shalt  }
0x79: {  	_ =	shalt  }
0x7a: {  	_ =	shalt  }
0x7b: {  	_ =	shalt  }
0x7c: {  	_ =	shalt  }
0x7d: {  	_ =	shalt  }
0x7e: {  	_ =	shalt  }
0x7f: {  	_ =	shalt  }
0x80: {  	_ =	shalt  }
0x81: {  	_ =	shalt  }
0x82: {  	_ =	shalt  }
0x83: {  	_ =	shalt  }
0x84: {  	_ =	shalt  }
0x85: {  	_ =	shalt  }
0x86: {  	_ =	shalt  }
0x87: {  	_ =	shalt  }
.Lfunc_end0:
.L_simem_size_0:
called_computation.7_lowered:
.L_overlay_start_0:
0x88: {  	s2 =	sld [smem:$0x3FD9]  }
0x89: {  	s3 =	sld [smem:$0x3FFE];
	_ =	sdelay $0x1  }
0x8a: {  	s1 =	srdreg.scid  }
0x8b: {  	s0 =	sand.u32 $0x1, s1  }
0x8c: {  	s14 =	sshll.u32 s0, $0xA;
	s2 =	sadd.s32 s3, s2  }
0x8d: {  	s2 =	sadd.s32 s2, s14  }
0x8e: {  	[smem:$0x3FC2] =	sst s2  }
0x8f: {  	_ = 	snop  }
0x90: {  	s2 =	sld [smem:$0x3FD0];
	_ =	sdelay $0x2  }
0x91: {  	s15 =	simm.s32 $0xE;
	s4 =	simm.s32 $0x10  }
0x92: {  	[smem:s4], [sflag:s15] =	dma.local [hbm:s2], $0x1  }
0x93: {  	_ =	swait.eq [sflag:s15], $0x1  }
0x94: {  	[sflag:s15] =	ssyncset.done $0x0  }
0x95: {  	[sflag:s15] =	ssyncadd.s32 $0xFFFFFFFF  }
0x96: {  	s16 =	sld [smem:$0x10];
	(tm) =	ssettm $0x1  }
0x97: {  	s17 =	sld [smem:$0x3FFB];
	_ =	sdelay $0x3  }
0x98: {  	_ =	strace s17  }
0x99: {  	s3 =	sld [smem:$0x3FFC];
	_ =	sdelay $0x3  }
0x9a: {  	_ =	strace s3  }
0x9b: {  	s3 =	sld [smem:$0x3FFD];
	_ =	sdelay $0x3  }
0x9c: {  	_ =	strace s3  }
0x9d: {  	_ =	strace $0x8FFFFFFF  }
0x9e: {  	s18 =	sld [smem:$0x3FDB];
	_ =	sdelay $0x1  }
0x9f: {  	s19 =	simm.s32 $_scs_section_size  }
0xa0: {  	s5 =	simm.s32 $_size__tile_overlayer_lowered;
	s6 =	simm.s32 $_tile_overlayer_lowered  }
0xa1: {  	s22 =	simm.s32 $0x1BFF;
	s21 =	sshll.u32 s6, $0x1;
	s3 =	sadd.s32 s19, s18  }
0xa2: {  	s7 =	simm.s32 $0x0;
	s20 =	sshll.u32 s5, $0x1;
	s5 =	sadd.s32 s21, s3  }
0xa3: {  	[timem:s7], [sflag:s22] =	dma.local [hbm:s5], s20  }
0xa4: {  	_ =	swait.ge [sflag:s22], s20  }
0xa5: {  	s4 =	ssub.s32 $0x0, s20;
	[sflag:s22] =	ssyncset.done $0x0  }
0xa6: {  	[sflag:s22] =	ssyncadd.s32 s4;
	_ =	sdelay $0x1  }
0xa7: {  	s23 =	simm.s32 $0x1B8B  }
0xa8: {  	_ =	swait.ge [sflag:s23], $0x1  }
0xa9: {  	[sflag:s23] =	ssyncset.done $0x0  }
0xaa: {  	s25 =	simm.s32 $0x1B8E;
	s24 =	sld [smem:$0x3FFE];
	[sflag:s23] =	ssyncadd.s32 $0xFFFFFFFF  }
0xab: {  	s26 =	simm.s32 $execute0_lowered;
	[smem:$0x3FD2] =	sst s25  }
0xac: {  	s5 =	sshll.u32 s26, $0x1;
	_ =	strace $0x8000004C;
	[dreg:$0x1] =	wrdreg $0xFFFFFFFF  }
0xad: {  	s28 =	simm.s32 $_size_execute0_lowered;
	s3 =	sadd.s32 s3, s5;
	[dreg:$0x0] =	wrdreg $0x0  }
0xae: {  	s5 =	sshll.u32 s28, $0x1;
	[dreg:$0x2] =	wrdreg s3  }
0xaf: {  	[dreg:$0x3] =	wrdreg s5  }
0xb0: {  	[dreg:$0x4] =	wrdreg $0xC0  }
0xb1: {  	_ =	task [dreg:s7], $0x5FFFF  }
0xb2: {  	[dreg:$0x1] =	wrdreg $0xFFFFFFFF  }
0xb3: {  	[dreg:$0x0] =	wrdreg $0x60  }
0xb4: {  	[dreg:$0x2] =	wrdreg s24  }
0xb5: {  	[dreg:$0x3] =	wrdreg s16  }
0xb6: {  	[dreg:$0x4] =	wrdreg $0xD  }
0xb7: {  	_ =	task.clear_ibuf [dreg:s7], $0x5FFFF;
	_ =	strace $0x9000004C  }
0xb8: {  	s29 =	simm.s32 $0xD;
	_ =	strace $0x8000004E  }
0xb9: {  	_ =	swait.ge [sflag:s29], $0x1  }
0xba: {  	[sflag:s29] =	ssyncadd.s32 $0xFFFFFFFF  }
0xbb: {  	_ =	strace $0x9000004E  }
0xbc: {  	_ =	sfence  }
0xbd: {  	s30 =	sld [smem:$0x0];
	_ =	sdelay $0x2  }
0xbe: {  	s31 =	sshll.u32 s1, $0xD;
	s1 =	sshrl.u32 s1, $0x2  }
0xbf: {  	s3 =	sand.u32 $0x4000, s31;
	s1 =	sadd.s32 s1, s30  }
0xc0: {  	s0 =	sor.u32 s3, s0;
	s1 =	sshll.u32 s1, $0x11  }
0xc1: {  	s0 =	sor.u32 s1, s0  }
0xc2: {  	s0 =	sadd.s32 $0x8F2B, s0  }
0xc3: {  	[sflag:s0] =	ssyncadd.remote.s32 $0x1  }
0xc4: {  	_ =	sfence.sel $0xFFFF  }
0xc5: {  	[dreg:$0x0] =	wrdreg $0xFFFFFFFF;
	(pc) =	sbr.abs _section_cstart, $3  }
0xc6: {  	[dreg:$0x1] =	wrdreg $0xFFFFFFFF  }
0xc7: {  	_ =	task.clear_ibuf [dreg:s7], $0x2FFFF;
	_ =	strace $0x9FFFFFFF  }
0xc8: {  	(tm) =	ssettm $0x7FFFFFFF  }
0xc9: {  	_ =	shalt  }
tec
execute0_lowered:
.L_overlay_start_1:
0x0: {  	(tag) =	ssettag $0x1  }
0x1: {  	s6 =	rddreg [dreg:$0x0]  }
0x2: {  	s1 =	rddreg [dreg:$0x1]  }
0x3: {  	s0 =	rddreg [dreg:$0x2];
	s2 =	simm.s32 $0x0  }
0x4: {  	s3 =	srdreg.scid;
	s11 =	simm.s32 $0x1770;
	s12 =	simm.s32 $0x4650  }
0x5: {  	s13 =	simm.s32 $0x1;
	s14 =	simm.s32 $0x0;
	[smem:$0x7FF] =	sst s2  }
0x6: {  	s7 =	sand.u32 $0x1, s3;
	s3 =	stileid.u32;
	s4 =	sadd.s32 $0x81E200, s6  }
0x7: {  	s5 =	sadd.s32 $0x64600, s6;
	s6 =	sadd.s32 $0x2A00, s6;
	s8 =	ssub.s32 $0x2, s7  }
0x8: {  	_ =	strace $0x8000004D;
	s10 =	sshll.u32 s3, $0x1;
	s9 =	sshrl.u32 s8, $0x1  }
0x9: {  	s7 =	sor.u32 s7, s10;
	s10 =	simm.s32 $0x2;
	s8 =	ssub.s32 s8, s9  }
0xa: {  	s7 =	smul.u32 $0x186A0, s7;
	s9 =	simm.s32 $0x2EE0;
	s8 =	smax.u32 s8, $0x1  }
.LBB2_1:
0xb: {  	s15 =	simm.s32 $0x0  }
.LBB2_2:
0xc: {  	s16 =	smul.u32 $0x7D0, s15;
	_ =	sdelay $0x1  }
0xd: {  	s16 =	sadd.s32 s7, s16  }
0xe: {  	s16 =	smul.u32 $0x3, s16;
	_ =	sdelay $0x1  }
0xf: {  	s16 =	sshrl.u32 s16, $0x3  }
0x10: {  	s18 =	simm.s32 $0x0;
	s17 =	sadd.s32 s5, s16  }
0x11: {  	[tilespmem:s9], [sflag:$0x2] =	stream.linear.gather [hbm4b:s17+s18], $0x1770, $0x38;
	[tilespmem:$0x5DC0] =	vst v63  }
0x12: {  	_ =	swait.ge [sflag:s10], $0x1770  }
0x13: {  	[sflag:s10] =	ssyncset.done $0x0  }
0x14: {  	[sflag:s10] =	ssyncadd.s32 $0xFFFFE890  }
0x15: {  	[tilespmem:s12], [sflag:$0x1] =	stream.indirect.gather [hbm4b:s6+s11], $0x1, s9, s11, $0xb8;
	[tilespmem:$0x5DC0] =	vst v63  }
0x16: {  	s31 =	sadd.s32 s4, s16  }
0x17: {  	[tilespmem:s18], [sflag:$0x2] =	stream.linear.gather [hbm4b:s31+s18], $0x1770, $0x38;
	[tilespmem:$0x5DC0] =	vst v63  }
0x18: {  	_ =	swait.ge [sflag:s10], $0x1770  }
0x19: {  	[sflag:s10] =	ssyncset.done $0x0  }
0x1a: {  	[sflag:s10] =	ssyncadd.s32 $0xFFFFE890  }
0x1b: {  	_ =	swait.ge [sflag:s13], $0x1770  }
0x1c: {  	[sflag:s13] =	ssyncset.done $0x0  }
0x1d: {  	s17 =	simm.s32 $0x0;
	[sflag:s13] =	ssyncadd.s32 $0xFFFFE890  }
0x1e: {  	v0 =	vld [tilespmem:s17+$0x0]  }
0x1f: {  	s18 =	simm.s32 $0x40;
	v1 =	vld [tilespmem:s17+$0x4650]  }
.LBB2_3:
0x20: {  	_ = 	snop  }
0x21: {  	p0 =	sne.s32 s18, $0x5D80  }
.Ltmp0:
0x22: {  	_ = 	snop;
	(pc) =	sbr.rel @p0 .LBB2_3-.Ltmp0, $4  }
0x23: {  	_ = 	snop  }
0x24: {  	s19 =	sshra.s32 s18, $0x2;
	v2 =	vsub.f32 v0, v1  }
0x25: {  	v0 =	vld [tilespmem:s19+$0x0]  }
0x26: {  	s18 =	sadd.s32 $0x40, s18;
	v1 =	vld [tilespmem:s19+$0x4650];
	[tilespmem:s17+$0x1770] =	vst v2;
	s17 =	smov.u32 s19  }
0x27: {  	_ =	sdelay $0x3  }
0x28: {  	s15 =	sadd.s32 $0x1, s15;
	v0 =	vsub.f32 v0, v1  }
0x29: {  	p0 =	sne.s32 s15, $0x32  }
.Ltmp1:
0x2a: {  	s16 =	sadd.s32 s1, s16;
	[tilespmem:s17+$0x1770] =	vst v0;
	(pc) =	sbr.rel @p0 .LBB2_2-.Ltmp1, $4  }
0x2b: {  	[hbm4b:s16+s2] =	stream.linear.scatter [tilespmem:s11], [sflag:$0x2], $0x1770, $0x38;
	[tilespmem:$0x5DC0] =	vst v63  }
0x2c: {  	_ =	swait.ge [sflag:s10], $0x1770  }
0x2d: {  	[sflag:s10] =	ssyncset.done $0x0  }
0x2e: {  	[sflag:s10] =	ssyncadd.s32 $0xFFFFE890  }
0x2f: {  	s14 =	sadd.s32 $0x1, s14  }
0x30: {  	p0 =	sne.s32 s14, s8  }
.Ltmp2:
0x31: {  	_ = 	snop;
	(pc) =	sbr.rel @p0 .LBB2_1-.Ltmp2, $1  }
0x32: {  	_ =	sdelay $0x3  }
0x33: {  	_ =	sfence.sel $0x180000  }
0x34: {  	[bflag:$0x0] =	sbarrier.arrive $0xFFFF  }
0x35: {  	p0 =	sne.s32 s3, $0x0;
	_ =	strace $0x9000004D  }
0x36: {  	s0 =	sadd.s32 @!p0 $0x100000, s0;
	[bflag:$0x2] =	sbarrier.arrive $0xFFFF  }
0x37: {  	[sflag:s0] =	ssyncadd.tile.s32 @!p0 $0x1;
	_ =	shalt  }
.Lfunc_end2:
_tile_overlayer_lowered:
.L_overlay_start_2:
0x38: {  	(tag) =	ssettag $0x2  }
0x39: {  	s0 =	rddreg [dreg:$0x0];
	s2 =	stileid.u32  }
0x3a: {  	s1 =	rddreg [dreg:$0x1];
	p0 =	sne.s32 s2, $0x0  }
0x3b: {  	s3 =	rddreg [dreg:$0x2];
	[bflag:$0x3] =	sbarrier.arrive $0xFFFF;
	s2 =	simm.s32 @!p0 $0x1C02  }
0x3c: {  	[timem:s3], [sflag:s2] =	dma.local @!p0 [hbm:s0], s1  }
0x3d: {  	s0 =	simm.s32 @!p0 $0x2  }
0x3e: {  	_ =	swait.ge @!p0 [sflag:s0], s1  }
0x3f: {  	s1 =	ssub.s32 @!p0 $0x0, s1;
	[sflag:s0] =	ssyncset.done @!p0 $0x0  }
0x40: {  	[sflag:s0] =	ssyncadd.s32 @!p0 s1  }
0x41: {  	[bflag:$0x3] =	sbarrier.arrive $0xFFFF  }
0x42: {  	_ =	shalt  }

// kernel: kernel.8.cloned.1.call-start
scs
__scs_entry_jumppad:
0x0: {  	(pc) =	sbr.rel $0x88, $3  }
0x1: {  	(tag) =	ssettag $0x0;
	lr =	simm.s32 $0x1  }
0x2: {  	[smem:$0x3F9B] =	sst lr;
	_ =	strace $0xD0000000  }
0x3: {  	_ = 	snop  }
0x4: {  	_ = 	snop  }
0x5: {  	_ = 	snop  }
0x6: {  	_ = 	snop  }
0x7: {  	_ = 	snop  }
__scs_overlays_trampoline_lowered:
0x8: {  	[smem:$0x3FAA] =	sst s0  }
0x9: {  	[smem:$0x3FAB] =	sst s1  }
0xa: {  	[smem:$0x3FAC] =	sst s2  }
0xb: {  	[smem:$0x3FAD] =	sst s3  }
0xc: {  	[smem:$0x3FAE] =	sst s4  }
0xd: {  	[smem:$0x3FAF] =	sst s5  }
0xe: {  	[smem:$0x3FB0] =	sst s6  }
0xf: {  	[smem:$0x3FB1] =	sst s7  }
0x10: {  	[smem:$0x3FB2] =	sst s8  }
0x11: {  	[smem:$0x3FB3] =	sst s9;
	s0 =	simm.s32 @!p0 $0x0  }
0x12: {  	s1 =	sld [smem:$0x3F99];
	s0 =	simm.s32 @p0 $0x1  }
0x13: {  	[smem:$0x3FB4] =	sst s0;
	s0 =	simm.s32 @!p1 $0x0  }
0x14: {  	s2 =	sld [smem:$0x3F98];
	s0 =	simm.s32 @p1 $0x1  }
0x15: {  	[smem:$0x3FB5] =	sst s0;
	s0 =	simm.s32 @!p2 $0x0  }
0x16: {  	s3 =	sld [smem:$0x3FDB];
	s0 =	simm.s32 @p2 $0x1  }
0x17: {  	s4 =	simm.s32 $0x1BF5;
	[smem:$0x3FB7] =	sst s0  }
0x18: {  	s0 =	sld [smem:$0x3F9A];
	_ =	swait.ge [sflag:s4], $0x0  }
0x19: {  	s7 =	sld [smem:$0x3F9B]  }
0x1a: {  	s8 =	sadd.s32 $0xFFFFE003, lr  }
0x1b: {  	s9 =	sadd.s32 $0xFFFFFEF7, lr;
	s5 =	simm.s32 $0xFFFFFFFF;
	p2 =	slt.u32 s8, $0xFFFFF086  }
0x1c: {  	p1 =	slt.u32 s9, $0xF7A;
	s5 =	simm.s32 @!p2 $0x0  }
0x1d: {  	s5 =	simm.s32 @p1 $0x1;
	p0 =	seq.s32 s7, s2  }
0x1e: {  	s7 =	smul.u32 @!p0 $0xF7A, s2;
	p2 =	seq.s32 @!p0 s5, $0x0  }
0x1f: {  	s9 =	smul.u32 $0xF7A, s1;
	s8 =	simm.s32 @!p0 $0x1BF5;
	p2 =	por !p2, p0  }
0x20: {  	[sflag:s8] =	ssyncset.s32 @!p0 $0xFFFFF086;
	s6 =	sadd.s32 @!p0 s3, s7;
	s7 =	simm.s32 @!p0 $0x108  }
0x21: {  	s3 =	sadd.s32 s3, s9;
	s6 =	sadd.s32 @!p0 $0x88, s6;
	s7 =	simm.s32 @p2 $0x1082  }
0x22: {  	[simem:s7], [sflag:s8] =	dma.local @!p0 [hbm:s6], $0xF7A  }
0x23: {  	s9 =	sor.u32 $0xD0000000, s2;
	s6 =	simm.s32 $0x108;
	_ =	swait.ge @!p0 [sflag:s8], $0x0  }
0x24: {  	s3 =	sadd.s32 $0x88, s3;
	s6 =	simm.s32 @!p1 $0x1082;
	[sflag:s4] =	ssyncset.s32 $0xFFFFF086  }
0x25: {  	[simem:s6], [sflag:s4] =	dma.local [hbm:s3], $0xF7A  }
0x26: {  	[smem:$0x3F9B] =	sst s1;
	(tag) =	ssettag s2;
	_ =	strace s9  }
0x27: {  	s1 =	sld [smem:$0x3FAB]  }
0x28: {  	s2 =	sld [smem:$0x3FAC]  }
0x29: {  	s4 =	sld [smem:$0x3FAE]  }
0x2a: {  	p0 =	seq.s32 s5, $0x0;
	s5 =	sld [smem:$0x3FAF]  }
0x2b: {  	s6 =	sld [smem:$0x3FB0]  }
0x2c: {  	s7 =	sld [smem:$0x3FB1]  }
0x2d: {  	s3 =	simm.s32 $0x108;
	s8 =	sld [smem:$0x3FB2]  }
0x2e: {  	s3 =	simm.s32 @!p0 $0x1082;
	s9 =	sld [smem:$0x3FB3]  }
0x2f: {  	lr =	sadd.s32 s0, s3;
	s0 =	sld [smem:$0x3FAA]  }
0x30: {  	s3 =	sld [smem:$0x3FAD]  }
0x31: {  	[smem:$0x3FB6] =	sst s10  }
0x32: {  	s10 =	sld [smem:$0x3FB4];
	_ =	sdelay $0x3  }
0x33: {  	p0 =	seq.s32 s10, $0x1;
	s10 =	sld [smem:$0x3FB6];
	_ =	sdelay $0x3  }
0x34: {  	[smem:$0x3FB6] =	sst s10  }
0x35: {  	s10 =	sld [smem:$0x3FB5];
	_ =	sdelay $0x3  }
0x36: {  	p1 =	seq.s32 s10, $0x1;
	s10 =	sld [smem:$0x3FB6];
	_ =	sdelay $0x3  }
0x37: {  	[smem:$0x3FB6] =	sst s10  }
0x38: {  	s10 =	sld [smem:$0x3FB7]  }
0x39: {  	_ = 	snop;
	(pc) =	sbr.ind lr, $3  }
0x3a: {  	_ = 	snop  }
0x3b: {  	_ = 	snop  }
0x3c: {  	p2 =	seq.s32 s10, $0x1;
	s10 =	sld [smem:$0x3FB6]  }
0x3d: {  	_ =	shalt  }
0x3e: {  	_ =	shalt  }
0x3f: {  	_ =	shalt  }
0x40: {  	_ =	shalt  }
0x41: {  	_ =	shalt  }
0x42: {  	_ =	shalt  }
0x43: {  	_ =	shalt  }
0x44: {  	_ =	shalt  }
0x45: {  	_ =	shalt  }
0x46: {  	_ =	shalt  }
0x47: {  	_ =	shalt  }
0x48: {  	_ =	shalt  }
0x49: {  	_ =	shalt  }
0x4a: {  	_ =	shalt  }
0x4b: {  	_ =	shalt  }
0x4c: {  	_ =	shalt  }
0x4d: {  	_ =	shalt  }
0x4e: {  	_ =	shalt  }
0x4f: {  	_ =	shalt  }
0x50: {  	_ =	shalt  }
0x51: {  	_ =	shalt  }
0x52: {  	_ =	shalt  }
0x53: {  	_ =	shalt  }
0x54: {  	_ =	shalt  }
0x55: {  	_ =	shalt  }
0x56: {  	_ =	shalt  }
0x57: {  	_ =	shalt  }
0x58: {  	_ =	shalt  }
0x59: {  	_ =	shalt  }
0x5a: {  	_ =	shalt  }
0x5b: {  	_ =	shalt  }
0x5c: {  	_ =	shalt  }
0x5d: {  	_ =	shalt  }
0x5e: {  	_ =	shalt  }
0x5f: {  	_ =	shalt  }
0x60: {  	_ =	shalt  }
0x61: {  	_ =	shalt  }
0x62: {  	_ =	shalt  }
0x63: {  	_ =	shalt  }
0x64: {  	_ =	shalt  }
0x65: {  	_ =	shalt  }
0x66: {  	_ =	shalt  }
0x67: {  	_ =	shalt  }
0x68: {  	_ =	shalt  }
0x69: {  	_ =	shalt  }
0x6a: {  	_ =	shalt  }
0x6b: {  	_ =	shalt  }
0x6c: {  	_ =	shalt  }
0x6d: {  	_ =	shalt  }
0x6e: {  	_ =	shalt  }
0x6f: {  	_ =	shalt  }
0x70: {  	_ =	shalt  }
0x71: {  	_ =	shalt  }
0x72: {  	_ =	shalt  }
0x73: {  	_ =	shalt  }
0x74: {  	_ =	shalt  }
0x75: {  	_ =	shalt  }
0x76: {  	_ =	shalt  }
0x77: {  	_ =	shalt  }
0x78: {  	_ =	shalt  }
0x79: {  	_ =	shalt  }
0x7a: {  	_ =	shalt  }
0x7b: {  	_ =	shalt  }
0x7c: {  	_ =	shalt  }
0x7d: {  	_ =	shalt  }
0x7e: {  	_ =	shalt  }
0x7f: {  	_ =	shalt  }
0x80: {  	_ =	shalt  }
0x81: {  	_ =	shalt  }
0x82: {  	_ =	shalt  }
0x83: {  	_ =	shalt  }
0x84: {  	_ =	shalt  }
0x85: {  	_ =	shalt  }
0x86: {  	_ =	shalt  }
0x87: {  	_ =	shalt  }
.Lfunc_end0:
.L_simem_size_0:
called_computation.5_lowered:
.L_overlay_start_0:
0x88: {  	s2 =	sld [smem:$0x3FD9]  }
0x89: {  	s3 =	sld [smem:$0x3FFE];
	_ =	sdelay $0x1  }
0x8a: {  	s1 =	srdreg.scid  }
0x8b: {  	s0 =	sand.u32 $0x1, s1  }
0x8c: {  	s14 =	sshll.u32 s0, $0xA;
	s2 =	sadd.s32 s3, s2  }
0x8d: {  	s2 =	sadd.s32 s2, s14  }
0x8e: {  	[smem:$0x3FC2] =	sst s2  }
0x8f: {  	_ = 	snop  }
0x90: {  	s2 =	sld [smem:$0x3FD0];
	_ =	sdelay $0x2  }
0x91: {  	s15 =	simm.s32 $0xE;
	s4 =	simm.s32 $0x10  }
0x92: {  	[smem:s4], [sflag:s15] =	dma.local [hbm:s2], $0x1  }
0x93: {  	_ =	swait.eq [sflag:s15], $0x1  }
0x94: {  	[sflag:s15] =	ssyncset.done $0x0  }
0x95: {  	[sflag:s15] =	ssyncadd.s32 $0xFFFFFFFF  }
0x96: {  	s16 =	sld [smem:$0x11];
	(tm) =	ssettm $0x1  }
0x97: {  	s17 =	sld [smem:$0x3FFB];
	_ =	sdelay $0x3  }
0x98: {  	_ =	strace s17  }
0x99: {  	s3 =	sld [smem:$0x3FFC];
	_ =	sdelay $0x3  }
0x9a: {  	_ =	strace s3  }
0x9b: {  	s3 =	sld [smem:$0x3FFD];
	_ =	sdelay $0x3  }
0x9c: {  	_ =	strace s3  }
0x9d: {  	_ =	strace $0x8FFFFFFF  }
0x9e: {  	s18 =	sld [smem:$0x3FDB];
	_ =	sdelay $0x1  }
0x9f: {  	s19 =	simm.s32 $_scs_section_size  }
0xa0: {  	s5 =	simm.s32 $_size__tile_overlayer_lowered;
	s6 =	simm.s32 $_tile_overlayer_lowered  }
0xa1: {  	s22 =	simm.s32 $0x1BFF;
	s21 =	sshll.u32 s6, $0x1;
	s3 =	sadd.s32 s19, s18  }
0xa2: {  	s7 =	simm.s32 $0x0;
	s20 =	sshll.u32 s5, $0x1;
	s5 =	sadd.s32 s21, s3  }
0xa3: {  	[timem:s7], [sflag:s22] =	dma.local [hbm:s5], s20  }
0xa4: {  	_ =	swait.ge [sflag:s22], s20  }
0xa5: {  	s4 =	ssub.s32 $0x0, s20;
	[sflag:s22] =	ssyncset.done $0x0  }
0xa6: {  	[sflag:s22] =	ssyncadd.s32 s4;
	_ =	sdelay $0x1  }
0xa7: {  	s23 =	simm.s32 $0x1B8B  }
0xa8: {  	_ =	swait.ge [sflag:s23], $0x1  }
0xa9: {  	[sflag:s23] =	ssyncset.done $0x0  }
0xaa: {  	s25 =	simm.s32 $0x1B8E;
	s24 =	sld [smem:$0x3FFE];
	[sflag:s23] =	ssyncadd.s32 $0xFFFFFFFF  }
0xab: {  	s26 =	simm.s32 $execute0_lowered;
	[smem:$0x3FD2] =	sst s25  }
0xac: {  	s5 =	sshll.u32 s26, $0x1;
	_ =	strace $0x80000046;
	[dreg:$0x1] =	wrdreg $0xFFFFFFFF  }
0xad: {  	s28 =	simm.s32 $_size_execute0_lowered;
	s3 =	sadd.s32 s3, s5;
	[dreg:$0x0] =	wrdreg $0x0  }
0xae: {  	s5 =	sshll.u32 s28, $0x1;
	[dreg:$0x2] =	wrdreg s3  }
0xaf: {  	[dreg:$0x3] =	wrdreg s5  }
0xb0: {  	[dreg:$0x4] =	wrdreg $0xC0  }
0xb1: {  	_ =	task [dreg:s7], $0x5FFFF  }
0xb2: {  	[dreg:$0x1] =	wrdreg $0xFFFFFFFF  }
0xb3: {  	[dreg:$0x0] =	wrdreg $0x60  }
0xb4: {  	[dreg:$0x2] =	wrdreg s24  }
0xb5: {  	[dreg:$0x3] =	wrdreg s16  }
0xb6: {  	[dreg:$0x4] =	wrdreg $0x6D600  }
0xb7: {  	[dreg:$0x5] =	wrdreg $0x9  }
0xb8: {  	_ =	task.clear_ibuf [dreg:s7], $0x6FFFF;
	_ =	strace $0x90000046  }
0xb9: {  	s29 =	simm.s32 $0x9;
	_ =	strace $0x80000048  }
0xba: {  	_ =	swait.ge [sflag:s29], $0x1  }
0xbb: {  	[sflag:s29] =	ssyncadd.s32 $0xFFFFFFFF  }
0xbc: {  	_ =	strace $0x90000048  }
0xbd: {  	_ =	sfence  }
0xbe: {  	s30 =	sld [smem:$0x0];
	_ =	sdelay $0x2  }
0xbf: {  	s31 =	sshll.u32 s1, $0xD;
	s1 =	sshrl.u32 s1, $0x2  }
0xc0: {  	s3 =	sand.u32 $0x4000, s31;
	s1 =	sadd.s32 s1, s30  }
0xc1: {  	s0 =	sor.u32 s3, s0;
	s1 =	sshll.u32 s1, $0x11  }
0xc2: {  	s0 =	sor.u32 s1, s0  }
0xc3: {  	s0 =	sadd.s32 $0x8F2B, s0  }
0xc4: {  	[sflag:s0] =	ssyncadd.remote.s32 $0x1  }
0xc5: {  	_ =	sfence.sel $0xFFFF  }
0xc6: {  	[dreg:$0x0] =	wrdreg $0xFFFFFFFF;
	(pc) =	sbr.abs _section_cstart, $3  }
0xc7: {  	[dreg:$0x1] =	wrdreg $0xFFFFFFFF  }
0xc8: {  	_ =	task.clear_ibuf [dreg:s7], $0x2FFFF;
	_ =	strace $0x9FFFFFFF  }
0xc9: {  	(tm) =	ssettm $0x7FFFFFFF  }
tec
execute0_lowered:
.L_overlay_start_1:
0x0: {  	(tag) =	ssettag $0x1  }
0x1: {  	s8 =	rddreg [dreg:$0x0]  }
0x2: {  	s11 =	rddreg [dreg:$0x1]  }
0x3: {  	s1 =	rddreg [dreg:$0x2]  }
0x4: {  	s0 =	rddreg [dreg:$0x3];
	s3 =	simm.s32 $0x0  }
0x5: {  	s2 =	stileid.u32;
	s7 =	srdreg.scid;
	s17 =	simm.s32 $0x5DC0  }
0x6: {  	s18 =	simm.s32 $0x4650;
	s19 =	simm.s32 $0x7D0;
	s20 =	simm.s32 $0x6590  }
0x7: {  	s21 =	simm.s32 $0x0;
	[smem:$0x7FF] =	sst s3;
	s4 =	sadd.s32 $0x325D600, s8  }
0x8: {  	s9 =	smul.u32 $0xC350, s2;
	s5 =	sadd.s32 $0x3382600, s8;
	s6 =	sadd.s32 $0x64600, s8  }
0x9: {  	s10 =	sand.u32 $0x1, s7;
	s7 =	sadd.s32 $0x2A00, s8;
	s15 =	sshll.u32 s2, $0x1  }
0xa: {  	s29 =	sshll.u32 s2, $0x6;
	_ =	strace $0x80000047;
	s13 =	ssub.s32 $0x2, s10  }
0xb: {  	s16 =	smul.u32 $0xC3500, s10;
	s10 =	sor.u32 s10, s15;
	s15 =	simm.s32 $0x1770  }
0xc: {  	s12 =	sshrl.u32 s9, $0x3;
	s14 =	sshrl.u32 s13, $0x1;
	s28 =	sadd.s32 s9, s1  }
0xd: {  	s10 =	smul.u32 $0x186A0, s10;
	s8 =	sadd.s32 s12, s8;
	s26 =	ssub.s32 s13, s14  }
0xe: {  	s30 =	sadd.s32 s9, s16;
	s9 =	sor.u32 $0x1C01, s29;
	s13 =	sshrl.u32 s28, $0x3  }
0xf: {  	s14 =	simm.s32 $0x1;
	s16 =	simm.s32 $0x2EE0;
	s31 =	sshrl.u32 s30, $0x3  }
0x10: {  	v0 =	vimm.f32 $1.000000000e+00;
	s8 =	sadd.s32 $0x189600, s8;
	s12 =	smax.u32 s26, $0x1;
	s11 =	sadd.s32 s11, s31  }
.LBB2_1:
0x11: {  	[spmem:s13], [sflag:s9] =	dma.local [hbm:s8], $0x186A  }
0x12: {  	_ =	swait.ge [sflag:s14], $0x186A  }
0x13: {  	[sflag:s14] =	ssyncset.done $0x0  }
0x14: {  	s22 =	simm.s32 $0x40;
	s23 =	simm.s32 $0x0;
	[sflag:s14] =	ssyncadd.s32 $0xFFFFE796  }
.LBB2_2:
0x15: {  	p0 =	sne.s32 s22, $0x1F00;
	[tilespmem:s23+$0x6590] =	vst v0;
	s23 =	smov.u32 s22;
	s22 =	sadd.s32 $0x40, s22  }
.Ltmp0:
0x16: {  	(pc) =	sbr.rel @p0 .LBB2_2-.Ltmp0, $2  }
0x17: {  	_ =	sdelay $0x2  }
0x18: {  	s23 =	sshra.s32 s23, $0x2  }
0x19: {  	[tilespmem:s23+$0x6590] =	vst v0  }
0x1a: {  	s22 =	simm.s32 $0x0;
	s23 =	simm.s32 $0x0;
	[bflag:$0x0] =	sbarrier.arrive $0xFFFF  }
.LBB2_4:
0x1b: {  	s24 =	smul.u32 $0x7D0, s23;
	_ =	sdelay $0x1  }
0x1c: {  	s24 =	sadd.s32 s10, s24  }
0x1d: {  	s25 =	smul.u32 $0x3, s24;
	_ =	sdelay $0x1  }
0x1e: {  	s25 =	sshrl.u32 s25, $0x3  }
0x1f: {  	s26 =	sadd.s32 s4, s25  }
0x20: {  	[tilespmem:s22], [sflag:$0x1] =	stream.linear.gather [hbm4b:s26+s22], $0x1770, $0x38;
	[tilespmem:$0x130B0] =	vst v63  }
0x21: {  	_ =	swait.ge [sflag:s14], $0x1770  }
0x22: {  	[sflag:s14] =	ssyncset.done $0x0  }
0x23: {  	s31 =	sadd.s32 s5, s25;
	[sflag:s14] =	ssyncadd.s32 $0xFFFFE890  }
0x24: {  	[tilespmem:s15], [sflag:$0x1] =	stream.linear.gather [hbm4b:s31+s22], $0x1770, $0x38;
	[tilespmem:$0x130B0] =	vst v63  }
0x25: {  	_ =	swait.ge [sflag:s14], $0x1770  }
0x26: {  	[sflag:s14] =	ssyncset.done $0x0  }
0x27: {  	s25 =	sadd.s32 s6, s25;
	[sflag:s14] =	ssyncadd.s32 $0xFFFFE890  }
0x28: {  	[tilespmem:s16], [sflag:$0x1] =	stream.linear.gather [hbm4b:s25+s22], $0x1770, $0x38;
	[tilespmem:$0x130B0] =	vst v63  }
0x29: {  	_ =	swait.ge [sflag:s14], $0x1770  }
0x2a: {  	s24 =	sshrl.u32 s24, $0x3;
	[sflag:s14] =	ssyncset.done $0x0  }
0x2b: {  	s24 =	sadd.s32 s7, s24;
	[sflag:s14] =	ssyncadd.s32 $0xFFFFE890  }
0x2c: {  	[tilespmem:s17], [sflag:$0x1] =	stream.linear.gather [hbm4b:s24+s22], $0x7D0, $0x38;
	[tilespmem:$0x130B0] =	vst v63  }
0x2d: {  	_ =	swait.ge [sflag:s14], $0x7D0  }
0x2e: {  	[sflag:s14] =	ssyncset.done $0x0  }
0x2f: {  	s24 =	simm.s32 $0x0;
	[sflag:s14] =	ssyncadd.s32 $0xFFFFF830  }
0x30: {  	s25 =	simm.s32 $0x40;
	v1 =	vld [tilespmem:s24+$0x2EE0]  }
.LBB2_5:
0x31: {  	p0 =	sne.s32 s25, $0x5D80  }
.Ltmp1:
0x32: {  	_ = 	snop;
	(pc) =	sbr.rel @p0 .LBB2_5-.Ltmp1, $3  }
0x33: {  	_ =	sdelay $0x1  }
0x34: {  	s26 =	sshra.s32 s25, $0x2;
	s25 =	sadd.s32 $0x40, s25;
	v2 =	vadd.s32 $0x3, v1  }
0x35: {  	v1 =	vld [tilespmem:s26+$0x2EE0];
	[tilespmem:s24+$0x4650] =	vst v2;
	s24 =	smov.u32 s26  }
0x36: {  	_ =	sdelay $0x3  }
0x37: {  	v1 =	vadd.s32 $0x3, v1  }
0x38: {  	[tilespmem:s24+$0x4650] =	vst v1  }
0x39: {  	[spmem:s1] =	stream.indirect.scatter.add.f32 [tilespmem:s3], [sflag:$0x1], $0x1, s16, s15, $0xb8;
	[tilespmem:$0x130B0] =	vst v63  }
0x3a: {  	_ =	swait.ge [sflag:s14], $0x1770  }
0x3b: {  	[sflag:s14] =	ssyncset.done $0x0  }
0x3c: {  	[sflag:s14] =	ssyncadd.s32 $0xFFFFE890  }
0x3d: {  	[spmem:s1] =	stream.indirect.scatter.add.f32 [tilespmem:s15], [sflag:$0x1], $0x1, s18, s15, $0xb8;
	[tilespmem:$0x130B0] =	vst v63  }
0x3e: {  	s23 =	sadd.s32 $0x1, s23;
	_ =	swait.ge [sflag:s14], $0x1770  }
0x3f: {  	p0 =	sne.s32 s23, $0x32;
	[sflag:s14] =	ssyncset.done $0x0  }
.Ltmp2:
0x40: {  	[sflag:s14] =	ssyncadd.s32 $0xFFFFE890;
	(pc) =	sbr.rel @p0 .LBB2_4-.Ltmp2, $4  }
0x41: {  	[spmem:s1] =	stream.indirect.scatter.add.f32 [tilespmem:s20], [sflag:$0x1], $0x1, s17, s19, $0xb8;
	[tilespmem:$0x130B0] =	vst v63  }
0x42: {  	_ =	swait.ge [sflag:s14], $0x7D0  }
0x43: {  	[sflag:s14] =	ssyncset.done $0x0  }
0x44: {  	[sflag:s14] =	ssyncadd.s32 $0xFFFFF830  }
0x45: {  	s21 =	sadd.s32 $0x1, s21  }
0x46: {  	p0 =	sne.s32 s21, s12  }
.Ltmp3:
0x47: {  	[bflag:$0x0] =	sbarrier.arrive $0xFFFF;
	(pc) =	sbr.rel @p0 .LBB2_1-.Ltmp3, $4  }
0x48: {  	[hbm:s11], [sflag:s9] =	dma.local [spmem:s13], $0x186A  }
0x49: {  	_ =	swait.ge [sflag:s14], $0x186A  }
0x4a: {  	[sflag:s14] =	ssyncset.done $0x0  }
0x4b: {  	[sflag:s14] =	ssyncadd.s32 $0xFFFFE796  }
0x4c: {  	_ =	sfence.sel $0x180000  }
0x4d: {  	[bflag:$0x0] =	sbarrier.arrive $0xFFFF  }
0x4e: {  	p0 =	sne.s32 s2, $0x0;
	_ =	strace $0x90000047  }
0x4f: {  	s0 =	sadd.s32 @!p0 $0x100000, s0;
	[bflag:$0x2] =	sbarrier.arrive $0xFFFF  }
0x50: {  	[sflag:s0] =	ssyncadd.tile.s32 @!p0 $0x1;
	_ =	shalt  }
.Lfunc_end2:
_tile_overlayer_lowered:
.L_overlay_start_2:
0x51: {  	(tag) =	ssettag $0x2  }
0x52: {  	s0 =	rddreg [dreg:$0x0];
	s2 =	stileid.u32  }
0x53: {  	s1 =	rddreg [dreg:$0x1];
	p0 =	sne.s32 s2, $0x0  }
0x54: {  	s3 =	rddreg [dreg:$0x2];
	[bflag:$0x3] =	sbarrier.arrive $0xFFFF;
	s2 =	simm.s32 @!p0 $0x1C01  }
0x55: {  	[timem:s3], [sflag:s2] =	dma.local @!p0 [hbm:s0], s1  }
0x56: {  	s0 =	simm.s32 @!p0 $0x1  }
0x57: {  	_ =	swait.ge @!p0 [sflag:s0], s1  }
0x58: {  	s1 =	ssub.s32 @!p0 $0x0, s1;
	[sflag:s0] =	ssyncset.done @!p0 $0x0  }
0x59: {  	[sflag:s0] =	ssyncadd.s32 @!p0 s1  }
0x5a: {  	[bflag:$0x3] =	sbarrier.arrive $0xFFFF  }
0x5b: {  	_ =	shalt  }

// kernel: sparse-core-data-format-call.1.cloned.1.call-start
scs
called_computation.1_lowered:
.L_overlay_start_0:
0x0: {  	s2 =	sld [smem:$0x3FD9]  }
0x1: {  	s3 =	sld [smem:$0x3FFE];
	_ =	sdelay $0x1  }
0x2: {  	s1 =	srdreg.scid  }
0x3: {  	s0 =	sand.u32 $0x1, s1  }
0x4: {  	s16 =	sshll.u32 s0, $0xA;
	s2 =	sadd.s32 s3, s2  }
0x5: {  	s2 =	sadd.s32 s2, s16  }
0x6: {  	[smem:$0x3FC2] =	sst s2  }
0x7: {  	_ = 	snop  }
0x8: {  	s2 =	sld [smem:$0x3FD0];
	_ =	sdelay $0x2  }
0x9: {  	s17 =	simm.s32 $0xE;
	s4 =	simm.s32 $0x10  }
0xa: {  	[smem:s4], [sflag:s17] =	dma.local [hbm:s2], $0x1  }
0xb: {  	_ =	swait.eq [sflag:s17], $0x1  }
0xc: {  	[sflag:s17] =	ssyncset.done $0x0  }
0xd: {  	[sflag:s17] =	ssyncadd.s32 $0xFFFFFFFF  }
0xe: {  	s18 =	sld [smem:$0x13];
	(tm) =	ssettm $0x1  }
0xf: {  	s19 =	sld [smem:$0x3FFB];
	_ =	sdelay $0x3  }
0x10: {  	_ =	strace s19  }
0x11: {  	s2 =	sld [smem:$0x3FFC];
	_ =	sdelay $0x3  }
0x12: {  	_ =	strace s2  }
0x13: {  	s2 =	sld [smem:$0x3FFD];
	_ =	sdelay $0x3  }
0x14: {  	_ =	strace s2  }
0x15: {  	_ =	strace $0x8FFFFFFF  }
0x16: {  	s20 =	sld [smem:$0x3FDB];
	_ =	sdelay $0x1  }
0x17: {  	s21 =	simm.s32 $_scs_section_size  }
0x18: {  	s5 =	simm.s32 $_size__tile_overlayer_lowered;
	s6 =	simm.s32 $_tile_overlayer_lowered  }
0x19: {  	s7 =	simm.s32 $0x1BFF;
	s22 =	sshll.u32 s6, $0x1;
	s4 =	sadd.s32 s21, s20  }
0x1a: {  	s23 =	simm.s32 $0x0;
	s5 =	sshll.u32 s5, $0x1;
	s6 =	sadd.s32 s22, s4  }
0x1b: {  	[timem:s23], [sflag:s7] =	dma.local [hbm:s6], s5  }
0x1c: {  	_ =	swait.ge [sflag:s7], s5  }
0x1d: {  	s5 =	ssub.s32 $0x0, s5;
	[sflag:s7] =	ssyncset.done $0x0  }
0x1e: {  	[sflag:s7] =	ssyncadd.s32 s5;
	_ =	sdelay $0x1  }
0x1f: {  	s24 =	simm.s32 $0x1B8B  }
0x20: {  	_ =	swait.ge [sflag:s24], $0x1  }
0x21: {  	[sflag:s24] =	ssyncset.done $0x0  }
0x22: {  	[sflag:s24] =	ssyncadd.s32 $0xFFFFFFFF  }
0x23: {  	s5 =	sld [smem:$0x0]  }
0x24: {  	s6 =	sand.u32 $0xFFFFFFFE, s1  }
0x25: {  	p0 =	sne.s32 s1, s6  }
0x26: {  	s6 =	sshll.u32 @p0 s6, $0xE  }
0x27: {  	s6 =	sadd.s32 @p0 $0x11B8D, s6;
	s7 =	sshll.u32 @p0 s5, $0x11  }
0x28: {  	s6 =	sor.u32 @p0 s7, s6  }
0x29: {  	[sflag:s6] =	ssyncadd.remote.s32 @p0 $0x1;
	_ =	sdelay $0x1  }
0x2a: {  	s6 =	simm.s32 @p0 $0x1B8D  }
0x2b: {  	_ =	swait.eq @p0 [sflag:s6], $0x1  }
0x2c: {  	[sflag:s6] =	ssyncadd.s32 @p0 $0xFFFFFFFF  }
0x2d: {  	s7 =	sshll.u32 @!p0 s1, $0xE  }
0x2e: {  	s7 =	sor.u32 @!p0 $0x4000, s7;
	s6 =	simm.s32 @!p0 $0x1B8D  }
0x2f: {  	s5 =	sshll.u32 @!p0 s5, $0x11;
	s7 =	sadd.s32 @!p0 $0x11B8D, s7;
	_ =	swait.eq @!p0 [sflag:s6], $0x1  }
0x30: {  	s5 =	sor.u32 @!p0 s5, s7;
	[sflag:s6] =	ssyncadd.s32 @!p0 $0xFFFFFFFF  }
0x31: {  	s26 =	simm.s32 $0x1B8E;
	s25 =	sld [smem:$0x3FFE];
	[sflag:s5] =	ssyncadd.remote.s32 @!p0 $0x1  }
0x32: {  	s27 =	simm.s32 $execute0_lowered;
	[smem:$0x3FD2] =	sst s26  }
0x33: {  	s6 =	sshll.u32 s27, $0x1;
	_ =	strace $0x80000055;
	[dreg:$0x1] =	wrdreg $0xFFFFFFFF  }
0x34: {  	s28 =	simm.s32 $_size_execute0_lowered;
	s4 =	sadd.s32 s4, s6;
	[dreg:$0x0] =	wrdreg $0x0  }
0x35: {  	s6 =	sshll.u32 s28, $0x1;
	[dreg:$0x2] =	wrdreg s4  }
0x36: {  	[dreg:$0x3] =	wrdreg s6  }
0x37: {  	[dreg:$0x4] =	wrdreg $0xC0  }
0x38: {  	_ =	task [dreg:s23], $0x5FFFF  }
0x39: {  	[dreg:$0x1] =	wrdreg $0xFFFFFFFF  }
0x3a: {  	[dreg:$0x0] =	wrdreg $0x60  }
0x3b: {  	[dreg:$0x2] =	wrdreg s25  }
0x3c: {  	[dreg:$0x3] =	wrdreg s18  }
0x3d: {  	[dreg:$0x4] =	wrdreg $0xA  }
0x3e: {  	_ =	task.clear_ibuf [dreg:s23], $0x5FFFF;
	_ =	strace $0x90000055  }
0x3f: {  	s29 =	simm.s32 $0xA;
	_ =	strace $0x80000057  }
0x40: {  	_ =	swait.ge [sflag:s29], $0x1  }
0x41: {  	[sflag:s29] =	ssyncadd.s32 $0xFFFFFFFF  }
0x42: {  	_ =	strace $0x90000057  }
0x43: {  	_ =	sfence  }
0x44: {  	s30 =	sld [smem:$0x0];
	_ =	sdelay $0x2  }
0x45: {  	s31 =	sshll.u32 s1, $0xD;
	s1 =	sshrl.u32 s1, $0x2  }
0x46: {  	s4 =	sand.u32 $0x4000, s31;
	s1 =	sadd.s32 s1, s30  }
0x47: {  	s0 =	sor.u32 s4, s0;
	s1 =	sshll.u32 s1, $0x11  }
0x48: {  	s0 =	sor.u32 s1, s0  }
0x49: {  	s0 =	sadd.s32 $0x8F2B, s0  }
0x4a: {  	[sflag:s0] =	ssyncadd.remote.s32 $0x1  }
0x4b: {  	_ =	sfence.sel $0xFFFF  }
0x4c: {  	[dreg:$0x0] =	wrdreg $0xFFFFFFFF;
	(pc) =	sbr.abs _section_cstart, $3  }
0x4d: {  	[dreg:$0x1] =	wrdreg $0xFFFFFFFF  }
0x4e: {  	_ =	task.clear_ibuf [dreg:s23], $0x2FFFF;
	_ =	strace $0x9FFFFFFF  }
0x4f: {  	(tm) =	ssettm $0x7FFFFFFF  }
tec
execute0_lowered:
.L_overlay_start_1:
0x0: {  	(tag) =	ssettag $0x1  }
0x1: {  	s0 =	srdreg.scid  }
0x2: {  	s5 =	rddreg [dreg:$0x0];
	s1 =	sshll.u32 s0, $0x4  }
0x3: {  	s2 =	rddreg [dreg:$0x1];
	s0 =	stileid.u32;
	s1 =	sand.u32 $0x10, s1  }
0x4: {  	s4 =	simm.s32 $0x1;
	s8 =	simm.s32 $0x2;
	s1 =	sor.u32 s0, s1  }
0x5: {  	s12 =	simm.s32 $0x0;
	s9 =	simm.s32 $0x0;
	s3 =	sshll.u32 s1, $0x7  }
0x6: {  	s11 =	simm.s32 $0x0;
	s5 =	sadd.s32 $0x6AEB200, s5;
	s6 =	ssub.s32 $0x30D400, s3  }
.Ltmp0:
0x7: {  	s1 =	rddreg [dreg:$0x2];
	s7 =	sand.u32 $0xF80, s6;
	(pc) =	sbr.rel .LBB1_1-.Ltmp0, $4  }
0x8: {  	_ =	strace $0x80000056;
	p0 =	sne.s32 s7, $0x0;
	s7 =	simm.s32 $0x1  }
0x9: {  	[sflag:s4] =	ssyncpa.u1 $0x0;
	s6 =	sshrl.u32 s6, $0xC;
	s7 =	simm.s32 @!p0 $0x0  }
0xa: {  	s10 =	smov.u32 s3;
	[sflag:s8] =	ssyncpa.u1 $0x0;
	s6 =	sadd.s32 s7, s6  }
0xb: {  	s8 =	simm.s32 $0xC35000;
	p0 =	por $0x0, $0x0;
	s7 =	sadd.s32 $0x1, s6  }
.LBB1_4:
0xc: {  	s15 =	sshll.u32 s9, $0x2  }
0xd: {  	p1 =	sgt.s32 s9, $0x30D380;
	s16 =	sshrl.u32 s15, $0xA  }
0xe: {  	s17 =	smov.u32 s9;
	s18 =	sshra.s32 s9, $0x1F;
	s16 =	smulhi.u32 $0x53E2D7, s16  }
0xf: {  	s19 =	sand.u32 $0x7F, s9;
	s17 =	simm.s32 @!p1 $0x30D380;
	s18 =	sand.u32 s18, s9  }
0x10: {  	s15 =	sand.u32 $0xFFFFFE00, s15;
	s17 =	ssub.s32 s17, s18;
	s16 =	sshrl.u32 s16, $0x2  }
0x11: {  	s17 =	sadd.s32 $0xFFCF2C80, s17;
	s26 =	smul.u32 $0x30D400, s16  }
0x12: {  	s15 =	sor.u32 s19, s15;
	s27 =	sshll.u32 s17, $0x4;
	s16 =	sand.u32 $0x3, s16  }
0x13: {  	s28 =	ssub.s32 $0x800, s27;
	s16 =	smul.u32 $0x61A80, s16;
	s15 =	ssub.s32 s15, s26  }
0x14: {  	p1 =	sgt.s32 s17, $0x7F;
	s17 =	sshrl.u32 s28, $0x2;
	s29 =	sand.u32 $0x7, s15  }
0x15: {  	s15 =	sshrl.u32 s15, $0x3;
	s16 =	sadd.s32 s2, s16;
	s18 =	sshll.u32 s29, $0x12  }
0x16: {  	[tilespmem:s14+$0x0 ss:$0x81] =	vst.msk $0xffff, v0;
	s17 =	simm.s32 @p1 $0x0;
	s30 =	sadd.s32 s15, s16;
	s31 =	sor.u32 $0x200, s18  }
0x17: {  	[hbm4b:s30+s31] =	stream.strided.scatter [tilespmem:s13], [sflag:$0x2], s17, s8, s31, $0x20;
	[tilespmem:$0x4040] =	vst v63  }
.LBB1_5:
0x18: {  	p1 =	slt.u32 s11, $0x2  }
0x19: {  	p2 =	sgt.s32 @!p1 s12, $0x30D380  }
0x1a: {  	s13 =	smov.u32 s12;
	s14 =	sshra.s32 @!p1 s12, $0x1F;
	p2 =	por !p2, p1  }
0x1b: {  	s12 =	sand.u32 @!p1 s14, s12;
	s13 =	simm.s32 @p2 $0x30D380  }
0x1c: {  	s12 =	ssub.s32 @!p1 s13, s12  }
0x1d: {  	s12 =	sadd.s32 @!p1 $0xFFCF2C80, s12  }
0x1e: {  	s13 =	sshll.u32 @!p1 s12, $0x4  }
0x1f: {  	p2 =	sgt.s32 @!p1 s12, $0x7F;
	s12 =	ssub.s32 @!p1 $0x800, s13  }
0x20: {  	s14 =	sadd.s32 $0x1000, s10;
	p2 =	por !p2, p1;
	s12 =	sshrl.u32 @!p1 s12, $0x2  }
0x21: {  	s12 =	simm.s32 @!p2 $0x0;
	p2 =	sgt.s32 s14, $0x30D3FF  }
0x22: {  	s14 =	smov.u32 @p2 s3;
	p2 =	sne.s32 s11, s7  }
.Ltmp1:
0x23: {  	_ = 	snop;
	(pc) =	sbr.rel @!p2 .LBB1_6-.Ltmp1, $4  }
0x24: {  	s13 =	simm.s32 @!p1 $0x2  }
0x25: {  	p0 =	por !p0, !p0;
	_ =	swait.ge @!p1 [sflag:s13], s12;
	s15 =	ssub.s32 @!p1 $0x0, s12  }
0x26: {  	s12 =	smov.u32 s9;
	s11 =	sadd.s32 $0x1, s11;
	[sflag:s13] =	ssyncset.done @!p1 $0x0  }
0x27: {  	s9 =	smov.u32 s10;
	s10 =	smov.u32 s14;
	[sflag:s13] =	ssyncadd.s32 @!p1 s15  }
.LBB1_1:
0x28: {  	p1 =	sge.u32 s11, s6  }
0x29: {  	s13 =	sand.u32 @!p1 $0x1FFFFFF, s10  }
0x2a: {  	s14 =	smulhi.u32 @!p1 $0x14F8B59, s13;
	_ =	sdelay $0x1  }
0x2b: {  	s14 =	sshrl.u32 @!p1 s14, $0xE  }
0x2c: {  	s14 =	smul.u32 @!p1 $0x30D400, s14;
	_ =	sdelay $0x1  }
0x2d: {  	s31 =	sadd.s32 $0xFFFFFFFF, s11;
	s15 =	sxor.u32 @!p1 $0xFFFFFFFF, s11;
	s13 =	ssub.s32 @!p1 s13, s14  }
0x2e: {  	s16 =	simm.s32 @!p1 $0x80;
	s15 =	sshll.u32 @!p1 s15, $0xC;
	s13 =	sshll.u32 @!p1 s13, $0x4  }
0x2f: {  	s14 =	sand.u32 @!p1 $0x1000, s15;
	s15 =	simm.s32 @!p1 $0x20;
	s13 =	sadd.s32 @!p1 s5, s13  }
0x30: {  	[tilespmem:s14], [sflag:$0x1] =	stream.strided.gather @!p1 [hbm4b:s13+s15], $0x1000, s16, s15, $0x38;
	[tilespmem:$0x4040] =	vst v63  }
0x31: {  	p1 =	sge.u32 s31, s6  }
.Ltmp2:
0x32: {  	_ = 	snop;
	(pc) =	sbr.rel @p1 .LBB1_5-.Ltmp2, $1  }
0x33: {  	_ =	sdelay $0x3  }
0x34: {  	s13 =	simm.s32 $0x1  }
0x35: {  	_ =	swait.ge [sflag:s4], $0x1000;
	s13 =	simm.s32 @!p0 $0x0  }
0x36: {  	[sflag:s4] =	ssyncset.done $0x0;
	s14 =	sshll.u32 s13, $0xC  }
0x37: {  	[sflag:s4] =	ssyncadd.s32 $0xFFFFF000;
	s17 =	sor.u32 $0x10, s14  }
0x38: {  	s13 =	smul.u32 $0x4080, s13;
	v1 =	vld [tilespmem:s17+$0x0]  }
0x39: {  	s30 =	sand.u32 $0x1, s11;
	v0 =	vld [tilespmem:s17+$0xFFFFFFF0]  }
0x3a: {  	s14 =	smul.u32 $0x4080, s30;
	s13 =	sshrl.u32 s13, $0x2  }
0x3b: {  	s15 =	sor.u32 $0x2000, s13  }
0x3c: {  	s31 =	sshrl.u32 s14, $0x2;
	s14 =	sadd.s32 $0x0, s15  }
0x3d: {  	s16 =	simm.s32 $0x4;
	s17 =	sadd.s32 $0x20, s17;
	s13 =	sor.u32 $0x2000, s31;
	[tilespmem:s14+$0x810 ss:$0x81] =	vst.msk $0xffff, v1  }
.LBB1_3:
0x3e: {  	v1 =	vld [tilespmem:s17+$0x0];
	p1 =	sne.s32 s16, $0x1FC;
	[tilespmem:s14+$0x0 ss:$0x81] =	vst.msk $0xffff, v0;
	s14 =	smov.u32 s16;
	s16 =	sadd.s32 $0x4, s16  }
.Ltmp3:
0x3f: {  	v0 =	vld [tilespmem:s17+$0xFFFFFFF0];
	(pc) =	sbr.rel @p1 .LBB1_3-.Ltmp3, $4  }
0x40: {  	_ = 	snop  }
0x41: {  	s14 =	sshra.s32 s14, $0x2  }
0x42: {  	s14 =	sadd.s32 s14, s15  }
0x43: {  	s17 =	sadd.s32 $0x20, s17;
	[tilespmem:s14+$0x810 ss:$0x81] =	vst.msk $0xffff, v1  }
.Ltmp4:
0x44: {  	_ = 	snop;
	(pc) =	sbr.rel .LBB1_4-.Ltmp4, $1  }
0x45: {  	_ =	sdelay $0x3  }
.LBB1_6:
0x46: {  	_ =	sfence.sel $0x180000  }
0x47: {  	s2 =	simm.s32 $0x1;
	[bflag:$0x0] =	sbarrier.arrive $0xFFFF  }
0x48: {  	s31 =	simm.s32 $0x2;
	[sflag:s2] =	ssyncpa.u1 $0x1  }
0x49: {  	[sflag:s31] =	ssyncpa.u1 $0x1  }
0x4a: {  	p0 =	sne.s32 s0, $0x0;
	_ =	strace $0x90000056  }
0x4b: {  	s0 =	sadd.s32 @!p0 $0x100000, s1;
	[bflag:$0x2] =	sbarrier.arrive $0xFFFF  }
0x4c: {  	[sflag:s0] =	ssyncadd.tile.s32 @!p0 $0x1;
	_ =	shalt  }
.Lfunc_end1:
_tile_overlayer_lowered:
.L_overlay_start_2:
0x4d: {  	(tag) =	ssettag $0x2  }
0x4e: {  	s0 =	rddreg [dreg:$0x0];
	s2 =	stileid.u32  }
0x4f: {  	s1 =	rddreg [dreg:$0x1];
	p0 =	sne.s32 s2, $0x0  }
0x50: {  	s3 =	rddreg [dreg:$0x2];
	[bflag:$0x3] =	sbarrier.arrive $0xFFFF;
	s2 =	simm.s32 @!p0 $0x1C01  }
0x51: {  	[timem:s3], [sflag:s2] =	dma.local @!p0 [hbm:s0], s1  }
0x52: {  	s0 =	simm.s32 @!p0 $0x1  }
0x53: {  	_ =	swait.ge @!p0 [sflag:s0], s1  }
0x54: {  	s1 =	ssub.s32 @!p0 $0x0, s1;
	[sflag:s0] =	ssyncset.done @!p0 $0x0  }
0x55: {  	[sflag:s0] =	ssyncadd.s32 @!p0 s1  }
0x56: {  	[bflag:$0x3] =	sbarrier.arrive $0xFFFF  }
0x57: {  	_ =	shalt  }

// kernel: sparse-core-data-format-call.2.cloned.1.call-start
scs
called_computation.2_lowered:
.L_overlay_start_0:
0x0: {  	s2 =	sld [smem:$0x3FD9]  }
0x1: {  	s3 =	sld [smem:$0x3FFE];
	_ =	sdelay $0x1  }
0x2: {  	s1 =	srdreg.scid  }
0x3: {  	s0 =	sand.u32 $0x1, s1  }
0x4: {  	s16 =	sshll.u32 s0, $0xA;
	s2 =	sadd.s32 s3, s2  }
0x5: {  	s2 =	sadd.s32 s2, s16  }
0x6: {  	[smem:$0x3FC2] =	sst s2  }
0x7: {  	_ = 	snop  }
0x8: {  	s2 =	sld [smem:$0x3FD0];
	_ =	sdelay $0x2  }
0x9: {  	s17 =	simm.s32 $0xE;
	s4 =	simm.s32 $0x10  }
0xa: {  	[smem:s4], [sflag:s17] =	dma.local [hbm:s2], $0x1  }
0xb: {  	_ =	swait.eq [sflag:s17], $0x1  }
0xc: {  	[sflag:s17] =	ssyncset.done $0x0  }
0xd: {  	[sflag:s17] =	ssyncadd.s32 $0xFFFFFFFF  }
0xe: {  	s18 =	sld [smem:$0x12];
	(tm) =	ssettm $0x1  }
0xf: {  	s19 =	sld [smem:$0x3FFB];
	_ =	sdelay $0x3  }
0x10: {  	_ =	strace s19  }
0x11: {  	s2 =	sld [smem:$0x3FFC];
	_ =	sdelay $0x3  }
0x12: {  	_ =	strace s2  }
0x13: {  	s2 =	sld [smem:$0x3FFD];
	_ =	sdelay $0x3  }
0x14: {  	_ =	strace s2  }
0x15: {  	_ =	strace $0x8FFFFFFF  }
0x16: {  	s20 =	sld [smem:$0x3FDB];
	_ =	sdelay $0x1  }
0x17: {  	s21 =	simm.s32 $_scs_section_size  }
0x18: {  	s5 =	simm.s32 $_size__tile_overlayer_lowered;
	s6 =	simm.s32 $_tile_overlayer_lowered  }
0x19: {  	s7 =	simm.s32 $0x1BFF;
	s22 =	sshll.u32 s6, $0x1;
	s4 =	sadd.s32 s21, s20  }
0x1a: {  	s23 =	simm.s32 $0x0;
	s5 =	sshll.u32 s5, $0x1;
	s6 =	sadd.s32 s22, s4  }
0x1b: {  	[timem:s23], [sflag:s7] =	dma.local [hbm:s6], s5  }
0x1c: {  	_ =	swait.ge [sflag:s7], s5  }
0x1d: {  	s5 =	ssub.s32 $0x0, s5;
	[sflag:s7] =	ssyncset.done $0x0  }
0x1e: {  	[sflag:s7] =	ssyncadd.s32 s5;
	_ =	sdelay $0x1  }
0x1f: {  	s24 =	simm.s32 $0x1B8B  }
0x20: {  	_ =	swait.ge [sflag:s24], $0x1  }
0x21: {  	[sflag:s24] =	ssyncset.done $0x0  }
0x22: {  	[sflag:s24] =	ssyncadd.s32 $0xFFFFFFFF  }
0x23: {  	s5 =	sld [smem:$0x0]  }
0x24: {  	s6 =	sand.u32 $0xFFFFFFFE, s1  }
0x25: {  	p0 =	sne.s32 s1, s6  }
0x26: {  	s6 =	sshll.u32 @p0 s6, $0xE  }
0x27: {  	s6 =	sadd.s32 @p0 $0x11B8D, s6;
	s7 =	sshll.u32 @p0 s5, $0x11  }
0x28: {  	s6 =	sor.u32 @p0 s7, s6  }
0x29: {  	[sflag:s6] =	ssyncadd.remote.s32 @p0 $0x1;
	_ =	sdelay $0x1  }
0x2a: {  	s6 =	simm.s32 @p0 $0x1B8D  }
0x2b: {  	_ =	swait.eq @p0 [sflag:s6], $0x1  }
0x2c: {  	[sflag:s6] =	ssyncadd.s32 @p0 $0xFFFFFFFF  }
0x2d: {  	s7 =	sshll.u32 @!p0 s1, $0xE  }
0x2e: {  	s7 =	sor.u32 @!p0 $0x4000, s7;
	s6 =	simm.s32 @!p0 $0x1B8D  }
0x2f: {  	s5 =	sshll.u32 @!p0 s5, $0x11;
	s7 =	sadd.s32 @!p0 $0x11B8D, s7;
	_ =	swait.eq @!p0 [sflag:s6], $0x1  }
0x30: {  	s5 =	sor.u32 @!p0 s5, s7;
	[sflag:s6] =	ssyncadd.s32 @!p0 $0xFFFFFFFF  }
0x31: {  	s26 =	simm.s32 $0x1B8E;
	s25 =	sld [smem:$0x3FFE];
	[sflag:s5] =	ssyncadd.remote.s32 @!p0 $0x1  }
0x32: {  	s27 =	simm.s32 $execute0_lowered;
	[smem:$0x3FD2] =	sst s26  }
0x33: {  	s6 =	sshll.u32 s27, $0x1;
	_ =	strace $0x80000052;
	[dreg:$0x1] =	wrdreg $0xFFFFFFFF  }
0x34: {  	s28 =	simm.s32 $_size_execute0_lowered;
	s4 =	sadd.s32 s4, s6;
	[dreg:$0x0] =	wrdreg $0x0  }
0x35: {  	s6 =	sshll.u32 s28, $0x1;
	[dreg:$0x2] =	wrdreg s4  }
0x36: {  	[dreg:$0x3] =	wrdreg s6  }
0x37: {  	[dreg:$0x4] =	wrdreg $0xC0  }
0x38: {  	_ =	task [dreg:s23], $0x5FFFF  }
0x39: {  	[dreg:$0x1] =	wrdreg $0xFFFFFFFF  }
0x3a: {  	[dreg:$0x0] =	wrdreg $0x60  }
0x3b: {  	[dreg:$0x2] =	wrdreg s25  }
0x3c: {  	[dreg:$0x3] =	wrdreg s18  }
0x3d: {  	[dreg:$0x4] =	wrdreg $0xB  }
0x3e: {  	_ =	task.clear_ibuf [dreg:s23], $0x5FFFF;
	_ =	strace $0x90000052  }
0x3f: {  	s29 =	simm.s32 $0xB;
	_ =	strace $0x80000054  }
0x40: {  	_ =	swait.ge [sflag:s29], $0x1  }
0x41: {  	[sflag:s29] =	ssyncadd.s32 $0xFFFFFFFF  }
0x42: {  	_ =	strace $0x90000054  }
0x43: {  	_ =	sfence  }
0x44: {  	s30 =	sld [smem:$0x0];
	_ =	sdelay $0x2  }
0x45: {  	s31 =	sshll.u32 s1, $0xD;
	s1 =	sshrl.u32 s1, $0x2  }
0x46: {  	s4 =	sand.u32 $0x4000, s31;
	s1 =	sadd.s32 s1, s30  }
0x47: {  	s0 =	sor.u32 s4, s0;
	s1 =	sshll.u32 s1, $0x11  }
0x48: {  	s0 =	sor.u32 s1, s0  }
0x49: {  	s0 =	sadd.s32 $0x8F2B, s0  }
0x4a: {  	[sflag:s0] =	ssyncadd.remote.s32 $0x1  }
0x4b: {  	_ =	sfence.sel $0xFFFF  }
0x4c: {  	[dreg:$0x0] =	wrdreg $0xFFFFFFFF;
	(pc) =	sbr.abs _section_cstart, $3  }
0x4d: {  	[dreg:$0x1] =	wrdreg $0xFFFFFFFF  }
0x4e: {  	_ =	task.clear_ibuf [dreg:s23], $0x2FFFF;
	_ =	strace $0x9FFFFFFF  }
0x4f: {  	(tm) =	ssettm $0x7FFFFFFF  }
tec
execute0_lowered:
.L_overlay_start_1:
0x0: {  	(tag) =	ssettag $0x1  }
0x1: {  	s0 =	srdreg.scid  }
0x2: {  	s5 =	rddreg [dreg:$0x0];
	s1 =	sshll.u32 s0, $0x4  }
0x3: {  	s2 =	rddreg [dreg:$0x1];
	s0 =	stileid.u32;
	s1 =	sand.u32 $0x10, s1  }
0x4: {  	s4 =	simm.s32 $0x1;
	s8 =	simm.s32 $0x2;
	s1 =	sor.u32 s0, s1  }
0x5: {  	s12 =	simm.s32 $0x0;
	s9 =	simm.s32 $0x0;
	s3 =	sshll.u32 s1, $0x7  }
0x6: {  	s11 =	simm.s32 $0x0;
	s5 =	sadd.s32 $0x3A17200, s5;
	s6 =	ssub.s32 $0x30D400, s3  }
.Ltmp0:
0x7: {  	s1 =	rddreg [dreg:$0x2];
	s7 =	sand.u32 $0xF80, s6;
	(pc) =	sbr.rel .LBB1_1-.Ltmp0, $4  }
0x8: {  	_ =	strace $0x80000053;
	p0 =	sne.s32 s7, $0x0;
	s7 =	simm.s32 $0x1  }
0x9: {  	[sflag:s4] =	ssyncpa.u1 $0x0;
	s6 =	sshrl.u32 s6, $0xC;
	s7 =	simm.s32 @!p0 $0x0  }
0xa: {  	s10 =	smov.u32 s3;
	[sflag:s8] =	ssyncpa.u1 $0x0;
	s6 =	sadd.s32 s7, s6  }
0xb: {  	s8 =	simm.s32 $0xC35000;
	p0 =	por $0x0, $0x0;
	s7 =	sadd.s32 $0x1, s6  }
.LBB1_4:
0xc: {  	s15 =	sshll.u32 s9, $0x2  }
0xd: {  	p1 =	sgt.s32 s9, $0x30D380;
	s16 =	sshrl.u32 s15, $0xA  }
0xe: {  	s17 =	smov.u32 s9;
	s18 =	sshra.s32 s9, $0x1F;
	s16 =	smulhi.u32 $0x53E2D7, s16  }
0xf: {  	s19 =	sand.u32 $0x7F, s9;
	s17 =	simm.s32 @!p1 $0x30D380;
	s18 =	sand.u32 s18, s9  }
0x10: {  	s15 =	sand.u32 $0xFFFFFE00, s15;
	s17 =	ssub.s32 s17, s18;
	s16 =	sshrl.u32 s16, $0x2  }
0x11: {  	s17 =	sadd.s32 $0xFFCF2C80, s17;
	s26 =	smul.u32 $0x30D400, s16  }
0x12: {  	s15 =	sor.u32 s19, s15;
	s27 =	sshll.u32 s17, $0x4;
	s16 =	sand.u32 $0x3, s16  }
0x13: {  	s28 =	ssub.s32 $0x800, s27;
	s16 =	smul.u32 $0x61A80, s16;
	s15 =	ssub.s32 s15, s26  }
0x14: {  	p1 =	sgt.s32 s17, $0x7F;
	s17 =	sshrl.u32 s28, $0x2;
	s29 =	sand.u32 $0x7, s15  }
0x15: {  	s15 =	sshrl.u32 s15, $0x3;
	s16 =	sadd.s32 s2, s16;
	s18 =	sshll.u32 s29, $0x12  }
0x16: {  	[tilespmem:s14+$0x0 ss:$0x81] =	vst.msk $0xffff, v0;
	s17 =	simm.s32 @p1 $0x0;
	s30 =	sadd.s32 s15, s16;
	s31 =	sor.u32 $0x200, s18  }
0x17: {  	[hbm4b:s30+s31] =	stream.strided.scatter [tilespmem:s13], [sflag:$0x2], s17, s8, s31, $0x20;
	[tilespmem:$0x4040] =	vst v63  }
.LBB1_5:
0x18: {  	p1 =	slt.u32 s11, $0x2  }
0x19: {  	p2 =	sgt.s32 @!p1 s12, $0x30D380  }
0x1a: {  	s13 =	smov.u32 s12;
	s14 =	sshra.s32 @!p1 s12, $0x1F;
	p2 =	por !p2, p1  }
0x1b: {  	s12 =	sand.u32 @!p1 s14, s12;
	s13 =	simm.s32 @p2 $0x30D380  }
0x1c: {  	s12 =	ssub.s32 @!p1 s13, s12  }
0x1d: {  	s12 =	sadd.s32 @!p1 $0xFFCF2C80, s12  }
0x1e: {  	s13 =	sshll.u32 @!p1 s12, $0x4  }
0x1f: {  	p2 =	sgt.s32 @!p1 s12, $0x7F;
	s12 =	ssub.s32 @!p1 $0x800, s13  }
0x20: {  	s14 =	sadd.s32 $0x1000, s10;
	p2 =	por !p2, p1;
	s12 =	sshrl.u32 @!p1 s12, $0x2  }
0x21: {  	s12 =	simm.s32 @!p2 $0x0;
	p2 =	sgt.s32 s14, $0x30D3FF  }
0x22: {  	s14 =	smov.u32 @p2 s3;
	p2 =	sne.s32 s11, s7  }
.Ltmp1:
0x23: {  	_ = 	snop;
	(pc) =	sbr.rel @!p2 .LBB1_6-.Ltmp1, $4  }
0x24: {  	s13 =	simm.s32 @!p1 $0x2  }
0x25: {  	p0 =	por !p0, !p0;
	_ =	swait.ge @!p1 [sflag:s13], s12;
	s15 =	ssub.s32 @!p1 $0x0, s12  }
0x26: {  	s12 =	smov.u32 s9;
	s11 =	sadd.s32 $0x1, s11;
	[sflag:s13] =	ssyncset.done @!p1 $0x0  }
0x27: {  	s9 =	smov.u32 s10;
	s10 =	smov.u32 s14;
	[sflag:s13] =	ssyncadd.s32 @!p1 s15  }
.LBB1_1:
0x28: {  	p1 =	sge.u32 s11, s6  }
0x29: {  	s13 =	sand.u32 @!p1 $0x1FFFFFF, s10  }
0x2a: {  	s14 =	smulhi.u32 @!p1 $0x14F8B59, s13;
	_ =	sdelay $0x1  }
0x2b: {  	s14 =	sshrl.u32 @!p1 s14, $0xE  }
0x2c: {  	s14 =	smul.u32 @!p1 $0x30D400, s14;
	_ =	sdelay $0x1  }
0x2d: {  	s31 =	sadd.s32 $0xFFFFFFFF, s11;
	s15 =	sxor.u32 @!p1 $0xFFFFFFFF, s11;
	s13 =	ssub.s32 @!p1 s13, s14  }
0x2e: {  	s16 =	simm.s32 @!p1 $0x80;
	s15 =	sshll.u32 @!p1 s15, $0xC;
	s13 =	sshll.u32 @!p1 s13, $0x4  }
0x2f: {  	s14 =	sand.u32 @!p1 $0x1000, s15;
	s15 =	simm.s32 @!p1 $0x20;
	s13 =	sadd.s32 @!p1 s5, s13  }
0x30: {  	[tilespmem:s14], [sflag:$0x1] =	stream.strided.gather @!p1 [hbm4b:s13+s15], $0x1000, s16, s15, $0x38;
	[tilespmem:$0x4040] =	vst v63  }
0x31: {  	p1 =	sge.u32 s31, s6  }
.Ltmp2:
0x32: {  	_ = 	snop;
	(pc) =	sbr.rel @p1 .LBB1_5-.Ltmp2, $1  }
0x33: {  	_ =	sdelay $0x3  }
0x34: {  	s13 =	simm.s32 $0x1  }
0x35: {  	_ =	swait.ge [sflag:s4], $0x1000;
	s13 =	simm.s32 @!p0 $0x0  }
0x36: {  	[sflag:s4] =	ssyncset.done $0x0;
	s14 =	sshll.u32 s13, $0xC  }
0x37: {  	[sflag:s4] =	ssyncadd.s32 $0xFFFFF000;
	s17 =	sor.u32 $0x10, s14  }
0x38: {  	s13 =	smul.u32 $0x4080, s13;
	v1 =	vld [tilespmem:s17+$0x0]  }
0x39: {  	s30 =	sand.u32 $0x1, s11;
	v0 =	vld [tilespmem:s17+$0xFFFFFFF0]  }
0x3a: {  	s14 =	smul.u32 $0x4080, s30;
	s13 =	sshrl.u32 s13, $0x2  }
0x3b: {  	s15 =	sor.u32 $0x2000, s13  }
0x3c: {  	s31 =	sshrl.u32 s14, $0x2;
	s14 =	sadd.s32 $0x0, s15  }
0x3d: {  	s16 =	simm.s32 $0x4;
	s17 =	sadd.s32 $0x20, s17;
	s13 =	sor.u32 $0x2000, s31;
	[tilespmem:s14+$0x810 ss:$0x81] =	vst.msk $0xffff, v1  }
.LBB1_3:
0x3e: {  	v1 =	vld [tilespmem:s17+$0x0];
	p1 =	sne.s32 s16, $0x1FC;
	[tilespmem:s14+$0x0 ss:$0x81] =	vst.msk $0xffff, v0;
	s14 =	smov.u32 s16;
	s16 =	sadd.s32 $0x4, s16  }
.Ltmp3:
0x3f: {  	v0 =	vld [tilespmem:s17+$0xFFFFFFF0];
	(pc) =	sbr.rel @p1 .LBB1_3-.Ltmp3, $4  }
0x40: {  	_ = 	snop  }
0x41: {  	s14 =	sshra.s32 s14, $0x2  }
0x42: {  	s14 =	sadd.s32 s14, s15  }
0x43: {  	s17 =	sadd.s32 $0x20, s17;
	[tilespmem:s14+$0x810 ss:$0x81] =	vst.msk $0xffff, v1  }
.Ltmp4:
0x44: {  	_ = 	snop;
	(pc) =	sbr.rel .LBB1_4-.Ltmp4, $1  }
0x45: {  	_ =	sdelay $0x3  }
.LBB1_6:
0x46: {  	_ =	sfence.sel $0x180000  }
0x47: {  	s2 =	simm.s32 $0x1;
	[bflag:$0x0] =	sbarrier.arrive $0xFFFF  }
0x48: {  	s31 =	simm.s32 $0x2;
	[sflag:s2] =	ssyncpa.u1 $0x1  }
0x49: {  	[sflag:s31] =	ssyncpa.u1 $0x1  }
0x4a: {  	p0 =	sne.s32 s0, $0x0;
	_ =	strace $0x90000053  }
0x4b: {  	s0 =	sadd.s32 @!p0 $0x100000, s1;
	[bflag:$0x2] =	sbarrier.arrive $0xFFFF  }
0x4c: {  	[sflag:s0] =	ssyncadd.tile.s32 @!p0 $0x1;
	_ =	shalt  }
.Lfunc_end1:
_tile_overlayer_lowered:
.L_overlay_start_2:
0x4d: {  	(tag) =	ssettag $0x2  }
0x4e: {  	s0 =	rddreg [dreg:$0x0];
	s2 =	stileid.u32  }
0x4f: {  	s1 =	rddreg [dreg:$0x1];
	p0 =	sne.s32 s2, $0x0  }
0x50: {  	s3 =	rddreg [dreg:$0x2];
	[bflag:$0x3] =	sbarrier.arrive $0xFFFF;
	s2 =	simm.s32 @!p0 $0x1C01  }
0x51: {  	[timem:s3], [sflag:s2] =	dma.local @!p0 [hbm:s0], s1  }
0x52: {  	s0 =	simm.s32 @!p0 $0x1  }
0x53: {  	_ =	swait.ge @!p0 [sflag:s0], s1  }
0x54: {  	s1 =	ssub.s32 @!p0 $0x0, s1;
	[sflag:s0] =	ssyncset.done @!p0 $0x0  }
0x55: {  	[sflag:s0] =	ssyncadd.s32 @!p0 s1  }
0x56: {  	[bflag:$0x3] =	sbarrier.arrive $0xFFFF  }
0x57: {  	_ =	shalt  }

// kernel: sparse-core-data-format-call.3.cloned.1.call-start
scs
called_computation.3_lowered:
.L_overlay_start_0:
0x0: {  	s2 =	sld [smem:$0x3FD9]  }
0x1: {  	s3 =	sld [smem:$0x3FFE];
	_ =	sdelay $0x1  }
0x2: {  	s1 =	srdreg.scid  }
0x3: {  	s0 =	sand.u32 $0x1, s1  }
0x4: {  	s16 =	sshll.u32 s0, $0xA;
	s2 =	sadd.s32 s3, s2  }
0x5: {  	s2 =	sadd.s32 s2, s16  }
0x6: {  	[smem:$0x3FC2] =	sst s2  }
0x7: {  	_ = 	snop  }
0x8: {  	s2 =	sld [smem:$0x3FD0];
	_ =	sdelay $0x2  }
0x9: {  	s17 =	simm.s32 $0xE;
	s4 =	simm.s32 $0x10  }
0xa: {  	[smem:s4], [sflag:s17] =	dma.local [hbm:s2], $0x1  }
0xb: {  	_ =	swait.eq [sflag:s17], $0x1  }
0xc: {  	[sflag:s17] =	ssyncset.done $0x0  }
0xd: {  	[sflag:s17] =	ssyncadd.s32 $0xFFFFFFFF  }
0xe: {  	s18 =	sld [smem:$0x11];
	(tm) =	ssettm $0x1  }
0xf: {  	s19 =	sld [smem:$0x3FFB];
	_ =	sdelay $0x3  }
0x10: {  	_ =	strace s19  }
0x11: {  	s2 =	sld [smem:$0x3FFC];
	_ =	sdelay $0x3  }
0x12: {  	_ =	strace s2  }
0x13: {  	s2 =	sld [smem:$0x3FFD];
	_ =	sdelay $0x3  }
0x14: {  	_ =	strace s2  }
0x15: {  	_ =	strace $0x8FFFFFFF  }
0x16: {  	s20 =	sld [smem:$0x3FDB];
	_ =	sdelay $0x1  }
0x17: {  	s21 =	simm.s32 $_scs_section_size  }
0x18: {  	s5 =	simm.s32 $_size__tile_overlayer_lowered;
	s6 =	simm.s32 $_tile_overlayer_lowered  }
0x19: {  	s7 =	simm.s32 $0x1BFF;
	s22 =	sshll.u32 s6, $0x1;
	s4 =	sadd.s32 s21, s20  }
0x1a: {  	s23 =	simm.s32 $0x0;
	s5 =	sshll.u32 s5, $0x1;
	s6 =	sadd.s32 s22, s4  }
0x1b: {  	[timem:s23], [sflag:s7] =	dma.local [hbm:s6], s5  }
0x1c: {  	_ =	swait.ge [sflag:s7], s5  }
0x1d: {  	s5 =	ssub.s32 $0x0, s5;
	[sflag:s7] =	ssyncset.done $0x0  }
0x1e: {  	[sflag:s7] =	ssyncadd.s32 s5;
	_ =	sdelay $0x1  }
0x1f: {  	s24 =	simm.s32 $0x1B8B  }
0x20: {  	_ =	swait.ge [sflag:s24], $0x1  }
0x21: {  	[sflag:s24] =	ssyncset.done $0x0  }
0x22: {  	[sflag:s24] =	ssyncadd.s32 $0xFFFFFFFF  }
0x23: {  	s5 =	sld [smem:$0x0]  }
0x24: {  	s6 =	sand.u32 $0xFFFFFFFE, s1  }
0x25: {  	p0 =	sne.s32 s1, s6  }
0x26: {  	s6 =	sshll.u32 @p0 s6, $0xE  }
0x27: {  	s6 =	sadd.s32 @p0 $0x11B8D, s6;
	s7 =	sshll.u32 @p0 s5, $0x11  }
0x28: {  	s6 =	sor.u32 @p0 s7, s6  }
0x29: {  	[sflag:s6] =	ssyncadd.remote.s32 @p0 $0x1;
	_ =	sdelay $0x1  }
0x2a: {  	s6 =	simm.s32 @p0 $0x1B8D  }
0x2b: {  	_ =	swait.eq @p0 [sflag:s6], $0x1  }
0x2c: {  	[sflag:s6] =	ssyncadd.s32 @p0 $0xFFFFFFFF  }
0x2d: {  	s7 =	sshll.u32 @!p0 s1, $0xE  }
0x2e: {  	s7 =	sor.u32 @!p0 $0x4000, s7;
	s6 =	simm.s32 @!p0 $0x1B8D  }
0x2f: {  	s5 =	sshll.u32 @!p0 s5, $0x11;
	s7 =	sadd.s32 @!p0 $0x11B8D, s7;
	_ =	swait.eq @!p0 [sflag:s6], $0x1  }
0x30: {  	s5 =	sor.u32 @!p0 s5, s7;
	[sflag:s6] =	ssyncadd.s32 @!p0 $0xFFFFFFFF  }
0x31: {  	s26 =	simm.s32 $0x1B8E;
	s25 =	sld [smem:$0x3FFE];
	[sflag:s5] =	ssyncadd.remote.s32 @!p0 $0x1  }
0x32: {  	s27 =	simm.s32 $execute0_lowered;
	[smem:$0x3FD2] =	sst s26  }
0x33: {  	s6 =	sshll.u32 s27, $0x1;
	_ =	strace $0x8000004F;
	[dreg:$0x1] =	wrdreg $0xFFFFFFFF  }
0x34: {  	s28 =	simm.s32 $_size_execute0_lowered;
	s4 =	sadd.s32 s4, s6;
	[dreg:$0x0] =	wrdreg $0x0  }
0x35: {  	s6 =	sshll.u32 s28, $0x1;
	[dreg:$0x2] =	wrdreg s4  }
0x36: {  	[dreg:$0x3] =	wrdreg s6  }
0x37: {  	[dreg:$0x4] =	wrdreg $0xC0  }
0x38: {  	_ =	task [dreg:s23], $0x5FFFF  }
0x39: {  	[dreg:$0x1] =	wrdreg $0xFFFFFFFF  }
0x3a: {  	[dreg:$0x0] =	wrdreg $0x60  }
0x3b: {  	[dreg:$0x2] =	wrdreg s25  }
0x3c: {  	[dreg:$0x3] =	wrdreg s18  }
0x3d: {  	[dreg:$0x4] =	wrdreg $0xC  }
0x3e: {  	_ =	task.clear_ibuf [dreg:s23], $0x5FFFF;
	_ =	strace $0x9000004F  }
0x3f: {  	s29 =	simm.s32 $0xC;
	_ =	strace $0x80000051  }
0x40: {  	_ =	swait.ge [sflag:s29], $0x1  }
0x41: {  	[sflag:s29] =	ssyncadd.s32 $0xFFFFFFFF  }
0x42: {  	_ =	strace $0x90000051  }
0x43: {  	_ =	sfence  }
0x44: {  	s30 =	sld [smem:$0x0];
	_ =	sdelay $0x2  }
0x45: {  	s31 =	sshll.u32 s1, $0xD;
	s1 =	sshrl.u32 s1, $0x2  }
0x46: {  	s4 =	sand.u32 $0x4000, s31;
	s1 =	sadd.s32 s1, s30  }
0x47: {  	s0 =	sor.u32 s4, s0;
	s1 =	sshll.u32 s1, $0x11  }
0x48: {  	s0 =	sor.u32 s1, s0  }
0x49: {  	s0 =	sadd.s32 $0x8F2B, s0  }
0x4a: {  	[sflag:s0] =	ssyncadd.remote.s32 $0x1  }
0x4b: {  	_ =	sfence.sel $0xFFFF  }
0x4c: {  	[dreg:$0x0] =	wrdreg $0xFFFFFFFF;
	(pc) =	sbr.abs _section_cstart, $3  }
0x4d: {  	[dreg:$0x1] =	wrdreg $0xFFFFFFFF  }
0x4e: {  	_ =	task.clear_ibuf [dreg:s23], $0x2FFFF;
	_ =	strace $0x9FFFFFFF  }
0x4f: {  	(tm) =	ssettm $0x7FFFFFFF  }
tec
execute0_lowered:
.L_overlay_start_1:
0x0: {  	(tag) =	ssettag $0x1  }
0x1: {  	s0 =	srdreg.scid  }
0x2: {  	s5 =	rddreg [dreg:$0x0];
	s1 =	sshll.u32 s0, $0x4  }
0x3: {  	s2 =	rddreg [dreg:$0x1];
	s0 =	stileid.u32;
	s1 =	sand.u32 $0x10, s1  }
0x4: {  	s4 =	simm.s32 $0x1;
	s8 =	simm.s32 $0x2;
	s1 =	sor.u32 s0, s1  }
0x5: {  	s12 =	simm.s32 $0x0;
	s9 =	simm.s32 $0x0;
	s3 =	sshll.u32 s1, $0x7  }
0x6: {  	s11 =	simm.s32 $0x0;
	s5 =	sadd.s32 $0x943200, s5;
	s6 =	ssub.s32 $0x30D400, s3  }
.Ltmp0:
0x7: {  	s1 =	rddreg [dreg:$0x2];
	s7 =	sand.u32 $0xF80, s6;
	(pc) =	sbr.rel .LBB1_1-.Ltmp0, $4  }
0x8: {  	_ =	strace $0x80000050;
	p0 =	sne.s32 s7, $0x0;
	s7 =	simm.s32 $0x1  }
0x9: {  	[sflag:s4] =	ssyncpa.u1 $0x0;
	s6 =	sshrl.u32 s6, $0xC;
	s7 =	simm.s32 @!p0 $0x0  }
0xa: {  	s10 =	smov.u32 s3;
	[sflag:s8] =	ssyncpa.u1 $0x0;
	s6 =	sadd.s32 s7, s6  }
0xb: {  	s8 =	simm.s32 $0xC35000;
	p0 =	por $0x0, $0x0;
	s7 =	sadd.s32 $0x1, s6  }
.LBB1_4:
0xc: {  	s15 =	sshll.u32 s9, $0x2  }
0xd: {  	p1 =	sgt.s32 s9, $0x30D380;
	s16 =	sshrl.u32 s15, $0xA  }
0xe: {  	s17 =	smov.u32 s9;
	s18 =	sshra.s32 s9, $0x1F;
	s16 =	smulhi.u32 $0x53E2D7, s16  }
0xf: {  	s19 =	sand.u32 $0x7F, s9;
	s17 =	simm.s32 @!p1 $0x30D380;
	s18 =	sand.u32 s18, s9  }
0x10: {  	s15 =	sand.u32 $0xFFFFFE00, s15;
	s17 =	ssub.s32 s17, s18;
	s16 =	sshrl.u32 s16, $0x2  }
0x11: {  	s17 =	sadd.s32 $0xFFCF2C80, s17;
	s26 =	smul.u32 $0x30D400, s16  }
0x12: {  	s15 =	sor.u32 s19, s15;
	s27 =	sshll.u32 s17, $0x4;
	s16 =	sand.u32 $0x3, s16  }
0x13: {  	s28 =	ssub.s32 $0x800, s27;
	s16 =	smul.u32 $0x61A80, s16;
	s15 =	ssub.s32 s15, s26  }
0x14: {  	p1 =	sgt.s32 s17, $0x7F;
	s17 =	sshrl.u32 s28, $0x2;
	s29 =	sand.u32 $0x7, s15  }
0x15: {  	s15 =	sshrl.u32 s15, $0x3;
	s16 =	sadd.s32 s2, s16;
	s18 =	sshll.u32 s29, $0x12  }
0x16: {  	[tilespmem:s14+$0x0 ss:$0x81] =	vst.msk $0xffff, v0;
	s17 =	simm.s32 @p1 $0x0;
	s30 =	sadd.s32 s15, s16;
	s31 =	sor.u32 $0x200, s18  }
0x17: {  	[hbm4b:s30+s31] =	stream.strided.scatter [tilespmem:s13], [sflag:$0x2], s17, s8, s31, $0x20;
	[tilespmem:$0x4040] =	vst v63  }
.LBB1_5:
0x18: {  	p1 =	slt.u32 s11, $0x2  }
0x19: {  	p2 =	sgt.s32 @!p1 s12, $0x30D380  }
0x1a: {  	s13 =	smov.u32 s12;
	s14 =	sshra.s32 @!p1 s12, $0x1F;
	p2 =	por !p2, p1  }
0x1b: {  	s12 =	sand.u32 @!p1 s14, s12;
	s13 =	simm.s32 @p2 $0x30D380  }
0x1c: {  	s12 =	ssub.s32 @!p1 s13, s12  }
0x1d: {  	s12 =	sadd.s32 @!p1 $0xFFCF2C80, s12  }
0x1e: {  	s13 =	sshll.u32 @!p1 s12, $0x4  }
0x1f: {  	p2 =	sgt.s32 @!p1 s12, $0x7F;
	s12 =	ssub.s32 @!p1 $0x800, s13  }
0x20: {  	s14 =	sadd.s32 $0x1000, s10;
	p2 =	por !p2, p1;
	s12 =	sshrl.u32 @!p1 s12, $0x2  }
0x21: {  	s12 =	simm.s32 @!p2 $0x0;
	p2 =	sgt.s32 s14, $0x30D3FF  }
0x22: {  	s14 =	smov.u32 @p2 s3;
	p2 =	sne.s32 s11, s7  }
.Ltmp1:
0x23: {  	_ = 	snop;
	(pc) =	sbr.rel @!p2 .LBB1_6-.Ltmp1, $4  }
0x24: {  	s13 =	simm.s32 @!p1 $0x2  }
0x25: {  	p0 =	por !p0, !p0;
	_ =	swait.ge @!p1 [sflag:s13], s12;
	s15 =	ssub.s32 @!p1 $0x0, s12  }
0x26: {  	s12 =	smov.u32 s9;
	s11 =	sadd.s32 $0x1, s11;
	[sflag:s13] =	ssyncset.done @!p1 $0x0  }
0x27: {  	s9 =	smov.u32 s10;
	s10 =	smov.u32 s14;
	[sflag:s13] =	ssyncadd.s32 @!p1 s15  }
.LBB1_1:
0x28: {  	p1 =	sge.u32 s11, s6  }
0x29: {  	s13 =	sand.u32 @!p1 $0x1FFFFFF, s10  }
0x2a: {  	s14 =	smulhi.u32 @!p1 $0x14F8B59, s13;
	_ =	sdelay $0x1  }
0x2b: {  	s14 =	sshrl.u32 @!p1 s14, $0xE  }
0x2c: {  	s14 =	smul.u32 @!p1 $0x30D400, s14;
	_ =	sdelay $0x1  }
0x2d: {  	s31 =	sadd.s32 $0xFFFFFFFF, s11;
	s15 =	sxor.u32 @!p1 $0xFFFFFFFF, s11;
	s13 =	ssub.s32 @!p1 s13, s14  }
0x2e: {  	s16 =	simm.s32 @!p1 $0x80;
	s15 =	sshll.u32 @!p1 s15, $0xC;
	s13 =	sshll.u32 @!p1 s13, $0x4  }
0x2f: {  	s14 =	sand.u32 @!p1 $0x1000, s15;
	s15 =	simm.s32 @!p1 $0x20;
	s13 =	sadd.s32 @!p1 s5, s13  }
0x30: {  	[tilespmem:s14], [sflag:$0x1] =	stream.strided.gather @!p1 [hbm4b:s13+s15], $0x1000, s16, s15, $0x38;
	[tilespmem:$0x4040] =	vst v63  }
0x31: {  	p1 =	sge.u32 s31, s6  }
.Ltmp2:
0x32: {  	_ = 	snop;
	(pc) =	sbr.rel @p1 .LBB1_5-.Ltmp2, $1  }
0x33: {  	_ =	sdelay $0x3  }
0x34: {  	s13 =	simm.s32 $0x1  }
0x35: {  	_ =	swait.ge [sflag:s4], $0x1000;
	s13 =	simm.s32 @!p0 $0x0  }
0x36: {  	[sflag:s4] =	ssyncset.done $0x0;
	s14 =	sshll.u32 s13, $0xC  }
0x37: {  	[sflag:s4] =	ssyncadd.s32 $0xFFFFF000;
	s17 =	sor.u32 $0x10, s14  }
0x38: {  	s13 =	smul.u32 $0x4080, s13;
	v1 =	vld [tilespmem:s17+$0x0]  }
0x39: {  	s30 =	sand.u32 $0x1, s11;
	v0 =	vld [tilespmem:s17+$0xFFFFFFF0]  }
0x3a: {  	s14 =	smul.u32 $0x4080, s30;
	s13 =	sshrl.u32 s13, $0x2  }
0x3b: {  	s15 =	sor.u32 $0x2000, s13  }
0x3c: {  	s31 =	sshrl.u32 s14, $0x2;
	s14 =	sadd.s32 $0x0, s15  }
0x3d: {  	s16 =	simm.s32 $0x4;
	s17 =	sadd.s32 $0x20, s17;
	s13 =	sor.u32 $0x2000, s31;
	[tilespmem:s14+$0x810 ss:$0x81] =	vst.msk $0xffff, v1  }
.LBB1_3:
0x3e: {  	v1 =	vld [tilespmem:s17+$0x0];
	p1 =	sne.s32 s16, $0x1FC;
	[tilespmem:s14+$0x0 ss:$0x81] =	vst.msk $0xffff, v0;
	s14 =	smov.u32 s16;
	s16 =	sadd.s32 $0x4, s16  }
.Ltmp3:
0x3f: {  	v0 =	vld [tilespmem:s17+$0xFFFFFFF0];
	(pc) =	sbr.rel @p1 .LBB1_3-.Ltmp3, $4  }
0x40: {  	_ = 	snop  }
0x41: {  	s14 =	sshra.s32 s14, $0x2  }
0x42: {  	s14 =	sadd.s32 s14, s15  }
0x43: {  	s17 =	sadd.s32 $0x20, s17;
	[tilespmem:s14+$0x810 ss:$0x81] =	vst.msk $0xffff, v1  }
.Ltmp4:
0x44: {  	_ = 	snop;
	(pc) =	sbr.rel .LBB1_4-.Ltmp4, $1  }
0x45: {  	_ =	sdelay $0x3  }
.LBB1_6:
0x46: {  	_ =	sfence.sel $0x180000  }
0x47: {  	s2 =	simm.s32 $0x1;
	[bflag:$0x0] =	sbarrier.arrive $0xFFFF  }
0x48: {  	s31 =	simm.s32 $0x2;
	[sflag:s2] =	ssyncpa.u1 $0x1  }
0x49: {  	[sflag:s31] =	ssyncpa.u1 $0x1  }
0x4a: {  	p0 =	sne.s32 s0, $0x0;
	_ =	strace $0x90000050  }
0x4b: {  	s0 =	sadd.s32 @!p0 $0x100000, s1;
	[bflag:$0x2] =	sbarrier.arrive $0xFFFF  }
0x4c: {  	[sflag:s0] =	ssyncadd.tile.s32 @!p0 $0x1;
	_ =	shalt  }
.Lfunc_end1:
_tile_overlayer_lowered:
.L_overlay_start_2:
0x4d: {  	(tag) =	ssettag $0x2  }
0x4e: {  	s0 =	rddreg [dreg:$0x0];
	s2 =	stileid.u32  }
0x4f: {  	s1 =	rddreg [dreg:$0x1];
	p0 =	sne.s32 s2, $0x0  }
0x50: {  	s3 =	rddreg [dreg:$0x2];
	[bflag:$0x3] =	sbarrier.arrive $0xFFFF;
	s2 =	simm.s32 @!p0 $0x1C01  }
0x51: {  	[timem:s3], [sflag:s2] =	dma.local @!p0 [hbm:s0], s1  }
0x52: {  	s0 =	simm.s32 @!p0 $0x1  }
0x53: {  	_ =	swait.ge @!p0 [sflag:s0], s1  }
0x54: {  	s1 =	ssub.s32 @!p0 $0x0, s1;
	[sflag:s0] =	ssyncset.done @!p0 $0x0  }
0x55: {  	[sflag:s0] =	ssyncadd.s32 @!p0 s1  }
0x56: {  	[bflag:$0x3] =	sbarrier.arrive $0xFFFF  }
0x57: {  	_ =	shalt  }

// kernel: sparse-core-data-format-call.4.cloned.1.call-start
scs
called_computation.4_lowered:
.L_overlay_start_0:
0x0: {  	s2 =	sld [smem:$0x3FD9]  }
0x1: {  	s3 =	sld [smem:$0x3FFE];
	_ =	sdelay $0x1  }
0x2: {  	s1 =	srdreg.scid  }
0x3: {  	s0 =	sand.u32 $0x1, s1  }
0x4: {  	s16 =	sshll.u32 s0, $0xA;
	s2 =	sadd.s32 s3, s2  }
0x5: {  	s2 =	sadd.s32 s2, s16  }
0x6: {  	[smem:$0x3FC2] =	sst s2  }
0x7: {  	_ = 	snop  }
0x8: {  	s2 =	sld [smem:$0x3FD0];
	_ =	sdelay $0x2  }
0x9: {  	s17 =	simm.s32 $0xE;
	s4 =	simm.s32 $0x10  }
0xa: {  	[smem:s4], [sflag:s17] =	dma.local [hbm:s2], $0x1  }
0xb: {  	_ =	swait.eq [sflag:s17], $0x1  }
0xc: {  	[sflag:s17] =	ssyncset.done $0x0  }
0xd: {  	[sflag:s17] =	ssyncadd.s32 $0xFFFFFFFF  }
0xe: {  	s18 =	sld [smem:$0x10];
	(tm) =	ssettm $0x1  }
0xf: {  	s19 =	sld [smem:$0x3FFB];
	_ =	sdelay $0x3  }
0x10: {  	_ =	strace s19  }
0x11: {  	s2 =	sld [smem:$0x3FFC];
	_ =	sdelay $0x3  }
0x12: {  	_ =	strace s2  }
0x13: {  	s2 =	sld [smem:$0x3FFD];
	_ =	sdelay $0x3  }
0x14: {  	_ =	strace s2  }
0x15: {  	_ =	strace $0x8FFFFFFF  }
0x16: {  	s20 =	sld [smem:$0x3FDB];
	_ =	sdelay $0x1  }
0x17: {  	s21 =	simm.s32 $_scs_section_size  }
0x18: {  	s5 =	simm.s32 $_size__tile_overlayer_lowered;
	s6 =	simm.s32 $_tile_overlayer_lowered  }
0x19: {  	s7 =	simm.s32 $0x1BFF;
	s22 =	sshll.u32 s6, $0x1;
	s4 =	sadd.s32 s21, s20  }
0x1a: {  	s23 =	simm.s32 $0x0;
	s5 =	sshll.u32 s5, $0x1;
	s6 =	sadd.s32 s22, s4  }
0x1b: {  	[timem:s23], [sflag:s7] =	dma.local [hbm:s6], s5  }
0x1c: {  	_ =	swait.ge [sflag:s7], s5  }
0x1d: {  	s5 =	ssub.s32 $0x0, s5;
	[sflag:s7] =	ssyncset.done $0x0  }
0x1e: {  	[sflag:s7] =	ssyncadd.s32 s5;
	_ =	sdelay $0x1  }
0x1f: {  	s24 =	simm.s32 $0x1B8B  }
0x20: {  	_ =	swait.ge [sflag:s24], $0x1  }
0x21: {  	[sflag:s24] =	ssyncset.done $0x0  }
0x22: {  	[sflag:s24] =	ssyncadd.s32 $0xFFFFFFFF  }
0x23: {  	s5 =	sld [smem:$0x0]  }
0x24: {  	s6 =	sand.u32 $0xFFFFFFFE, s1  }
0x25: {  	p0 =	sne.s32 s1, s6  }
0x26: {  	s6 =	sshll.u32 @p0 s6, $0xE  }
0x27: {  	s6 =	sadd.s32 @p0 $0x11B8D, s6;
	s7 =	sshll.u32 @p0 s5, $0x11  }
0x28: {  	s6 =	sor.u32 @p0 s7, s6  }
0x29: {  	[sflag:s6] =	ssyncadd.remote.s32 @p0 $0x1;
	_ =	sdelay $0x1  }
0x2a: {  	s6 =	simm.s32 @p0 $0x1B8D  }
0x2b: {  	_ =	swait.eq @p0 [sflag:s6], $0x1  }
0x2c: {  	[sflag:s6] =	ssyncadd.s32 @p0 $0xFFFFFFFF  }
0x2d: {  	s7 =	sshll.u32 @!p0 s1, $0xE  }
0x2e: {  	s7 =	sor.u32 @!p0 $0x4000, s7;
	s6 =	simm.s32 @!p0 $0x1B8D  }
0x2f: {  	s5 =	sshll.u32 @!p0 s5, $0x11;
	s7 =	sadd.s32 @!p0 $0x11B8D, s7;
	_ =	swait.eq @!p0 [sflag:s6], $0x1  }
0x30: {  	s5 =	sor.u32 @!p0 s5, s7;
	[sflag:s6] =	ssyncadd.s32 @!p0 $0xFFFFFFFF  }
0x31: {  	s26 =	simm.s32 $0x1B8E;
	s25 =	sld [smem:$0x3FFE];
	[sflag:s5] =	ssyncadd.remote.s32 @!p0 $0x1  }
0x32: {  	s27 =	simm.s32 $execute0_lowered;
	[smem:$0x3FD2] =	sst s26  }
0x33: {  	s6 =	sshll.u32 s27, $0x1;
	_ =	strace $0x8000005B;
	[dreg:$0x1] =	wrdreg $0xFFFFFFFF  }
0x34: {  	s28 =	simm.s32 $_size_execute0_lowered;
	s4 =	sadd.s32 s4, s6;
	[dreg:$0x0] =	wrdreg $0x0  }
0x35: {  	s6 =	sshll.u32 s28, $0x1;
	[dreg:$0x2] =	wrdreg s4  }
0x36: {  	[dreg:$0x3] =	wrdreg s6  }
0x37: {  	[dreg:$0x4] =	wrdreg $0xC0  }
0x38: {  	_ =	task [dreg:s23], $0x5FFFF  }
0x39: {  	[dreg:$0x1] =	wrdreg $0xFFFFFFFF  }
0x3a: {  	[dreg:$0x0] =	wrdreg $0x60  }
0x3b: {  	[dreg:$0x2] =	wrdreg s25  }
0x3c: {  	[dreg:$0x3] =	wrdreg s18  }
0x3d: {  	[dreg:$0x4] =	wrdreg $0xD  }
0x3e: {  	_ =	task.clear_ibuf [dreg:s23], $0x5FFFF;
	_ =	strace $0x9000005B  }
0x3f: {  	s29 =	simm.s32 $0xD;
	_ =	strace $0x8000005D  }
0x40: {  	_ =	swait.ge [sflag:s29], $0x1  }
0x41: {  	[sflag:s29] =	ssyncadd.s32 $0xFFFFFFFF  }
0x42: {  	_ =	strace $0x9000005D  }
0x43: {  	_ =	sfence  }
0x44: {  	s30 =	sld [smem:$0x0];
	_ =	sdelay $0x2  }
0x45: {  	s31 =	sshll.u32 s1, $0xD;
	s1 =	sshrl.u32 s1, $0x2  }
0x46: {  	s4 =	sand.u32 $0x4000, s31;
	s1 =	sadd.s32 s1, s30  }
0x47: {  	s0 =	sor.u32 s4, s0;
	s1 =	sshll.u32 s1, $0x11  }
0x48: {  	s0 =	sor.u32 s1, s0  }
0x49: {  	s0 =	sadd.s32 $0x8F2B, s0  }
0x4a: {  	[sflag:s0] =	ssyncadd.remote.s32 $0x1  }
0x4b: {  	_ =	sfence.sel $0xFFFF  }
0x4c: {  	[dreg:$0x0] =	wrdreg $0xFFFFFFFF;
	(pc) =	sbr.abs _section_cstart, $3  }
0x4d: {  	[dreg:$0x1] =	wrdreg $0xFFFFFFFF  }
0x4e: {  	_ =	task.clear_ibuf [dreg:s23], $0x2FFFF;
	_ =	strace $0x9FFFFFFF  }
0x4f: {  	(tm) =	ssettm $0x7FFFFFFF  }
tec
execute0_lowered:
.L_overlay_start_1:
0x0: {  	(tag) =	ssettag $0x1  }
0x1: {  	s0 =	srdreg.scid  }
0x2: {  	s5 =	rddreg [dreg:$0x0];
	s1 =	sshll.u32 s0, $0x4  }
0x3: {  	s2 =	rddreg [dreg:$0x1];
	s0 =	stileid.u32;
	s1 =	sand.u32 $0x10, s1  }
0x4: {  	s4 =	simm.s32 $0x1;
	s8 =	simm.s32 $0x2;
	s1 =	sor.u32 s0, s1  }
0x5: {  	s12 =	simm.s32 $0x0;
	s9 =	simm.s32 $0x0;
	s3 =	sshll.u32 s1, $0x7  }
0x6: {  	s11 =	simm.s32 $0x0;
	s5 =	sadd.s32 $0xCC93200, s5;
	s6 =	ssub.s32 $0x30D400, s3  }
.Ltmp0:
0x7: {  	s1 =	rddreg [dreg:$0x2];
	s7 =	sand.u32 $0xF80, s6;
	(pc) =	sbr.rel .LBB1_1-.Ltmp0, $4  }
0x8: {  	_ =	strace $0x8000005C;
	p0 =	sne.s32 s7, $0x0;
	s7 =	simm.s32 $0x1  }
0x9: {  	[sflag:s4] =	ssyncpa.u1 $0x0;
	s6 =	sshrl.u32 s6, $0xC;
	s7 =	simm.s32 @!p0 $0x0  }
0xa: {  	s10 =	smov.u32 s3;
	[sflag:s8] =	ssyncpa.u1 $0x0;
	s6 =	sadd.s32 s7, s6  }
0xb: {  	s8 =	simm.s32 $0xC35000;
	p0 =	por $0x0, $0x0;
	s7 =	sadd.s32 $0x1, s6  }
.LBB1_4:
0xc: {  	s15 =	sshll.u32 s9, $0x2  }
0xd: {  	p1 =	sgt.s32 s9, $0x30D380;
	s16 =	sshrl.u32 s15, $0xA  }
0xe: {  	s17 =	smov.u32 s9;
	s18 =	sshra.s32 s9, $0x1F;
	s16 =	smulhi.u32 $0x53E2D7, s16  }
0xf: {  	s19 =	sand.u32 $0x7F, s9;
	s17 =	simm.s32 @!p1 $0x30D380;
	s18 =	sand.u32 s18, s9  }
0x10: {  	s15 =	sand.u32 $0xFFFFFE00, s15;
	s17 =	ssub.s32 s17, s18;
	s16 =	sshrl.u32 s16, $0x2  }
0x11: {  	s17 =	sadd.s32 $0xFFCF2C80, s17;
	s26 =	smul.u32 $0x30D400, s16  }
0x12: {  	s15 =	sor.u32 s19, s15;
	s27 =	sshll.u32 s17, $0x4;
	s16 =	sand.u32 $0x3, s16  }
0x13: {  	s28 =	ssub.s32 $0x800, s27;
	s16 =	smul.u32 $0x61A80, s16;
	s15 =	ssub.s32 s15, s26  }
0x14: {  	p1 =	sgt.s32 s17, $0x7F;
	s17 =	sshrl.u32 s28, $0x2;
	s29 =	sand.u32 $0x7, s15  }
0x15: {  	s15 =	sshrl.u32 s15, $0x3;
	s16 =	sadd.s32 s2, s16;
	s18 =	sshll.u32 s29, $0x12  }
0x16: {  	[tilespmem:s14+$0x0 ss:$0x81] =	vst.msk $0xffff, v0;
	s17 =	simm.s32 @p1 $0x0;
	s30 =	sadd.s32 s15, s16;
	s31 =	sor.u32 $0x200, s18  }
0x17: {  	[hbm4b:s30+s31] =	stream.strided.scatter [tilespmem:s13], [sflag:$0x2], s17, s8, s31, $0x20;
	[tilespmem:$0x4040] =	vst v63  }
.LBB1_5:
0x18: {  	p1 =	slt.u32 s11, $0x2  }
0x19: {  	p2 =	sgt.s32 @!p1 s12, $0x30D380  }
0x1a: {  	s13 =	smov.u32 s12;
	s14 =	sshra.s32 @!p1 s12, $0x1F;
	p2 =	por !p2, p1  }
0x1b: {  	s12 =	sand.u32 @!p1 s14, s12;
	s13 =	simm.s32 @p2 $0x30D380  }
0x1c: {  	s12 =	ssub.s32 @!p1 s13, s12  }
0x1d: {  	s12 =	sadd.s32 @!p1 $0xFFCF2C80, s12  }
0x1e: {  	s13 =	sshll.u32 @!p1 s12, $0x4  }
0x1f: {  	p2 =	sgt.s32 @!p1 s12, $0x7F;
	s12 =	ssub.s32 @!p1 $0x800, s13  }
0x20: {  	s14 =	sadd.s32 $0x1000, s10;
	p2 =	por !p2, p1;
	s12 =	sshrl.u32 @!p1 s12, $0x2  }
0x21: {  	s12 =	simm.s32 @!p2 $0x0;
	p2 =	sgt.s32 s14, $0x30D3FF  }
0x22: {  	s14 =	smov.u32 @p2 s3;
	p2 =	sne.s32 s11, s7  }
.Ltmp1:
0x23: {  	_ = 	snop;
	(pc) =	sbr.rel @!p2 .LBB1_6-.Ltmp1, $4  }
0x24: {  	s13 =	simm.s32 @!p1 $0x2  }
0x25: {  	p0 =	por !p0, !p0;
	_ =	swait.ge @!p1 [sflag:s13], s12;
	s15 =	ssub.s32 @!p1 $0x0, s12  }
0x26: {  	s12 =	smov.u32 s9;
	s11 =	sadd.s32 $0x1, s11;
	[sflag:s13] =	ssyncset.done @!p1 $0x0  }
0x27: {  	s9 =	smov.u32 s10;
	s10 =	smov.u32 s14;
	[sflag:s13] =	ssyncadd.s32 @!p1 s15  }
.LBB1_1:
0x28: {  	p1 =	sge.u32 s11, s6  }
0x29: {  	s13 =	sand.u32 @!p1 $0x1FFFFFF, s10  }
0x2a: {  	s14 =	smulhi.u32 @!p1 $0x14F8B59, s13;
	_ =	sdelay $0x1  }
0x2b: {  	s14 =	sshrl.u32 @!p1 s14, $0xE  }
0x2c: {  	s14 =	smul.u32 @!p1 $0x30D400, s14;
	_ =	sdelay $0x1  }
0x2d: {  	s31 =	sadd.s32 $0xFFFFFFFF, s11;
	s15 =	sxor.u32 @!p1 $0xFFFFFFFF, s11;
	s13 =	ssub.s32 @!p1 s13, s14  }
0x2e: {  	s16 =	simm.s32 @!p1 $0x80;
	s15 =	sshll.u32 @!p1 s15, $0xC;
	s13 =	sshll.u32 @!p1 s13, $0x4  }
0x2f: {  	s14 =	sand.u32 @!p1 $0x1000, s15;
	s15 =	simm.s32 @!p1 $0x20;
	s13 =	sadd.s32 @!p1 s5, s13  }
0x30: {  	[tilespmem:s14], [sflag:$0x1] =	stream.strided.gather @!p1 [hbm4b:s13+s15], $0x1000, s16, s15, $0x38;
	[tilespmem:$0x4040] =	vst v63  }
0x31: {  	p1 =	sge.u32 s31, s6  }
.Ltmp2:
0x32: {  	_ = 	snop;
	(pc) =	sbr.rel @p1 .LBB1_5-.Ltmp2, $1  }
0x33: {  	_ =	sdelay $0x3  }
0x34: {  	s13 =	simm.s32 $0x1  }
0x35: {  	_ =	swait.ge [sflag:s4], $0x1000;
	s13 =	simm.s32 @!p0 $0x0  }
0x36: {  	[sflag:s4] =	ssyncset.done $0x0;
	s14 =	sshll.u32 s13, $0xC  }
0x37: {  	[sflag:s4] =	ssyncadd.s32 $0xFFFFF000;
	s17 =	sor.u32 $0x10, s14  }
0x38: {  	s13 =	smul.u32 $0x4080, s13;
	v1 =	vld [tilespmem:s17+$0x0]  }
0x39: {  	s30 =	sand.u32 $0x1, s11;
	v0 =	vld [tilespmem:s17+$0xFFFFFFF0]  }
0x3a: {  	s14 =	smul.u32 $0x4080, s30;
	s13 =	sshrl.u32 s13, $0x2  }
0x3b: {  	s15 =	sor.u32 $0x2000, s13  }
0x3c: {  	s31 =	sshrl.u32 s14, $0x2;
	s14 =	sadd.s32 $0x0, s15  }
0x3d: {  	s16 =	simm.s32 $0x4;
	s17 =	sadd.s32 $0x20, s17;
	s13 =	sor.u32 $0x2000, s31;
	[tilespmem:s14+$0x810 ss:$0x81] =	vst.msk $0xffff, v1  }
.LBB1_3:
0x3e: {  	v1 =	vld [tilespmem:s17+$0x0];
	p1 =	sne.s32 s16, $0x1FC;
	[tilespmem:s14+$0x0 ss:$0x81] =	vst.msk $0xffff, v0;
	s14 =	smov.u32 s16;
	s16 =	sadd.s32 $0x4, s16  }
.Ltmp3:
0x3f: {  	v0 =	vld [tilespmem:s17+$0xFFFFFFF0];
	(pc) =	sbr.rel @p1 .LBB1_3-.Ltmp3, $4  }
0x40: {  	_ = 	snop  }
0x41: {  	s14 =	sshra.s32 s14, $0x2  }
0x42: {  	s14 =	sadd.s32 s14, s15  }
0x43: {  	s17 =	sadd.s32 $0x20, s17;
	[tilespmem:s14+$0x810 ss:$0x81] =	vst.msk $0xffff, v1  }
.Ltmp4:
0x44: {  	_ = 	snop;
	(pc) =	sbr.rel .LBB1_4-.Ltmp4, $1  }
0x45: {  	_ =	sdelay $0x3  }
.LBB1_6:
0x46: {  	_ =	sfence.sel $0x180000  }
0x47: {  	s2 =	simm.s32 $0x1;
	[bflag:$0x0] =	sbarrier.arrive $0xFFFF  }
0x48: {  	s31 =	simm.s32 $0x2;
	[sflag:s2] =	ssyncpa.u1 $0x1  }
0x49: {  	[sflag:s31] =	ssyncpa.u1 $0x1  }
0x4a: {  	p0 =	sne.s32 s0, $0x0;
	_ =	strace $0x9000005C  }
0x4b: {  	s0 =	sadd.s32 @!p0 $0x100000, s1;
	[bflag:$0x2] =	sbarrier.arrive $0xFFFF  }
0x4c: {  	[sflag:s0] =	ssyncadd.tile.s32 @!p0 $0x1;
	_ =	shalt  }
.Lfunc_end1:
_tile_overlayer_lowered:
.L_overlay_start_2:
0x4d: {  	(tag) =	ssettag $0x2  }
0x4e: {  	s0 =	rddreg [dreg:$0x0];
	s2 =	stileid.u32  }
0x4f: {  	s1 =	rddreg [dreg:$0x1];
	p0 =	sne.s32 s2, $0x0  }
0x50: {  	s3 =	rddreg [dreg:$0x2];
	[bflag:$0x3] =	sbarrier.arrive $0xFFFF;
	s2 =	simm.s32 @!p0 $0x1C01  }
0x51: {  	[timem:s3], [sflag:s2] =	dma.local @!p0 [hbm:s0], s1  }
0x52: {  	s0 =	simm.s32 @!p0 $0x1  }
0x53: {  	_ =	swait.ge @!p0 [sflag:s0], s1  }
0x54: {  	s1 =	ssub.s32 @!p0 $0x0, s1;
	[sflag:s0] =	ssyncset.done @!p0 $0x0  }
0x55: {  	[sflag:s0] =	ssyncadd.s32 @!p0 s1  }
0x56: {  	[bflag:$0x3] =	sbarrier.arrive $0xFFFF  }
0x57: {  	_ =	shalt  }

// kernel: sparse-core-data-format-call.cloned.1.call-start
scs
called_computation_lowered:
.L_overlay_start_0:
0x0: {  	s2 =	sld [smem:$0x3FD9]  }
0x1: {  	s3 =	sld [smem:$0x3FFE];
	_ =	sdelay $0x1  }
0x2: {  	s1 =	srdreg.scid  }
0x3: {  	s0 =	sand.u32 $0x1, s1  }
0x4: {  	s16 =	sshll.u32 s0, $0xA;
	s2 =	sadd.s32 s3, s2  }
0x5: {  	s2 =	sadd.s32 s2, s16  }
0x6: {  	[smem:$0x3FC2] =	sst s2  }
0x7: {  	_ = 	snop  }
0x8: {  	s2 =	sld [smem:$0x3FD0];
	_ =	sdelay $0x2  }
0x9: {  	s17 =	simm.s32 $0xE;
	s4 =	simm.s32 $0x10  }
0xa: {  	[smem:s4], [sflag:s17] =	dma.local [hbm:s2], $0x1  }
0xb: {  	_ =	swait.eq [sflag:s17], $0x1  }
0xc: {  	[sflag:s17] =	ssyncset.done $0x0  }
0xd: {  	[sflag:s17] =	ssyncadd.s32 $0xFFFFFFFF  }
0xe: {  	s18 =	sld [smem:$0x14];
	(tm) =	ssettm $0x1  }
0xf: {  	s19 =	sld [smem:$0x3FFB];
	_ =	sdelay $0x3  }
0x10: {  	_ =	strace s19  }
0x11: {  	s2 =	sld [smem:$0x3FFC];
	_ =	sdelay $0x3  }
0x12: {  	_ =	strace s2  }
0x13: {  	s2 =	sld [smem:$0x3FFD];
	_ =	sdelay $0x3  }
0x14: {  	_ =	strace s2  }
0x15: {  	_ =	strace $0x8FFFFFFF  }
0x16: {  	s20 =	sld [smem:$0x3FDB];
	_ =	sdelay $0x1  }
0x17: {  	s21 =	simm.s32 $_scs_section_size  }
0x18: {  	s5 =	simm.s32 $_size__tile_overlayer_lowered;
	s6 =	simm.s32 $_tile_overlayer_lowered  }
0x19: {  	s7 =	simm.s32 $0x1BFF;
	s22 =	sshll.u32 s6, $0x1;
	s4 =	sadd.s32 s21, s20  }
0x1a: {  	s23 =	simm.s32 $0x0;
	s5 =	sshll.u32 s5, $0x1;
	s6 =	sadd.s32 s22, s4  }
0x1b: {  	[timem:s23], [sflag:s7] =	dma.local [hbm:s6], s5  }
0x1c: {  	_ =	swait.ge [sflag:s7], s5  }
0x1d: {  	s5 =	ssub.s32 $0x0, s5;
	[sflag:s7] =	ssyncset.done $0x0  }
0x1e: {  	[sflag:s7] =	ssyncadd.s32 s5;
	_ =	sdelay $0x1  }
0x1f: {  	s24 =	simm.s32 $0x1B8B  }
0x20: {  	_ =	swait.ge [sflag:s24], $0x1  }
0x21: {  	[sflag:s24] =	ssyncset.done $0x0  }
0x22: {  	[sflag:s24] =	ssyncadd.s32 $0xFFFFFFFF  }
0x23: {  	s5 =	sld [smem:$0x0]  }
0x24: {  	s6 =	sand.u32 $0xFFFFFFFE, s1  }
0x25: {  	p0 =	sne.s32 s1, s6  }
0x26: {  	s6 =	sshll.u32 @p0 s6, $0xE  }
0x27: {  	s6 =	sadd.s32 @p0 $0x11B8D, s6;
	s7 =	sshll.u32 @p0 s5, $0x11  }
0x28: {  	s6 =	sor.u32 @p0 s7, s6  }
0x29: {  	[sflag:s6] =	ssyncadd.remote.s32 @p0 $0x1;
	_ =	sdelay $0x1  }
0x2a: {  	s6 =	simm.s32 @p0 $0x1B8D  }
0x2b: {  	_ =	swait.eq @p0 [sflag:s6], $0x1  }
0x2c: {  	[sflag:s6] =	ssyncadd.s32 @p0 $0xFFFFFFFF  }
0x2d: {  	s7 =	sshll.u32 @!p0 s1, $0xE  }
0x2e: {  	s7 =	sor.u32 @!p0 $0x4000, s7;
	s6 =	simm.s32 @!p0 $0x1B8D  }
0x2f: {  	s5 =	sshll.u32 @!p0 s5, $0x11;
	s7 =	sadd.s32 @!p0 $0x11B8D, s7;
	_ =	swait.eq @!p0 [sflag:s6], $0x1  }
0x30: {  	s5 =	sor.u32 @!p0 s5, s7;
	[sflag:s6] =	ssyncadd.s32 @!p0 $0xFFFFFFFF  }
0x31: {  	s26 =	simm.s32 $0x1B8E;
	s25 =	sld [smem:$0x3FFE];
	[sflag:s5] =	ssyncadd.remote.s32 @!p0 $0x1  }
0x32: {  	s27 =	simm.s32 $execute0_lowered;
	[smem:$0x3FD2] =	sst s26  }
0x33: {  	s6 =	sshll.u32 s27, $0x1;
	_ =	strace $0x80000058;
	[dreg:$0x1] =	wrdreg $0xFFFFFFFF  }
0x34: {  	s28 =	simm.s32 $_size_execute0_lowered;
	s4 =	sadd.s32 s4, s6;
	[dreg:$0x0] =	wrdreg $0x0  }
0x35: {  	s6 =	sshll.u32 s28, $0x1;
	[dreg:$0x2] =	wrdreg s4  }
0x36: {  	[dreg:$0x3] =	wrdreg s6  }
0x37: {  	[dreg:$0x4] =	wrdreg $0xC0  }
0x38: {  	_ =	task [dreg:s23], $0x5FFFF  }
0x39: {  	[dreg:$0x1] =	wrdreg $0xFFFFFFFF  }
0x3a: {  	[dreg:$0x0] =	wrdreg $0x60  }
0x3b: {  	[dreg:$0x2] =	wrdreg s25  }
0x3c: {  	[dreg:$0x3] =	wrdreg s18  }
0x3d: {  	[dreg:$0x4] =	wrdreg $0x9  }
0x3e: {  	_ =	task.clear_ibuf [dreg:s23], $0x5FFFF;
	_ =	strace $0x90000058  }
0x3f: {  	s29 =	simm.s32 $0x9;
	_ =	strace $0x8000005A  }
0x40: {  	_ =	swait.ge [sflag:s29], $0x1  }
0x41: {  	[sflag:s29] =	ssyncadd.s32 $0xFFFFFFFF  }
0x42: {  	_ =	strace $0x9000005A  }
0x43: {  	_ =	sfence  }
0x44: {  	s30 =	sld [smem:$0x0];
	_ =	sdelay $0x2  }
0x45: {  	s31 =	sshll.u32 s1, $0xD;
	s1 =	sshrl.u32 s1, $0x2  }
0x46: {  	s4 =	sand.u32 $0x4000, s31;
	s1 =	sadd.s32 s1, s30  }
0x47: {  	s0 =	sor.u32 s4, s0;
	s1 =	sshll.u32 s1, $0x11  }
0x48: {  	s0 =	sor.u32 s1, s0  }
0x49: {  	s0 =	sadd.s32 $0x8F2B, s0  }
0x4a: {  	[sflag:s0] =	ssyncadd.remote.s32 $0x1  }
0x4b: {  	_ =	sfence.sel $0xFFFF  }
0x4c: {  	[dreg:$0x0] =	wrdreg $0xFFFFFFFF;
	(pc) =	sbr.abs _section_cstart, $3  }
0x4d: {  	[dreg:$0x1] =	wrdreg $0xFFFFFFFF  }
0x4e: {  	_ =	task.clear_ibuf [dreg:s23], $0x2FFFF;
	_ =	strace $0x9FFFFFFF  }
0x4f: {  	(tm) =	ssettm $0x7FFFFFFF  }
tec
execute0_lowered:
.L_overlay_start_1:
0x0: {  	(tag) =	ssettag $0x1  }
0x1: {  	s0 =	srdreg.scid  }
0x2: {  	s5 =	rddreg [dreg:$0x0];
	s1 =	sshll.u32 s0, $0x4  }
0x3: {  	s2 =	rddreg [dreg:$0x1];
	s0 =	stileid.u32;
	s1 =	sand.u32 $0x10, s1  }
0x4: {  	s4 =	simm.s32 $0x1;
	s8 =	simm.s32 $0x2;
	s1 =	sor.u32 s0, s1  }
0x5: {  	s12 =	simm.s32 $0x0;
	s9 =	simm.s32 $0x0;
	s3 =	sshll.u32 s1, $0x7  }
0x6: {  	s11 =	simm.s32 $0x0;
	s5 =	sadd.s32 $0x9BBF200, s5;
	s6 =	ssub.s32 $0x30D400, s3  }
.Ltmp0:
0x7: {  	s1 =	rddreg [dreg:$0x2];
	s7 =	sand.u32 $0xF80, s6;
	(pc) =	sbr.rel .LBB1_1-.Ltmp0, $4  }
0x8: {  	_ =	strace $0x80000059;
	p0 =	sne.s32 s7, $0x0;
	s7 =	simm.s32 $0x1  }
0x9: {  	[sflag:s4] =	ssyncpa.u1 $0x0;
	s6 =	sshrl.u32 s6, $0xC;
	s7 =	simm.s32 @!p0 $0x0  }
0xa: {  	s10 =	smov.u32 s3;
	[sflag:s8] =	ssyncpa.u1 $0x0;
	s6 =	sadd.s32 s7, s6  }
0xb: {  	s8 =	simm.s32 $0xC35000;
	p0 =	por $0x0, $0x0;
	s7 =	sadd.s32 $0x1, s6  }
.LBB1_4:
0xc: {  	s15 =	sshll.u32 s9, $0x2  }
0xd: {  	p1 =	sgt.s32 s9, $0x30D380;
	s16 =	sshrl.u32 s15, $0xA  }
0xe: {  	s17 =	smov.u32 s9;
	s18 =	sshra.s32 s9, $0x1F;
	s16 =	smulhi.u32 $0x53E2D7, s16  }
0xf: {  	s19 =	sand.u32 $0x7F, s9;
	s17 =	simm.s32 @!p1 $0x30D380;
	s18 =	sand.u32 s18, s9  }
0x10: {  	s15 =	sand.u32 $0xFFFFFE00, s15;
	s17 =	ssub.s32 s17, s18;
	s16 =	sshrl.u32 s16, $0x2  }
0x11: {  	s17 =	sadd.s32 $0xFFCF2C80, s17;
	s26 =	smul.u32 $0x30D400, s16  }
0x12: {  	s15 =	sor.u32 s19, s15;
	s27 =	sshll.u32 s17, $0x4;
	s16 =	sand.u32 $0x3, s16  }
0x13: {  	s28 =	ssub.s32 $0x800, s27;
	s16 =	smul.u32 $0x61A80, s16;
	s15 =	ssub.s32 s15, s26  }
0x14: {  	p1 =	sgt.s32 s17, $0x7F;
	s17 =	sshrl.u32 s28, $0x2;
	s29 =	sand.u32 $0x7, s15  }
0x15: {  	s15 =	sshrl.u32 s15, $0x3;
	s16 =	sadd.s32 s2, s16;
	s18 =	sshll.u32 s29, $0x12  }
0x16: {  	[tilespmem:s14+$0x0 ss:$0x81] =	vst.msk $0xffff, v0;
	s17 =	simm.s32 @p1 $0x0;
	s30 =	sadd.s32 s15, s16;
	s31 =	sor.u32 $0x200, s18  }
0x17: {  	[hbm4b:s30+s31] =	stream.strided.scatter [tilespmem:s13], [sflag:$0x2], s17, s8, s31, $0x20;
	[tilespmem:$0x4040] =	vst v63  }
.LBB1_5:
0x18: {  	p1 =	slt.u32 s11, $0x2  }
0x19: {  	p2 =	sgt.s32 @!p1 s12, $0x30D380  }
0x1a: {  	s13 =	smov.u32 s12;
	s14 =	sshra.s32 @!p1 s12, $0x1F;
	p2 =	por !p2, p1  }
0x1b: {  	s12 =	sand.u32 @!p1 s14, s12;
	s13 =	simm.s32 @p2 $0x30D380  }
0x1c: {  	s12 =	ssub.s32 @!p1 s13, s12  }
0x1d: {  	s12 =	sadd.s32 @!p1 $0xFFCF2C80, s12  }
0x1e: {  	s13 =	sshll.u32 @!p1 s12, $0x4  }
0x1f: {  	p2 =	sgt.s32 @!p1 s12, $0x7F;
	s12 =	ssub.s32 @!p1 $0x800, s13  }
0x20: {  	s14 =	sadd.s32 $0x1000, s10;
	p2 =	por !p2, p1;
	s12 =	sshrl.u32 @!p1 s12, $0x2  }
0x21: {  	s12 =	simm.s32 @!p2 $0x0;
	p2 =	sgt.s32 s14, $0x30D3FF  }
0x22: {  	s14 =	smov.u32 @p2 s3;
	p2 =	sne.s32 s11, s7  }
.Ltmp1:
0x23: {  	_ = 	snop;
	(pc) =	sbr.rel @!p2 .LBB1_6-.Ltmp1, $4  }
0x24: {  	s13 =	simm.s32 @!p1 $0x2  }
0x25: {  	p0 =	por !p0, !p0;
	_ =	swait.ge @!p1 [sflag:s13], s12;
	s15 =	ssub.s32 @!p1 $0x0, s12  }
0x26: {  	s12 =	smov.u32 s9;
	s11 =	sadd.s32 $0x1, s11;
	[sflag:s13] =	ssyncset.done @!p1 $0x0  }
0x27: {  	s9 =	smov.u32 s10;
	s10 =	smov.u32 s14;
	[sflag:s13] =	ssyncadd.s32 @!p1 s15  }
.LBB1_1:
0x28: {  	p1 =	sge.u32 s11, s6  }
0x29: {  	s13 =	sand.u32 @!p1 $0x1FFFFFF, s10  }
0x2a: {  	s14 =	smulhi.u32 @!p1 $0x14F8B59, s13;
	_ =	sdelay $0x1  }
0x2b: {  	s14 =	sshrl.u32 @!p1 s14, $0xE  }
0x2c: {  	s14 =	smul.u32 @!p1 $0x30D400, s14;
	_ =	sdelay $0x1  }
0x2d: {  	s31 =	sadd.s32 $0xFFFFFFFF, s11;
	s15 =	sxor.u32 @!p1 $0xFFFFFFFF, s11;
	s13 =	ssub.s32 @!p1 s13, s14  }
0x2e: {  	s16 =	simm.s32 @!p1 $0x80;
	s15 =	sshll.u32 @!p1 s15, $0xC;
	s13 =	sshll.u32 @!p1 s13, $0x4  }
0x2f: {  	s14 =	sand.u32 @!p1 $0x1000, s15;
	s15 =	simm.s32 @!p1 $0x20;
	s13 =	sadd.s32 @!p1 s5, s13  }
0x30: {  	[tilespmem:s14], [sflag:$0x1] =	stream.strided.gather @!p1 [hbm4b:s13+s15], $0x1000, s16, s15, $0x38;
	[tilespmem:$0x4040] =	vst v63  }
0x31: {  	p1 =	sge.u32 s31, s6  }
.Ltmp2:
0x32: {  	_ = 	snop;
	(pc) =	sbr.rel @p1 .LBB1_5-.Ltmp2, $1  }
0x33: {  	_ =	sdelay $0x3  }
0x34: {  	s13 =	simm.s32 $0x1  }
0x35: {  	_ =	swait.ge [sflag:s4], $0x1000;
	s13 =	simm.s32 @!p0 $0x0  }
0x36: {  	[sflag:s4] =	ssyncset.done $0x0;
	s14 =	sshll.u32 s13, $0xC  }
0x37: {  	[sflag:s4] =	ssyncadd.s32 $0xFFFFF000;
	s17 =	sor.u32 $0x10, s14  }
0x38: {  	s13 =	smul.u32 $0x4080, s13;
	v1 =	vld [tilespmem:s17+$0x0]  }
0x39: {  	s30 =	sand.u32 $0x1, s11;
	v0 =	vld [tilespmem:s17+$0xFFFFFFF0]  }
0x3a: {  	s14 =	smul.u32 $0x4080, s30;
	s13 =	sshrl.u32 s13, $0x2  }
0x3b: {  	s15 =	sor.u32 $0x2000, s13  }
0x3c: {  	s31 =	sshrl.u32 s14, $0x2;
	s14 =	sadd.s32 $0x0, s15  }
0x3d: {  	s16 =	simm.s32 $0x4;
	s17 =	sadd.s32 $0x20, s17;
	s13 =	sor.u32 $0x2000, s31;
	[tilespmem:s14+$0x810 ss:$0x81] =	vst.msk $0xffff, v1  }
.LBB1_3:
0x3e: {  	v1 =	vld [tilespmem:s17+$0x0];
	p1 =	sne.s32 s16, $0x1FC;
	[tilespmem:s14+$0x0 ss:$0x81] =	vst.msk $0xffff, v0;
	s14 =	smov.u32 s16;
	s16 =	sadd.s32 $0x4, s16  }
.Ltmp3:
0x3f: {  	v0 =	vld [tilespmem:s17+$0xFFFFFFF0];
	(pc) =	sbr.rel @p1 .LBB1_3-.Ltmp3, $4  }
0x40: {  	_ = 	snop  }
0x41: {  	s14 =	sshra.s32 s14, $0x2  }
0x42: {  	s14 =	sadd.s32 s14, s15  }
0x43: {  	s17 =	sadd.s32 $0x20, s17;
	[tilespmem:s14+$0x810 ss:$0x81] =	vst.msk $0xffff, v1  }
.Ltmp4:
0x44: {  	_ = 	snop;
	(pc) =	sbr.rel .LBB1_4-.Ltmp4, $1  }
0x45: {  	_ =	sdelay $0x3  }
.LBB1_6:
0x46: {  	_ =	sfence.sel $0x180000  }
0x47: {  	s2 =	simm.s32 $0x1;
	[bflag:$0x0] =	sbarrier.arrive $0xFFFF  }
0x48: {  	s31 =	simm.s32 $0x2;
	[sflag:s2] =	ssyncpa.u1 $0x1  }
0x49: {  	[sflag:s31] =	ssyncpa.u1 $0x1  }
0x4a: {  	p0 =	sne.s32 s0, $0x0;
	_ =	strace $0x90000059  }
0x4b: {  	s0 =	sadd.s32 @!p0 $0x100000, s1;
	[bflag:$0x2] =	sbarrier.arrive $0xFFFF  }
0x4c: {  	[sflag:s0] =	ssyncadd.tile.s32 @!p0 $0x1;
	_ =	shalt  }
.Lfunc_end1:
_tile_overlayer_lowered:
.L_overlay_start_2:
0x4d: {  	(tag) =	ssettag $0x2  }
0x4e: {  	s0 =	rddreg [dreg:$0x0];
	s2 =	stileid.u32  }
0x4f: {  	s1 =	rddreg [dreg:$0x1];
	p0 =	sne.s32 s2, $0x0  }
0x50: {  	s3 =	rddreg [dreg:$0x2];
	[bflag:$0x3] =	sbarrier.arrive $0xFFFF;
	s2 =	simm.s32 @!p0 $0x1C01  }
0x51: {  	[timem:s3], [sflag:s2] =	dma.local @!p0 [hbm:s0], s1  }
0x52: {  	s0 =	simm.s32 @!p0 $0x1  }
0x53: {  	_ =	swait.ge @!p0 [sflag:s0], s1  }
0x54: {  	s1 =	ssub.s32 @!p0 $0x0, s1;
	[sflag:s0] =	ssyncset.done @!p0 $0x0  }
0x55: {  	[sflag:s0] =	ssyncadd.s32 @!p0 s1  }
0x56: {  	[bflag:$0x3] =	sbarrier.arrive $0xFFFF  }
0x57: {  	_ =	shalt  }

</sc_bundles>
